<compile_context>
chip_gen: v7x
topology: tpu7x:2x2x1
jax: 0.10.2.dev20260603
libtpu: 0.0.44.dev20260713+nightly
codegen_flags: <defaults>
</compile_context>

<pallas_src>
import functools

import jax
import jax.numpy as jnp
from jax import lax
from jax.experimental import pallas as pl
from jax.experimental.pallas import tpu as pltpu
from jax.experimental.pallas import tpu_sc as plsc

C = 1000
CP = 1024
TAIL0 = 896
TAILW = C - TAIL0
N = 51200
NSPLIT = 1
NH = N // NSPLIT
NC, NS, L = 2, 16, 16
NW = NC * NS
PER_W = NH // NW
GW = 32
LZW = 80
TBLK = 1024


def _vector_mesh():
    return plsc.VectorSubcoreMesh(core_axis_name="c", subcore_axis_name="s")


def _prep_body(t_ref, lz_ref, pad_ref):
    x = t_ref[...]
    m = jnp.max(x, axis=1)
    s = jnp.sum(jnp.exp(x - m[:, None]), axis=1)
    lz_ref[...] = m + jnp.log(s)
    pad_ref[...] = jnp.concatenate(
        [x, jnp.zeros((C, CP - C), jnp.float32)], axis=1)


def _prep(table):
    return pl.pallas_call(
        _prep_body,
        out_shape=(
            jax.ShapeDtypeStruct((C,), jnp.float32),
            jax.ShapeDtypeStruct((C, CP), jnp.float32),
        ),
    )(table)


def _gather_and_parts(table_pad, rowlz, idx_flat, tgt_flat, split):
    n_chunks = PER_W // GW
    split_base = split * NH

    @functools.partial(
        pl.kernel,
        out_type=(
            jax.ShapeDtypeStruct((NH, C), jnp.float32),
            jax.ShapeDtypeStruct((NW, L), jnp.float32),
        ),
        mesh=_vector_mesh(),
        compiler_params=pltpu.CompilerParams(needs_layout_passes=False),
        scratch_types=[
            pltpu.VMEM((PER_W,), jnp.int32),
            pltpu.VMEM((PER_W,), jnp.int32),
            pltpu.VMEM((PER_W,), jnp.float32),
            pltpu.VMEM((L,), jnp.float32),
            pltpu.VMEM((GW, C), jnp.float32),
            pltpu.VMEM((GW, C), jnp.float32),
            pltpu.VMEM((GW, 128), jnp.float32),
            pltpu.VMEM((GW, 128), jnp.float32),
            pltpu.SemaphoreType.DMA,
            pltpu.SemaphoreType.DMA,
            pltpu.SemaphoreType.DMA,
            pltpu.SemaphoreType.DMA,
            pltpu.SemaphoreType.DMA,
        ],
    )
    def k(table_hbm, lz_hbm, idx_hbm, tgt_hbm, out_hbm, parts_hbm,
          idx_v, tgt_v, lz_v, acc_v, rows0, rows1, tail0, tail1,
          g0, g1, s0, s1, lzsem):
        wid = lax.axis_index("s") * NC + lax.axis_index("c")
        base = wid * PER_W
        pltpu.sync_copy(idx_hbm.at[pl.ds(split_base + base, PER_W)], idx_v)
        pltpu.sync_copy(tgt_hbm.at[pl.ds(split_base + base, PER_W)], tgt_v)

        @pl.loop(0, PER_W, step=LZW)
        def _(j):
            sl = pl.ds(j, LZW)
            pltpu.make_async_copy(
                lz_hbm.at[idx_v.at[sl]], lz_v.at[sl], lzsem).start()

        rows = (rows0, rows1)
        tails = (tail0, tail1)
        gsem = (g0, g1)
        ssem = (s0, s1)

        def _gather_copies(c, b):
            isl = idx_v.at[pl.ds(c * GW, GW)]
            cps = []
            for t in range(7):
                cs = pl.ds(t * 128, 128)
                cps.append(pltpu.make_async_copy(
                    table_hbm.at[:, cs].at[isl], rows[b].at[:, cs], gsem[b]))
            cps.append(pltpu.make_async_copy(
                table_hbm.at[:, pl.ds(TAIL0, 128)].at[isl], tails[b], gsem[b]))
            return cps

        def _write_copies(c, b):
            dst_rows = pl.ds(base + c * GW, GW)
            cps = []
            for t in range(7):
                cs = pl.ds(t * 128, 128)
                cps.append(pltpu.make_async_copy(
                    rows[b].at[:, cs], out_hbm.at[dst_rows, cs], ssem[b]))
            ct = pl.ds(TAIL0, TAILW)
            cps.append(pltpu.make_async_copy(
                rows[b].at[:, ct], out_hbm.at[dst_rows, ct], ssem[b]))
            return cps

        def gather_start(c, b):
            for cp in _gather_copies(c, b):
                cp.start()

        def gather_wait(c, b):
            for cp in _gather_copies(c, b):
                cp.wait()

        def write_start(c, b):
            for cp in _write_copies(c, b):
                cp.start()

        def write_wait(c, b):
            for cp in _write_copies(c, b):
                cp.wait()

        def fill_tail(b):
            @pl.loop(0, GW)
            def _(r):
                for kk in (0, 16, 32, 48, 64, 80, TAILW - 16):
                    rows[b][r, pl.ds(TAIL0 + kk, 16)] = (
                        tails[b][r, pl.ds(kk, 16)])

        def extract_picked(c, b):
            for j in range(0, GW, L):
                rowi = jnp.arange(L, dtype=jnp.int32) + j
                colt = tgt_v[pl.ds(c * GW + j, L)]
                vals = plsc.load_gather(rows[b], [rowi, colt])
                acc_v[...] = acc_v[...] - vals

        gather_start(0, 0)
        gather_start(1, 1)
        acc_v[...] = jnp.zeros((L,), jnp.float32)

        @pl.loop(0, n_chunks, step=2)
        def _(c0):
            for b in range(2):
                c = c0 + b
                gather_wait(c, b)
                fill_tail(b)
                write_start(c, b)
                extract_picked(c, b)
            for b in range(2):
                nxt = c0 + 2 + b

                @pl.when(nxt < n_chunks)
                def _():
                    write_wait(c0 + b, b)
                    gather_start(nxt, b)

        @pl.loop(0, PER_W, step=LZW)
        def _(j):
            sl = pl.ds(j, LZW)
            pltpu.make_async_copy(
                lz_hbm.at[idx_v.at[sl]], lz_v.at[sl], lzsem).wait()

        @pl.loop(0, PER_W, step=L)
        def _(j):
            acc_v[...] = acc_v[...] + lz_v[pl.ds(j, L)]

        pltpu.sync_copy(acc_v, parts_hbm.at[wid])
        write_wait(n_chunks - 2, 0)
        write_wait(n_chunks - 1, 1)

    return k(table_pad, rowlz, idx_flat, tgt_flat)


def _tr_body(x_ref, o_ref):
    o_ref[...] = x_ref[...].T


def _transpose(h):
    return pl.pallas_call(
        _tr_body,
        grid=(NH // TBLK,),
        in_specs=[pl.BlockSpec((TBLK, C), lambda i: (i, 0))],
        out_specs=pl.BlockSpec((C, TBLK), lambda i: (0, i)),
        out_shape=jax.ShapeDtypeStruct((C, N), jnp.float32),
    )(h)


def _reduce_body(p_ref, o_ref):
    o_ref[...] = (jnp.sum(p_ref[...]) / N).reshape(1, 1)


def _reduce_loss(parts):
    return pl.pallas_call(
        _reduce_body,
        out_shape=jax.ShapeDtypeStruct((1, 1), jnp.float32),
    )(parts)


def kernel(idx, targets, table):
    idx_flat = idx.reshape(-1).astype(jnp.int32)
    tgt_flat = targets.reshape(-1).astype(jnp.int32)
    rowlz, table_pad = _prep(table)
    h, parts = _gather_and_parts(table_pad, rowlz, idx_flat, tgt_flat, 0)
    logits2 = _transpose(h).T
    loss = _reduce_loss(parts)
    return (logits2, loss[0, 0])

# --- scband reference (transcript-rebuilt; emitter-appended) ---
"""Pipeline reference for scband-bigram-model-34909494181946 (READ-ONLY COPY).

The authoritative reference and input builder live on the scoring server;
editing this copy changes nothing except your own understanding.
"""

import jax, jax.numpy as jnp
import numpy as np

VOCAB = 1000
B, T = 1024, 50


def setup_inputs(seed: int = 0) -> dict:
    key = jax.random.key(seed)
    k_idx, k_tgt, k_tab = jax.random.split(key, 3)
    idx = jax.random.randint(k_idx, (B, T), 0, VOCAB, dtype=jnp.int64 if jax.config.jax_enable_x64 else jnp.int32)
    targets = jax.random.randint(k_tgt, (B, T), 0, VOCAB, dtype=jnp.int64 if jax.config.jax_enable_x64 else jnp.int32)
    table = jax.random.normal(k_tab, (VOCAB, VOCAB), dtype=jnp.float32)
    return {"idx": idx, "targets": targets, "table": table}


def reference(idx, targets, table):
    # logits = token_embedding_table(idx)  -> gather rows of [vocab, vocab] table
    logits = jnp.take(table, idx, axis=0)  # [B, T, C]
    Bb, Tt, C = logits.shape
    logits2 = logits.reshape(Bb * Tt, C)
    targets2 = targets.reshape(Bb * Tt)
    # F.cross_entropy(logits2, targets2) with mean reduction
    logz = jax.nn.logsumexp(logits2, axis=1)
    picked = jnp.take_along_axis(logits2, targets2[:, None], axis=1)[:, 0]
    loss = jnp.mean(logz - picked)
    return (logits2, loss)

if __name__ == "__main__":
    import jax
    _d = setup_inputs()
    print(jax.jit(kernel)(*tuple(_d.values())))

</pallas_src>

<mosaic_0001>
#map = affine_map<(d0, d1) -> (0, 0)>
#map1 = affine_map<(d0, d1) -> (0)>
module attributes {stable_mosaic.version = 14 : i64} {
  func.func @k(%arg0: i32, %arg1: i32, %arg2: memref<1000x1024xf32, #tpu.memory_space<hbm>>, %arg3: memref<1000xf32, #tpu.memory_space<hbm>>, %arg4: memref<51200xi32, #tpu.memory_space<hbm>>, %arg5: memref<51200xi32, #tpu.memory_space<hbm>>, %arg6: memref<51200x1000xf32, #tpu.memory_space<hbm>>, %arg7: memref<32x16xf32, #tpu.memory_space<hbm>>, %arg8: memref<1600xi32, #tpu.memory_space<vmem>>, %arg9: memref<1600xi32, #tpu.memory_space<vmem>>, %arg10: memref<1600xf32, #tpu.memory_space<vmem>>, %arg11: memref<16xf32, #tpu.memory_space<vmem>>, %arg12: memref<32x1000xf32, #tpu.memory_space<vmem>>, %arg13: memref<32x1000xf32, #tpu.memory_space<vmem>>, %arg14: memref<32x128xf32, #tpu.memory_space<vmem>>, %arg15: memref<32x128xf32, #tpu.memory_space<vmem>>, %arg16: memref<!tpu.dma_semaphore, #tpu.memory_space<semaphore_mem>>, %arg17: memref<!tpu.dma_semaphore, #tpu.memory_space<semaphore_mem>>, %arg18: memref<!tpu.dma_semaphore, #tpu.memory_space<semaphore_mem>>, %arg19: memref<!tpu.dma_semaphore, #tpu.memory_space<semaphore_mem>>, %arg20: memref<!tpu.dma_semaphore, #tpu.memory_space<semaphore_mem>>) attributes {dimension_semantics = [#tpu.dimension_semantics<core_parallel>, #tpu.dimension_semantics<subcore_parallel>], iteration_bounds = array<i64: 2, 16>, scalar_prefetch = 0 : i64, scratch_operands = 13 : i64, tpu.core_type = #tpu.core_type<sc_vector_subcore>, window_params = [{transform_indices = #map}, {transform_indices = #map1}, {transform_indices = #map1}, {transform_indices = #map1}, {transform_indices = #map}, {transform_indices = #map}]} {
    %mul3A = arith.constant 2 : i32
    %mul3A_0 = arith.muli %arg1, %mul3A : i32
    %add3A = arith.addi %mul3A_0, %arg0 : i32
    %mul3A_1 = arith.constant 1600 : i32
    %mul3A_2 = arith.muli %add3A, %mul3A_1 : i32
    %add3A_3 = arith.constant 0 : i32
    %add3A_4 = arith.addi %add3A_3, %mul3A_2 : i32
    "tpu.region"() ({
      %run_scoped3A = tpu.sem_alloc : memref<!tpu.dma_semaphore, #tpu.memory_space<semaphore_mem>>
      %dma_start3A_360 = tpu.memref_slice %arg4[%add3A_4] : memref<51200xi32, #tpu.memory_space<hbm>> -> memref<1600xi32, #tpu.memory_space<hbm>>
      %dma_start3A_361 = tpu.memref_slice %arg4[%add3A_4] : memref<51200xi32, #tpu.memory_space<hbm>> -> memref<1600xi32, #tpu.memory_space<hbm>>
      tpu.enqueue_dma source(%dma_start3A_361 : memref<1600xi32, #tpu.memory_space<hbm>>) target(%arg8 : memref<1600xi32, #tpu.memory_space<vmem>>) target_semaphore(%run_scoped3A : memref<!tpu.dma_semaphore, #tpu.memory_space<semaphore_mem>>)
      %dma_wait3A_362 = tpu.memref_slice %arg4[%add3A_4] : memref<51200xi32, #tpu.memory_space<hbm>> -> memref<1600xi32, #tpu.memory_space<hbm>>
      %dma_wait3A_363 = tpu.memref_slice %arg4[%add3A_4] : memref<51200xi32, #tpu.memory_space<hbm>> -> memref<1600xi32, #tpu.memory_space<hbm>>
      tpu.wait_dma2 semaphore(%run_scoped3A : memref<!tpu.dma_semaphore, #tpu.memory_space<semaphore_mem>>) src(%dma_wait3A_363 : memref<1600xi32, #tpu.memory_space<hbm>>) dst(%arg8 : memref<1600xi32, #tpu.memory_space<vmem>>)
      tpu.yield
    }) : () -> ()
    %add3A_5 = arith.constant 0 : i32
    %add3A_6 = arith.addi %add3A_5, %mul3A_2 : i32
    "tpu.region"() ({
      %run_scoped3A = tpu.sem_alloc : memref<!tpu.dma_semaphore, #tpu.memory_space<semaphore_mem>>
      %dma_start3A_360 = tpu.memref_slice %arg5[%add3A_6] : memref<51200xi32, #tpu.memory_space<hbm>> -> memref<1600xi32, #tpu.memory_space<hbm>>
      %dma_start3A_361 = tpu.memref_slice %arg5[%add3A_6] : memref<51200xi32, #tpu.memory_space<hbm>> -> memref<1600xi32, #tpu.memory_space<hbm>>
      tpu.enqueue_dma source(%dma_start3A_361 : memref<1600xi32, #tpu.memory_space<hbm>>) target(%arg9 : memref<1600xi32, #tpu.memory_space<vmem>>) target_semaphore(%run_scoped3A : memref<!tpu.dma_semaphore, #tpu.memory_space<semaphore_mem>>)
      %dma_wait3A_362 = tpu.memref_slice %arg5[%add3A_6] : memref<51200xi32, #tpu.memory_space<hbm>> -> memref<1600xi32, #tpu.memory_space<hbm>>
      %dma_wait3A_363 = tpu.memref_slice %arg5[%add3A_6] : memref<51200xi32, #tpu.memory_space<hbm>> -> memref<1600xi32, #tpu.memory_space<hbm>>
      tpu.wait_dma2 semaphore(%run_scoped3A : memref<!tpu.dma_semaphore, #tpu.memory_space<semaphore_mem>>) src(%dma_wait3A_363 : memref<1600xi32, #tpu.memory_space<hbm>>) dst(%arg9 : memref<1600xi32, #tpu.memory_space<vmem>>)
      tpu.yield
    }) : () -> ()
    %scan3A = arith.constant 0 : i32
    %scan3A_7 = arith.constant 20 : i32
    %scan3A_8 = arith.addi %scan3A, %scan3A_7 : i32
    %scan3A_9 = arith.constant 1 : i32
    scf.for %scan3A_360 = %scan3A to %scan3A_8 step %scan3A_9  : i32 {
      %mul3A_361 = arith.constant 80 : i32
      %mul3A_362 = arith.muli %scan3A_360, %mul3A_361 : i32
      %add3A_363 = arith.constant 0 : i32
      %add3A_364 = arith.addi %add3A_363, %mul3A_362 : i32
      %dma_start3A_365 = tpu.memref_slice %arg10[%add3A_364] : memref<1600xf32, #tpu.memory_space<vmem>> -> memref<80xf32, #tpu.memory_space<vmem>>
      %dma_start3A_366 = tpu.memref_slice %arg8[%add3A_364] : memref<1600xi32, #tpu.memory_space<vmem>> -> memref<80xi32, #tpu.memory_space<vmem>>
      %dma_start3A_367 = arith.constant 0 : i32
      %dma_start3A_368 = tpu.memref_slice %arg3[%dma_start3A_367] : memref<1000xf32, #tpu.memory_space<hbm>> -> memref<1000xf32, #tpu.memory_space<hbm>>
      tpu.enqueue_indirect_dma source(%dma_start3A_368 : memref<1000xf32, #tpu.memory_space<hbm>>) target(%dma_start3A_365 : memref<80xf32, #tpu.memory_space<vmem>>) offsets(%dma_start3A_366 : memref<80xi32, #tpu.memory_space<vmem>>) semaphore(%arg20 : memref<!tpu.dma_semaphore, #tpu.memory_space<semaphore_mem>>)
    }
    %scan3A_10 = arith.constant 20 : i32
    %dma_start3A = arith.constant 0 : i32
    %dma_start3A_11 = arith.constant 0 : i32
    %dma_start3A_12 = tpu.memref_slice %arg12[%dma_start3A, %dma_start3A_11] : memref<32x1000xf32, #tpu.memory_space<vmem>> -> memref<32x128xf32, #tpu.memory_space<vmem>>
    %dma_start3A_13 = arith.constant 0 : i32
    %dma_start3A_14 = tpu.memref_slice %arg8[%dma_start3A_13] : memref<1600xi32, #tpu.memory_space<vmem>> -> memref<32xi32, #tpu.memory_space<vmem>>
    %dma_start3A_15 = arith.constant 0 : i32
    %dma_start3A_16 = arith.constant 0 : i32
    %dma_start3A_17 = tpu.memref_slice %arg2[%dma_start3A_15, %dma_start3A_16] : memref<1000x1024xf32, #tpu.memory_space<hbm>> -> memref<1000x128xf32, #tpu.memory_space<hbm>>
    %dma_start3A_18 = arith.constant 0 : i32
    %dma_start3A_19 = arith.constant 0 : i32
    %dma_start3A_20 = tpu.memref_slice %dma_start3A_17[%dma_start3A_18, %dma_start3A_19] : memref<1000x128xf32, #tpu.memory_space<hbm>> -> memref<1000x128xf32, #tpu.memory_space<hbm>>
    tpu.enqueue_indirect_dma source(%dma_start3A_20 : memref<1000x128xf32, #tpu.memory_space<hbm>>) target(%dma_start3A_12 : memref<32x128xf32, #tpu.memory_space<vmem>>) offsets(%dma_start3A_14 : memref<32xi32, #tpu.memory_space<vmem>>) semaphore(%arg16 : memref<!tpu.dma_semaphore, #tpu.memory_space<semaphore_mem>>)
    %dma_start3A_21 = arith.constant 0 : i32
    %dma_start3A_22 = arith.constant 128 : i32
    %dma_start3A_23 = tpu.memref_slice %arg12[%dma_start3A_21, %dma_start3A_22] : memref<32x1000xf32, #tpu.memory_space<vmem>> -> memref<32x128xf32, #tpu.memory_space<vmem>>
    %dma_start3A_24 = arith.constant 0 : i32
    %dma_start3A_25 = tpu.memref_slice %arg8[%dma_start3A_24] : memref<1600xi32, #tpu.memory_space<vmem>> -> memref<32xi32, #tpu.memory_space<vmem>>
    %dma_start3A_26 = arith.constant 0 : i32
    %dma_start3A_27 = arith.constant 128 : i32
    %dma_start3A_28 = tpu.memref_slice %arg2[%dma_start3A_26, %dma_start3A_27] : memref<1000x1024xf32, #tpu.memory_space<hbm>> -> memref<1000x128xf32, #tpu.memory_space<hbm>>
    %dma_start3A_29 = arith.constant 0 : i32
    %dma_start3A_30 = arith.constant 0 : i32
    %dma_start3A_31 = tpu.memref_slice %dma_start3A_28[%dma_start3A_29, %dma_start3A_30] : memref<1000x128xf32, #tpu.memory_space<hbm>> -> memref<1000x128xf32, #tpu.memory_space<hbm>>
    tpu.enqueue_indirect_dma source(%dma_start3A_31 : memref<1000x128xf32, #tpu.memory_space<hbm>>) target(%dma_start3A_23 : memref<32x128xf32, #tpu.memory_space<vmem>>) offsets(%dma_start3A_25 : memref<32xi32, #tpu.memory_space<vmem>>) semaphore(%arg16 : memref<!tpu.dma_semaphore, #tpu.memory_space<semaphore_mem>>)
    %dma_start3A_32 = arith.constant 0 : i32
    %dma_start3A_33 = arith.constant 256 : i32
    %dma_start3A_34 = tpu.memref_slice %arg12[%dma_start3A_32, %dma_start3A_33] : memref<32x1000xf32, #tpu.memory_space<vmem>> -> memref<32x128xf32, #tpu.memory_space<vmem>>
    %dma_start3A_35 = arith.constant 0 : i32
    %dma_start3A_36 = tpu.memref_slice %arg8[%dma_start3A_35] : memref<1600xi32, #tpu.memory_space<vmem>> -> memref<32xi32, #tpu.memory_space<vmem>>
    %dma_start3A_37 = arith.constant 0 : i32
    %dma_start3A_38 = arith.constant 256 : i32
    %dma_start3A_39 = tpu.memref_slice %arg2[%dma_start3A_37, %dma_start3A_38] : memref<1000x1024xf32, #tpu.memory_space<hbm>> -> memref<1000x128xf32, #tpu.memory_space<hbm>>
    %dma_start3A_40 = arith.constant 0 : i32
    %dma_start3A_41 = arith.constant 0 : i32
    %dma_start3A_42 = tpu.memref_slice %dma_start3A_39[%dma_start3A_40, %dma_start3A_41] : memref<1000x128xf32, #tpu.memory_space<hbm>> -> memref<1000x128xf32, #tpu.memory_space<hbm>>
    tpu.enqueue_indirect_dma source(%dma_start3A_42 : memref<1000x128xf32, #tpu.memory_space<hbm>>) target(%dma_start3A_34 : memref<32x128xf32, #tpu.memory_space<vmem>>) offsets(%dma_start3A_36 : memref<32xi32, #tpu.memory_space<vmem>>) semaphore(%arg16 : memref<!tpu.dma_semaphore, #tpu.memory_space<semaphore_mem>>)
    %dma_start3A_43 = arith.constant 0 : i32
    %dma_start3A_44 = arith.constant 384 : i32
    %dma_start3A_45 = tpu.memref_slice %arg12[%dma_start3A_43, %dma_start3A_44] : memref<32x1000xf32, #tpu.memory_space<vmem>> -> memref<32x128xf32, #tpu.memory_space<vmem>>
    %dma_start3A_46 = arith.constant 0 : i32
    %dma_start3A_47 = tpu.memref_slice %arg8[%dma_start3A_46] : memref<1600xi32, #tpu.memory_space<vmem>> -> memref<32xi32, #tpu.memory_space<vmem>>
    %dma_start3A_48 = arith.constant 0 : i32
    %dma_start3A_49 = arith.constant 384 : i32
    %dma_start3A_50 = tpu.memref_slice %arg2[%dma_start3A_48, %dma_start3A_49] : memref<1000x1024xf32, #tpu.memory_space<hbm>> -> memref<1000x128xf32, #tpu.memory_space<hbm>>
    %dma_start3A_51 = arith.constant 0 : i32
    %dma_start3A_52 = arith.constant 0 : i32
    %dma_start3A_53 = tpu.memref_slice %dma_start3A_50[%dma_start3A_51, %dma_start3A_52] : memref<1000x128xf32, #tpu.memory_space<hbm>> -> memref<1000x128xf32, #tpu.memory_space<hbm>>
    tpu.enqueue_indirect_dma source(%dma_start3A_53 : memref<1000x128xf32, #tpu.memory_space<hbm>>) target(%dma_start3A_45 : memref<32x128xf32, #tpu.memory_space<vmem>>) offsets(%dma_start3A_47 : memref<32xi32, #tpu.memory_space<vmem>>) semaphore(%arg16 : memref<!tpu.dma_semaphore, #tpu.memory_space<semaphore_mem>>)
    %dma_start3A_54 = arith.constant 0 : i32
    %dma_start3A_55 = arith.constant 512 : i32
    %dma_start3A_56 = tpu.memref_slice %arg12[%dma_start3A_54, %dma_start3A_55] : memref<32x1000xf32, #tpu.memory_space<vmem>> -> memref<32x128xf32, #tpu.memory_space<vmem>>
    %dma_start3A_57 = arith.constant 0 : i32
    %dma_start3A_58 = tpu.memref_slice %arg8[%dma_start3A_57] : memref<1600xi32, #tpu.memory_space<vmem>> -> memref<32xi32, #tpu.memory_space<vmem>>
    %dma_start3A_59 = arith.constant 0 : i32
    %dma_start3A_60 = arith.constant 512 : i32
    %dma_start3A_61 = tpu.memref_slice %arg2[%dma_start3A_59, %dma_start3A_60] : memref<1000x1024xf32, #tpu.memory_space<hbm>> -> memref<1000x128xf32, #tpu.memory_space<hbm>>
    %dma_start3A_62 = arith.constant 0 : i32
    %dma_start3A_63 = arith.constant 0 : i32
    %dma_start3A_64 = tpu.memref_slice %dma_start3A_61[%dma_start3A_62, %dma_start3A_63] : memref<1000x128xf32, #tpu.memory_space<hbm>> -> memref<1000x128xf32, #tpu.memory_space<hbm>>
    tpu.enqueue_indirect_dma source(%dma_start3A_64 : memref<1000x128xf32, #tpu.memory_space<hbm>>) target(%dma_start3A_56 : memref<32x128xf32, #tpu.memory_space<vmem>>) offsets(%dma_start3A_58 : memref<32xi32, #tpu.memory_space<vmem>>) semaphore(%arg16 : memref<!tpu.dma_semaphore, #tpu.memory_space<semaphore_mem>>)
    %dma_start3A_65 = arith.constant 0 : i32
    %dma_start3A_66 = arith.constant 640 : i32
    %dma_start3A_67 = tpu.memref_slice %arg12[%dma_start3A_65, %dma_start3A_66] : memref<32x1000xf32, #tpu.memory_space<vmem>> -> memref<32x128xf32, #tpu.memory_space<vmem>>
    %dma_start3A_68 = arith.constant 0 : i32
    %dma_start3A_69 = tpu.memref_slice %arg8[%dma_start3A_68] : memref<1600xi32, #tpu.memory_space<vmem>> -> memref<32xi32, #tpu.memory_space<vmem>>
    %dma_start3A_70 = arith.constant 0 : i32
    %dma_start3A_71 = arith.constant 640 : i32
    %dma_start3A_72 = tpu.memref_slice %arg2[%dma_start3A_70, %dma_start3A_71] : memref<1000x1024xf32, #tpu.memory_space<hbm>> -> memref<1000x128xf32, #tpu.memory_space<hbm>>
    %dma_start3A_73 = arith.constant 0 : i32
    %dma_start3A_74 = arith.constant 0 : i32
    %dma_start3A_75 = tpu.memref_slice %dma_start3A_72[%dma_start3A_73, %dma_start3A_74] : memref<1000x128xf32, #tpu.memory_space<hbm>> -> memref<1000x128xf32, #tpu.memory_space<hbm>>
    tpu.enqueue_indirect_dma source(%dma_start3A_75 : memref<1000x128xf32, #tpu.memory_space<hbm>>) target(%dma_start3A_67 : memref<32x128xf32, #tpu.memory_space<vmem>>) offsets(%dma_start3A_69 : memref<32xi32, #tpu.memory_space<vmem>>) semaphore(%arg16 : memref<!tpu.dma_semaphore, #tpu.memory_space<semaphore_mem>>)
    %dma_start3A_76 = arith.constant 0 : i32
    %dma_start3A_77 = arith.constant 768 : i32
    %dma_start3A_78 = tpu.memref_slice %arg12[%dma_start3A_76, %dma_start3A_77] : memref<32x1000xf32, #tpu.memory_space<vmem>> -> memref<32x128xf32, #tpu.memory_space<vmem>>
    %dma_start3A_79 = arith.constant 0 : i32
    %dma_start3A_80 = tpu.memref_slice %arg8[%dma_start3A_79] : memref<1600xi32, #tpu.memory_space<vmem>> -> memref<32xi32, #tpu.memory_space<vmem>>
    %dma_start3A_81 = arith.constant 0 : i32
    %dma_start3A_82 = arith.constant 768 : i32
    %dma_start3A_83 = tpu.memref_slice %arg2[%dma_start3A_81, %dma_start3A_82] : memref<1000x1024xf32, #tpu.memory_space<hbm>> -> memref<1000x128xf32, #tpu.memory_space<hbm>>
    %dma_start3A_84 = arith.constant 0 : i32
    %dma_start3A_85 = arith.constant 0 : i32
    %dma_start3A_86 = tpu.memref_slice %dma_start3A_83[%dma_start3A_84, %dma_start3A_85] : memref<1000x128xf32, #tpu.memory_space<hbm>> -> memref<1000x128xf32, #tpu.memory_space<hbm>>
    tpu.enqueue_indirect_dma source(%dma_start3A_86 : memref<1000x128xf32, #tpu.memory_space<hbm>>) target(%dma_start3A_78 : memref<32x128xf32, #tpu.memory_space<vmem>>) offsets(%dma_start3A_80 : memref<32xi32, #tpu.memory_space<vmem>>) semaphore(%arg16 : memref<!tpu.dma_semaphore, #tpu.memory_space<semaphore_mem>>)
    %dma_start3A_87 = arith.constant 0 : i32
    %dma_start3A_88 = tpu.memref_slice %arg8[%dma_start3A_87] : memref<1600xi32, #tpu.memory_space<vmem>> -> memref<32xi32, #tpu.memory_space<vmem>>
    %dma_start3A_89 = arith.constant 0 : i32
    %dma_start3A_90 = arith.constant 896 : i32
    %dma_start3A_91 = tpu.memref_slice %arg2[%dma_start3A_89, %dma_start3A_90] : memref<1000x1024xf32, #tpu.memory_space<hbm>> -> memref<1000x128xf32, #tpu.memory_space<hbm>>
    %dma_start3A_92 = arith.constant 0 : i32
    %dma_start3A_93 = arith.constant 0 : i32
    %dma_start3A_94 = tpu.memref_slice %dma_start3A_91[%dma_start3A_92, %dma_start3A_93] : memref<1000x128xf32, #tpu.memory_space<hbm>> -> memref<1000x128xf32, #tpu.memory_space<hbm>>
    tpu.enqueue_indirect_dma source(%dma_start3A_94 : memref<1000x128xf32, #tpu.memory_space<hbm>>) target(%arg14 : memref<32x128xf32, #tpu.memory_space<vmem>>) offsets(%dma_start3A_88 : memref<32xi32, #tpu.memory_space<vmem>>) semaphore(%arg16 : memref<!tpu.dma_semaphore, #tpu.memory_space<semaphore_mem>>)
    %dma_start3A_95 = arith.constant 0 : i32
    %dma_start3A_96 = arith.constant 0 : i32
    %dma_start3A_97 = tpu.memref_slice %arg13[%dma_start3A_95, %dma_start3A_96] : memref<32x1000xf32, #tpu.memory_space<vmem>> -> memref<32x128xf32, #tpu.memory_space<vmem>>
    %dma_start3A_98 = arith.constant 32 : i32
    %dma_start3A_99 = tpu.memref_slice %arg8[%dma_start3A_98] : memref<1600xi32, #tpu.memory_space<vmem>> -> memref<32xi32, #tpu.memory_space<vmem>>
    %dma_start3A_100 = arith.constant 0 : i32
    %dma_start3A_101 = arith.constant 0 : i32
    %dma_start3A_102 = tpu.memref_slice %arg2[%dma_start3A_100, %dma_start3A_101] : memref<1000x1024xf32, #tpu.memory_space<hbm>> -> memref<1000x128xf32, #tpu.memory_space<hbm>>
    %dma_start3A_103 = arith.constant 0 : i32
    %dma_start3A_104 = arith.constant 0 : i32
    %dma_start3A_105 = tpu.memref_slice %dma_start3A_102[%dma_start3A_103, %dma_start3A_104] : memref<1000x128xf32, #tpu.memory_space<hbm>> -> memref<1000x128xf32, #tpu.memory_space<hbm>>
    tpu.enqueue_indirect_dma source(%dma_start3A_105 : memref<1000x128xf32, #tpu.memory_space<hbm>>) target(%dma_start3A_97 : memref<32x128xf32, #tpu.memory_space<vmem>>) offsets(%dma_start3A_99 : memref<32xi32, #tpu.memory_space<vmem>>) semaphore(%arg17 : memref<!tpu.dma_semaphore, #tpu.memory_space<semaphore_mem>>)
    %dma_start3A_106 = arith.constant 0 : i32
    %dma_start3A_107 = arith.constant 128 : i32
    %dma_start3A_108 = tpu.memref_slice %arg13[%dma_start3A_106, %dma_start3A_107] : memref<32x1000xf32, #tpu.memory_space<vmem>> -> memref<32x128xf32, #tpu.memory_space<vmem>>
    %dma_start3A_109 = arith.constant 32 : i32
    %dma_start3A_110 = tpu.memref_slice %arg8[%dma_start3A_109] : memref<1600xi32, #tpu.memory_space<vmem>> -> memref<32xi32, #tpu.memory_space<vmem>>
    %dma_start3A_111 = arith.constant 0 : i32
    %dma_start3A_112 = arith.constant 128 : i32
    %dma_start3A_113 = tpu.memref_slice %arg2[%dma_start3A_111, %dma_start3A_112] : memref<1000x1024xf32, #tpu.memory_space<hbm>> -> memref<1000x128xf32, #tpu.memory_space<hbm>>
    %dma_start3A_114 = arith.constant 0 : i32
    %dma_start3A_115 = arith.constant 0 : i32
    %dma_start3A_116 = tpu.memref_slice %dma_start3A_113[%dma_start3A_114, %dma_start3A_115] : memref<1000x128xf32, #tpu.memory_space<hbm>> -> memref<1000x128xf32, #tpu.memory_space<hbm>>
    tpu.enqueue_indirect_dma source(%dma_start3A_116 : memref<1000x128xf32, #tpu.memory_space<hbm>>) target(%dma_start3A_108 : memref<32x128xf32, #tpu.memory_space<vmem>>) offsets(%dma_start3A_110 : memref<32xi32, #tpu.memory_space<vmem>>) semaphore(%arg17 : memref<!tpu.dma_semaphore, #tpu.memory_space<semaphore_mem>>)
    %dma_start3A_117 = arith.constant 0 : i32
    %dma_start3A_118 = arith.constant 256 : i32
    %dma_start3A_119 = tpu.memref_slice %arg13[%dma_start3A_117, %dma_start3A_118] : memref<32x1000xf32, #tpu.memory_space<vmem>> -> memref<32x128xf32, #tpu.memory_space<vmem>>
    %dma_start3A_120 = arith.constant 32 : i32
    %dma_start3A_121 = tpu.memref_slice %arg8[%dma_start3A_120] : memref<1600xi32, #tpu.memory_space<vmem>> -> memref<32xi32, #tpu.memory_space<vmem>>
    %dma_start3A_122 = arith.constant 0 : i32
    %dma_start3A_123 = arith.constant 256 : i32
    %dma_start3A_124 = tpu.memref_slice %arg2[%dma_start3A_122, %dma_start3A_123] : memref<1000x1024xf32, #tpu.memory_space<hbm>> -> memref<1000x128xf32, #tpu.memory_space<hbm>>
    %dma_start3A_125 = arith.constant 0 : i32
    %dma_start3A_126 = arith.constant 0 : i32
    %dma_start3A_127 = tpu.memref_slice %dma_start3A_124[%dma_start3A_125, %dma_start3A_126] : memref<1000x128xf32, #tpu.memory_space<hbm>> -> memref<1000x128xf32, #tpu.memory_space<hbm>>
    tpu.enqueue_indirect_dma source(%dma_start3A_127 : memref<1000x128xf32, #tpu.memory_space<hbm>>) target(%dma_start3A_119 : memref<32x128xf32, #tpu.memory_space<vmem>>) offsets(%dma_start3A_121 : memref<32xi32, #tpu.memory_space<vmem>>) semaphore(%arg17 : memref<!tpu.dma_semaphore, #tpu.memory_space<semaphore_mem>>)
    %dma_start3A_128 = arith.constant 0 : i32
    %dma_start3A_129 = arith.constant 384 : i32
    %dma_start3A_130 = tpu.memref_slice %arg13[%dma_start3A_128, %dma_start3A_129] : memref<32x1000xf32, #tpu.memory_space<vmem>> -> memref<32x128xf32, #tpu.memory_space<vmem>>
    %dma_start3A_131 = arith.constant 32 : i32
    %dma_start3A_132 = tpu.memref_slice %arg8[%dma_start3A_131] : memref<1600xi32, #tpu.memory_space<vmem>> -> memref<32xi32, #tpu.memory_space<vmem>>
    %dma_start3A_133 = arith.constant 0 : i32
    %dma_start3A_134 = arith.constant 384 : i32
    %dma_start3A_135 = tpu.memref_slice %arg2[%dma_start3A_133, %dma_start3A_134] : memref<1000x1024xf32, #tpu.memory_space<hbm>> -> memref<1000x128xf32, #tpu.memory_space<hbm>>
    %dma_start3A_136 = arith.constant 0 : i32
    %dma_start3A_137 = arith.constant 0 : i32
    %dma_start3A_138 = tpu.memref_slice %dma_start3A_135[%dma_start3A_136, %dma_start3A_137] : memref<1000x128xf32, #tpu.memory_space<hbm>> -> memref<1000x128xf32, #tpu.memory_space<hbm>>
    tpu.enqueue_indirect_dma source(%dma_start3A_138 : memref<1000x128xf32, #tpu.memory_space<hbm>>) target(%dma_start3A_130 : memref<32x128xf32, #tpu.memory_space<vmem>>) offsets(%dma_start3A_132 : memref<32xi32, #tpu.memory_space<vmem>>) semaphore(%arg17 : memref<!tpu.dma_semaphore, #tpu.memory_space<semaphore_mem>>)
    %dma_start3A_139 = arith.constant 0 : i32
    %dma_start3A_140 = arith.constant 512 : i32
    %dma_start3A_141 = tpu.memref_slice %arg13[%dma_start3A_139, %dma_start3A_140] : memref<32x1000xf32, #tpu.memory_space<vmem>> -> memref<32x128xf32, #tpu.memory_space<vmem>>
    %dma_start3A_142 = arith.constant 32 : i32
    %dma_start3A_143 = tpu.memref_slice %arg8[%dma_start3A_142] : memref<1600xi32, #tpu.memory_space<vmem>> -> memref<32xi32, #tpu.memory_space<vmem>>
    %dma_start3A_144 = arith.constant 0 : i32
    %dma_start3A_145 = arith.constant 512 : i32
    %dma_start3A_146 = tpu.memref_slice %arg2[%dma_start3A_144, %dma_start3A_145] : memref<1000x1024xf32, #tpu.memory_space<hbm>> -> memref<1000x128xf32, #tpu.memory_space<hbm>>
    %dma_start3A_147 = arith.constant 0 : i32
    %dma_start3A_148 = arith.constant 0 : i32
    %dma_start3A_149 = tpu.memref_slice %dma_start3A_146[%dma_start3A_147, %dma_start3A_148] : memref<1000x128xf32, #tpu.memory_space<hbm>> -> memref<1000x128xf32, #tpu.memory_space<hbm>>
    tpu.enqueue_indirect_dma source(%dma_start3A_149 : memref<1000x128xf32, #tpu.memory_space<hbm>>) target(%dma_start3A_141 : memref<32x128xf32, #tpu.memory_space<vmem>>) offsets(%dma_start3A_143 : memref<32xi32, #tpu.memory_space<vmem>>) semaphore(%arg17 : memref<!tpu.dma_semaphore, #tpu.memory_space<semaphore_mem>>)
    %dma_start3A_150 = arith.constant 0 : i32
    %dma_start3A_151 = arith.constant 640 : i32
    %dma_start3A_152 = tpu.memref_slice %arg13[%dma_start3A_150, %dma_start3A_151] : memref<32x1000xf32, #tpu.memory_space<vmem>> -> memref<32x128xf32, #tpu.memory_space<vmem>>
    %dma_start3A_153 = arith.constant 32 : i32
    %dma_start3A_154 = tpu.memref_slice %arg8[%dma_start3A_153] : memref<1600xi32, #tpu.memory_space<vmem>> -> memref<32xi32, #tpu.memory_space<vmem>>
    %dma_start3A_155 = arith.constant 0 : i32
    %dma_start3A_156 = arith.constant 640 : i32
    %dma_start3A_157 = tpu.memref_slice %arg2[%dma_start3A_155, %dma_start3A_156] : memref<1000x1024xf32, #tpu.memory_space<hbm>> -> memref<1000x128xf32, #tpu.memory_space<hbm>>
    %dma_start3A_158 = arith.constant 0 : i32
    %dma_start3A_159 = arith.constant 0 : i32
    %dma_start3A_160 = tpu.memref_slice %dma_start3A_157[%dma_start3A_158, %dma_start3A_159] : memref<1000x128xf32, #tpu.memory_space<hbm>> -> memref<1000x128xf32, #tpu.memory_space<hbm>>
    tpu.enqueue_indirect_dma source(%dma_start3A_160 : memref<1000x128xf32, #tpu.memory_space<hbm>>) target(%dma_start3A_152 : memref<32x128xf32, #tpu.memory_space<vmem>>) offsets(%dma_start3A_154 : memref<32xi32, #tpu.memory_space<vmem>>) semaphore(%arg17 : memref<!tpu.dma_semaphore, #tpu.memory_space<semaphore_mem>>)
    %dma_start3A_161 = arith.constant 0 : i32
    %dma_start3A_162 = arith.constant 768 : i32
    %dma_start3A_163 = tpu.memref_slice %arg13[%dma_start3A_161, %dma_start3A_162] : memref<32x1000xf32, #tpu.memory_space<vmem>> -> memref<32x128xf32, #tpu.memory_space<vmem>>
    %dma_start3A_164 = arith.constant 32 : i32
    %dma_start3A_165 = tpu.memref_slice %arg8[%dma_start3A_164] : memref<1600xi32, #tpu.memory_space<vmem>> -> memref<32xi32, #tpu.memory_space<vmem>>
    %dma_start3A_166 = arith.constant 0 : i32
    %dma_start3A_167 = arith.constant 768 : i32
    %dma_start3A_168 = tpu.memref_slice %arg2[%dma_start3A_166, %dma_start3A_167] : memref<1000x1024xf32, #tpu.memory_space<hbm>> -> memref<1000x128xf32, #tpu.memory_space<hbm>>
    %dma_start3A_169 = arith.constant 0 : i32
    %dma_start3A_170 = arith.constant 0 : i32
    %dma_start3A_171 = tpu.memref_slice %dma_start3A_168[%dma_start3A_169, %dma_start3A_170] : memref<1000x128xf32, #tpu.memory_space<hbm>> -> memref<1000x128xf32, #tpu.memory_space<hbm>>
    tpu.enqueue_indirect_dma source(%dma_start3A_171 : memref<1000x128xf32, #tpu.memory_space<hbm>>) target(%dma_start3A_163 : memref<32x128xf32, #tpu.memory_space<vmem>>) offsets(%dma_start3A_165 : memref<32xi32, #tpu.memory_space<vmem>>) semaphore(%arg17 : memref<!tpu.dma_semaphore, #tpu.memory_space<semaphore_mem>>)
    %dma_start3A_172 = arith.constant 32 : i32
    %dma_start3A_173 = tpu.memref_slice %arg8[%dma_start3A_172] : memref<1600xi32, #tpu.memory_space<vmem>> -> memref<32xi32, #tpu.memory_space<vmem>>
    %dma_start3A_174 = arith.constant 0 : i32
    %dma_start3A_175 = arith.constant 896 : i32
    %dma_start3A_176 = tpu.memref_slice %arg2[%dma_start3A_174, %dma_start3A_175] : memref<1000x1024xf32, #tpu.memory_space<hbm>> -> memref<1000x128xf32, #tpu.memory_space<hbm>>
    %dma_start3A_177 = arith.constant 0 : i32
    %dma_start3A_178 = arith.constant 0 : i32
    %dma_start3A_179 = tpu.memref_slice %dma_start3A_176[%dma_start3A_177, %dma_start3A_178] : memref<1000x128xf32, #tpu.memory_space<hbm>> -> memref<1000x128xf32, #tpu.memory_space<hbm>>
    tpu.enqueue_indirect_dma source(%dma_start3A_179 : memref<1000x128xf32, #tpu.memory_space<hbm>>) target(%arg15 : memref<32x128xf32, #tpu.memory_space<vmem>>) offsets(%dma_start3A_173 : memref<32xi32, #tpu.memory_space<vmem>>) semaphore(%arg17 : memref<!tpu.dma_semaphore, #tpu.memory_space<semaphore_mem>>)
    %broadcast_in_dim3A = arith.constant 0.000000e+00 : f32
    %broadcast_in_dim3A_180 = vector.broadcast %broadcast_in_dim3A : f32 to vector<16xf32>
    %swap3A = arith.constant 0 : index
    %swap3A_181 = tpu.vector_load %arg11[%swap3A] {strides = array<i32>} : memref<16xf32, #tpu.memory_space<vmem>>, vector<16xf32>,
    tpu.vector_store %arg11[%swap3A], %broadcast_in_dim3A_180 {strides = array<i32>} : memref<16xf32, #tpu.memory_space<vmem>>, vector<16xf32>,
    %scan3A_182 = arith.constant 0 : i32
    %scan3A_183 = arith.constant 25 : i32
    %scan3A_184 = arith.addi %scan3A_182, %scan3A_183 : i32
    %scan3A_185 = arith.constant 1 : i32
    scf.for %scan3A_360 = %scan3A_182 to %scan3A_184 step %scan3A_185  : i32 {
      %mul3A_361 = arith.constant 2 : i32
      %mul3A_362 = arith.muli %scan3A_360, %mul3A_361 : i32
      %add3A_363 = arith.constant 0 : i32
      %add3A_364 = arith.addi %add3A_363, %mul3A_362 : i32
      %add3A_365 = arith.constant 0 : i32
      %add3A_366 = arith.addi %add3A_364, %add3A_365 : i32
      %mul3A_367 = arith.constant 32 : i32
      %mul3A_368 = arith.muli %add3A_366, %mul3A_367 : i32
      %dma_wait3A_369 = arith.constant 0 : i32
      %dma_wait3A_370 = arith.constant 0 : i32
      %dma_wait3A_371 = tpu.memref_slice %arg12[%dma_wait3A_369, %dma_wait3A_370] : memref<32x1000xf32, #tpu.memory_space<vmem>> -> memref<32x128xf32, #tpu.memory_space<vmem>>
      %dma_wait3A_372 = tpu.memref_slice %arg8[%mul3A_368] : memref<1600xi32, #tpu.memory_space<vmem>> -> memref<32xi32, #tpu.memory_space<vmem>>
      %dma_wait3A_373 = arith.constant 0 : i32
      %dma_wait3A_374 = arith.constant 0 : i32
      %dma_wait3A_375 = tpu.memref_slice %arg2[%dma_wait3A_373, %dma_wait3A_374] : memref<1000x1024xf32, #tpu.memory_space<hbm>> -> memref<1000x128xf32, #tpu.memory_space<hbm>>
      %dma_wait3A_376 = arith.constant 0 : i32
      %dma_wait3A_377 = arith.constant 0 : i32
      %dma_wait3A_378 = tpu.memref_slice %dma_wait3A_375[%dma_wait3A_376, %dma_wait3A_377] : memref<1000x128xf32, #tpu.memory_space<hbm>> -> memref<1000x128xf32, #tpu.memory_space<hbm>>
      tpu.wait_indirect_dma semaphore(%arg16 : memref<!tpu.dma_semaphore, #tpu.memory_space<semaphore_mem>>) src(%dma_wait3A_378 : memref<1000x128xf32, #tpu.memory_space<hbm>>) dst(%dma_wait3A_371 : memref<32x128xf32, #tpu.memory_space<vmem>>)
      %dma_wait3A_379 = arith.constant 0 : i32
      %dma_wait3A_380 = arith.constant 128 : i32
      %dma_wait3A_381 = tpu.memref_slice %arg12[%dma_wait3A_379, %dma_wait3A_380] : memref<32x1000xf32, #tpu.memory_space<vmem>> -> memref<32x128xf32, #tpu.memory_space<vmem>>
      %dma_wait3A_382 = tpu.memref_slice %arg8[%mul3A_368] : memref<1600xi32, #tpu.memory_space<vmem>> -> memref<32xi32, #tpu.memory_space<vmem>>
      %dma_wait3A_383 = arith.constant 0 : i32
      %dma_wait3A_384 = arith.constant 128 : i32
      %dma_wait3A_385 = tpu.memref_slice %arg2[%dma_wait3A_383, %dma_wait3A_384] : memref<1000x1024xf32, #tpu.memory_space<hbm>> -> memref<1000x128xf32, #tpu.memory_space<hbm>>
      %dma_wait3A_386 = arith.constant 0 : i32
      %dma_wait3A_387 = arith.constant 0 : i32
      %dma_wait3A_388 = tpu.memref_slice %dma_wait3A_385[%dma_wait3A_386, %dma_wait3A_387] : memref<1000x128xf32, #tpu.memory_space<hbm>> -> memref<1000x128xf32, #tpu.memory_space<hbm>>
      tpu.wait_indirect_dma semaphore(%arg16 : memref<!tpu.dma_semaphore, #tpu.memory_space<semaphore_mem>>) src(%dma_wait3A_388 : memref<1000x128xf32, #tpu.memory_space<hbm>>) dst(%dma_wait3A_381 : memref<32x128xf32, #tpu.memory_space<vmem>>)
      %dma_wait3A_389 = arith.constant 0 : i32
      %dma_wait3A_390 = arith.constant 256 : i32
      %dma_wait3A_391 = tpu.memref_slice %arg12[%dma_wait3A_389, %dma_wait3A_390] : memref<32x1000xf32, #tpu.memory_space<vmem>> -> memref<32x128xf32, #tpu.memory_space<vmem>>
      %dma_wait3A_392 = tpu.memref_slice %arg8[%mul3A_368] : memref<1600xi32, #tpu.memory_space<vmem>> -> memref<32xi32, #tpu.memory_space<vmem>>
      %dma_wait3A_393 = arith.constant 0 : i32
      %dma_wait3A_394 = arith.constant 256 : i32
      %dma_wait3A_395 = tpu.memref_slice %arg2[%dma_wait3A_393, %dma_wait3A_394] : memref<1000x1024xf32, #tpu.memory_space<hbm>> -> memref<1000x128xf32, #tpu.memory_space<hbm>>
      %dma_wait3A_396 = arith.constant 0 : i32
      %dma_wait3A_397 = arith.constant 0 : i32
      %dma_wait3A_398 = tpu.memref_slice %dma_wait3A_395[%dma_wait3A_396, %dma_wait3A_397] : memref<1000x128xf32, #tpu.memory_space<hbm>> -> memref<1000x128xf32, #tpu.memory_space<hbm>>
      tpu.wait_indirect_dma semaphore(%arg16 : memref<!tpu.dma_semaphore, #tpu.memory_space<semaphore_mem>>) src(%dma_wait3A_398 : memref<1000x128xf32, #tpu.memory_space<hbm>>) dst(%dma_wait3A_391 : memref<32x128xf32, #tpu.memory_space<vmem>>)
      %dma_wait3A_399 = arith.constant 0 : i32
      %dma_wait3A_400 = arith.constant 384 : i32
      %dma_wait3A_401 = tpu.memref_slice %arg12[%dma_wait3A_399, %dma_wait3A_400] : memref<32x1000xf32, #tpu.memory_space<vmem>> -> memref<32x128xf32, #tpu.memory_space<vmem>>
      %dma_wait3A_402 = tpu.memref_slice %arg8[%mul3A_368] : memref<1600xi32, #tpu.memory_space<vmem>> -> memref<32xi32, #tpu.memory_space<vmem>>
      %dma_wait3A_403 = arith.constant 0 : i32
      %dma_wait3A_404 = arith.constant 384 : i32
      %dma_wait3A_405 = tpu.memref_slice %arg2[%dma_wait3A_403, %dma_wait3A_404] : memref<1000x1024xf32, #tpu.memory_space<hbm>> -> memref<1000x128xf32, #tpu.memory_space<hbm>>
      %dma_wait3A_406 = arith.constant 0 : i32
      %dma_wait3A_407 = arith.constant 0 : i32
      %dma_wait3A_408 = tpu.memref_slice %dma_wait3A_405[%dma_wait3A_406, %dma_wait3A_407] : memref<1000x128xf32, #tpu.memory_space<hbm>> -> memref<1000x128xf32, #tpu.memory_space<hbm>>
      tpu.wait_indirect_dma semaphore(%arg16 : memref<!tpu.dma_semaphore, #tpu.memory_space<semaphore_mem>>) src(%dma_wait3A_408 : memref<1000x128xf32, #tpu.memory_space<hbm>>) dst(%dma_wait3A_401 : memref<32x128xf32, #tpu.memory_space<vmem>>)
      %dma_wait3A_409 = arith.constant 0 : i32
      %dma_wait3A_410 = arith.constant 512 : i32
      %dma_wait3A_411 = tpu.memref_slice %arg12[%dma_wait3A_409, %dma_wait3A_410] : memref<32x1000xf32, #tpu.memory_space<vmem>> -> memref<32x128xf32, #tpu.memory_space<vmem>>
      %dma_wait3A_412 = tpu.memref_slice %arg8[%mul3A_368] : memref<1600xi32, #tpu.memory_space<vmem>> -> memref<32xi32, #tpu.memory_space<vmem>>
      %dma_wait3A_413 = arith.constant 0 : i32
      %dma_wait3A_414 = arith.constant 512 : i32
      %dma_wait3A_415 = tpu.memref_slice %arg2[%dma_wait3A_413, %dma_wait3A_414] : memref<1000x1024xf32, #tpu.memory_space<hbm>> -> memref<1000x128xf32, #tpu.memory_space<hbm>>
      %dma_wait3A_416 = arith.constant 0 : i32
      %dma_wait3A_417 = arith.constant 0 : i32
      %dma_wait3A_418 = tpu.memref_slice %dma_wait3A_415[%dma_wait3A_416, %dma_wait3A_417] : memref<1000x128xf32, #tpu.memory_space<hbm>> -> memref<1000x128xf32, #tpu.memory_space<hbm>>
      tpu.wait_indirect_dma semaphore(%arg16 : memref<!tpu.dma_semaphore, #tpu.memory_space<semaphore_mem>>) src(%dma_wait3A_418 : memref<1000x128xf32, #tpu.memory_space<hbm>>) dst(%dma_wait3A_411 : memref<32x128xf32, #tpu.memory_space<vmem>>)
      %dma_wait3A_419 = arith.constant 0 : i32
      %dma_wait3A_420 = arith.constant 640 : i32
      %dma_wait3A_421 = tpu.memref_slice %arg12[%dma_wait3A_419, %dma_wait3A_420] : memref<32x1000xf32, #tpu.memory_space<vmem>> -> memref<32x128xf32, #tpu.memory_space<vmem>>
      %dma_wait3A_422 = tpu.memref_slice %arg8[%mul3A_368] : memref<1600xi32, #tpu.memory_space<vmem>> -> memref<32xi32, #tpu.memory_space<vmem>>
      %dma_wait3A_423 = arith.constant 0 : i32
      %dma_wait3A_424 = arith.constant 640 : i32
      %dma_wait3A_425 = tpu.memref_slice %arg2[%dma_wait3A_423, %dma_wait3A_424] : memref<1000x1024xf32, #tpu.memory_space<hbm>> -> memref<1000x128xf32, #tpu.memory_space<hbm>>
      %dma_wait3A_426 = arith.constant 0 : i32
      %dma_wait3A_427 = arith.constant 0 : i32
      %dma_wait3A_428 = tpu.memref_slice %dma_wait3A_425[%dma_wait3A_426, %dma_wait3A_427] : memref<1000x128xf32, #tpu.memory_space<hbm>> -> memref<1000x128xf32, #tpu.memory_space<hbm>>
      tpu.wait_indirect_dma semaphore(%arg16 : memref<!tpu.dma_semaphore, #tpu.memory_space<semaphore_mem>>) src(%dma_wait3A_428 : memref<1000x128xf32, #tpu.memory_space<hbm>>) dst(%dma_wait3A_421 : memref<32x128xf32, #tpu.memory_space<vmem>>)
      %dma_wait3A_429 = arith.constant 0 : i32
      %dma_wait3A_430 = arith.constant 768 : i32
      %dma_wait3A_431 = tpu.memref_slice %arg12[%dma_wait3A_429, %dma_wait3A_430] : memref<32x1000xf32, #tpu.memory_space<vmem>> -> memref<32x128xf32, #tpu.memory_space<vmem>>
      %dma_wait3A_432 = tpu.memref_slice %arg8[%mul3A_368] : memref<1600xi32, #tpu.memory_space<vmem>> -> memref<32xi32, #tpu.memory_space<vmem>>
      %dma_wait3A_433 = arith.constant 0 : i32
      %dma_wait3A_434 = arith.constant 768 : i32
      %dma_wait3A_435 = tpu.memref_slice %arg2[%dma_wait3A_433, %dma_wait3A_434] : memref<1000x1024xf32, #tpu.memory_space<hbm>> -> memref<1000x128xf32, #tpu.memory_space<hbm>>
      %dma_wait3A_436 = arith.constant 0 : i32
      %dma_wait3A_437 = arith.constant 0 : i32
      %dma_wait3A_438 = tpu.memref_slice %dma_wait3A_435[%dma_wait3A_436, %dma_wait3A_437] : memref<1000x128xf32, #tpu.memory_space<hbm>> -> memref<1000x128xf32, #tpu.memory_space<hbm>>
      tpu.wait_indirect_dma semaphore(%arg16 : memref<!tpu.dma_semaphore, #tpu.memory_space<semaphore_mem>>) src(%dma_wait3A_438 : memref<1000x128xf32, #tpu.memory_space<hbm>>) dst(%dma_wait3A_431 : memref<32x128xf32, #tpu.memory_space<vmem>>)
      %dma_wait3A_439 = tpu.memref_slice %arg8[%mul3A_368] : memref<1600xi32, #tpu.memory_space<vmem>> -> memref<32xi32, #tpu.memory_space<vmem>>
      %dma_wait3A_440 = arith.constant 0 : i32
      %dma_wait3A_441 = arith.constant 896 : i32
      %dma_wait3A_442 = tpu.memref_slice %arg2[%dma_wait3A_440, %dma_wait3A_441] : memref<1000x1024xf32, #tpu.memory_space<hbm>> -> memref<1000x128xf32, #tpu.memory_space<hbm>>
      %dma_wait3A_443 = arith.constant 0 : i32
      %dma_wait3A_444 = arith.constant 0 : i32
      %dma_wait3A_445 = tpu.memref_slice %dma_wait3A_442[%dma_wait3A_443, %dma_wait3A_444] : memref<1000x128xf32, #tpu.memory_space<hbm>> -> memref<1000x128xf32, #tpu.memory_space<hbm>>
      tpu.wait_indirect_dma semaphore(%arg16 : memref<!tpu.dma_semaphore, #tpu.memory_space<semaphore_mem>>) src(%dma_wait3A_445 : memref<1000x128xf32, #tpu.memory_space<hbm>>) dst(%arg14 : memref<32x128xf32, #tpu.memory_space<vmem>>)
      %scan3A_446 = arith.constant 0 : i32
      %scan3A_447 = arith.constant 32 : i32
      %scan3A_448 = arith.addi %scan3A_446, %scan3A_447 : i32
      %scan3A_449 = arith.constant 1 : i32
      scf.for %scan3A_778 = %scan3A_446 to %scan3A_448 step %scan3A_449  : i32 {
        %mul3A_779 = arith.constant 1 : i32
        %mul3A_780 = arith.muli %scan3A_778, %mul3A_779 : i32
        %add3A_781 = arith.constant 0 : i32
        %add3A_782 = arith.addi %add3A_781, %mul3A_780 : i32
        %get3A_783 = arith.index_cast %add3A_782 : i32 to index
        %get3A_784 = arith.constant 0 : index
        %get3A_785 = tpu.vector_load %arg14[%get3A_783, %get3A_784] {strides = array<i32>} : memref<32x128xf32, #tpu.memory_space<vmem>>, vector<16xf32>,
        %swap3A_786 = arith.index_cast %add3A_782 : i32 to index
        %swap3A_787 = arith.constant 896 : index
        %swap3A_788 = tpu.vector_load %arg12[%swap3A_786, %swap3A_787] {strides = array<i32>} : memref<32x1000xf32, #tpu.memory_space<vmem>>, vector<16xf32>,
        tpu.vector_store %arg12[%swap3A_786, %swap3A_787], %get3A_785 {strides = array<i32>} : memref<32x1000xf32, #tpu.memory_space<vmem>>, vector<16xf32>,
        %get3A_789 = arith.index_cast %add3A_782 : i32 to index
        %get3A_790 = arith.constant 16 : index
        %get3A_791 = tpu.vector_load %arg14[%get3A_789, %get3A_790] {strides = array<i32>} : memref<32x128xf32, #tpu.memory_space<vmem>>, vector<16xf32>,
        %swap3A_792 = arith.index_cast %add3A_782 : i32 to index
        %swap3A_793 = arith.constant 912 : index
        %swap3A_794 = tpu.vector_load %arg12[%swap3A_792, %swap3A_793] {strides = array<i32>} : memref<32x1000xf32, #tpu.memory_space<vmem>>, vector<16xf32>,
        tpu.vector_store %arg12[%swap3A_792, %swap3A_793], %get3A_791 {strides = array<i32>} : memref<32x1000xf32, #tpu.memory_space<vmem>>, vector<16xf32>,
        %get3A_795 = arith.index_cast %add3A_782 : i32 to index
        %get3A_796 = arith.constant 32 : index
        %get3A_797 = tpu.vector_load %arg14[%get3A_795, %get3A_796] {strides = array<i32>} : memref<32x128xf32, #tpu.memory_space<vmem>>, vector<16xf32>,
        %swap3A_798 = arith.index_cast %add3A_782 : i32 to index
        %swap3A_799 = arith.constant 928 : index
        %swap3A_800 = tpu.vector_load %arg12[%swap3A_798, %swap3A_799] {strides = array<i32>} : memref<32x1000xf32, #tpu.memory_space<vmem>>, vector<16xf32>,
        tpu.vector_store %arg12[%swap3A_798, %swap3A_799], %get3A_797 {strides = array<i32>} : memref<32x1000xf32, #tpu.memory_space<vmem>>, vector<16xf32>,
        %get3A_801 = arith.index_cast %add3A_782 : i32 to index
        %get3A_802 = arith.constant 48 : index
        %get3A_803 = tpu.vector_load %arg14[%get3A_801, %get3A_802] {strides = array<i32>} : memref<32x128xf32, #tpu.memory_space<vmem>>, vector<16xf32>,
        %swap3A_804 = arith.index_cast %add3A_782 : i32 to index
        %swap3A_805 = arith.constant 944 : index
        %swap3A_806 = tpu.vector_load %arg12[%swap3A_804, %swap3A_805] {strides = array<i32>} : memref<32x1000xf32, #tpu.memory_space<vmem>>, vector<16xf32>,
        tpu.vector_store %arg12[%swap3A_804, %swap3A_805], %get3A_803 {strides = array<i32>} : memref<32x1000xf32, #tpu.memory_space<vmem>>, vector<16xf32>,
        %get3A_807 = arith.index_cast %add3A_782 : i32 to index
        %get3A_808 = arith.constant 64 : index
        %get3A_809 = tpu.vector_load %arg14[%get3A_807, %get3A_808] {strides = array<i32>} : memref<32x128xf32, #tpu.memory_space<vmem>>, vector<16xf32>,
        %swap3A_810 = arith.index_cast %add3A_782 : i32 to index
        %swap3A_811 = arith.constant 960 : index
        %swap3A_812 = tpu.vector_load %arg12[%swap3A_810, %swap3A_811] {strides = array<i32>} : memref<32x1000xf32, #tpu.memory_space<vmem>>, vector<16xf32>,
        tpu.vector_store %arg12[%swap3A_810, %swap3A_811], %get3A_809 {strides = array<i32>} : memref<32x1000xf32, #tpu.memory_space<vmem>>, vector<16xf32>,
        %get3A_813 = arith.index_cast %add3A_782 : i32 to index
        %get3A_814 = arith.constant 80 : index
        %get3A_815 = tpu.vector_load %arg14[%get3A_813, %get3A_814] {strides = array<i32>} : memref<32x128xf32, #tpu.memory_space<vmem>>, vector<16xf32>,
        %swap3A_816 = arith.index_cast %add3A_782 : i32 to index
        %swap3A_817 = arith.constant 976 : index
        %swap3A_818 = tpu.vector_load %arg12[%swap3A_816, %swap3A_817] {strides = array<i32>} : memref<32x1000xf32, #tpu.memory_space<vmem>>, vector<16xf32>,
        tpu.vector_store %arg12[%swap3A_816, %swap3A_817], %get3A_815 {strides = array<i32>} : memref<32x1000xf32, #tpu.memory_space<vmem>>, vector<16xf32>,
        %get3A_819 = arith.index_cast %add3A_782 : i32 to index
        %get3A_820 = arith.constant 88 : index
        %get3A_821 = tpu.vector_load %arg14[%get3A_819, %get3A_820] {strides = array<i32>} : memref<32x128xf32, #tpu.memory_space<vmem>>, vector<16xf32>,
        %swap3A_822 = arith.index_cast %add3A_782 : i32 to index
        %swap3A_823 = arith.constant 984 : index
        %swap3A_824 = tpu.vector_load %arg12[%swap3A_822, %swap3A_823] {strides = array<i32>} : memref<32x1000xf32, #tpu.memory_space<vmem>>, vector<16xf32>,
        tpu.vector_store %arg12[%swap3A_822, %swap3A_823], %get3A_821 {strides = array<i32>} : memref<32x1000xf32, #tpu.memory_space<vmem>>, vector<16xf32>,
      }
      %scan3A_450 = arith.constant 32 : i32
      %mul3A_451 = arith.constant 32 : i32
      %mul3A_452 = arith.muli %add3A_366, %mul3A_451 : i32
      %add3A_453 = arith.addi %mul3A_2, %mul3A_452 : i32
      %dma_start3A_454 = arith.constant 0 : i32
      %dma_start3A_455 = arith.constant 0 : i32
      %dma_start3A_456 = tpu.memref_slice %arg12[%dma_start3A_454, %dma_start3A_455] : memref<32x1000xf32, #tpu.memory_space<vmem>> -> memref<32x128xf32, #tpu.memory_space<vmem>>
      %dma_start3A_457 = arith.constant 0 : i32
      %dma_start3A_458 = tpu.memref_slice %arg6[%add3A_453, %dma_start3A_457] : memref<51200x1000xf32, #tpu.memory_space<hbm>> -> memref<32x128xf32, #tpu.memory_space<hbm>>
      %dma_start3A_459 = arith.constant 0 : i32
      %dma_start3A_460 = tpu.memref_slice %arg6[%add3A_453, %dma_start3A_459] : memref<51200x1000xf32, #tpu.memory_space<hbm>> -> memref<32x128xf32, #tpu.memory_space<hbm>>
      %dma_start3A_461 = arith.constant 0 : i32
      %dma_start3A_462 = arith.constant 0 : i32
      %dma_start3A_463 = tpu.memref_slice %arg12[%dma_start3A_461, %dma_start3A_462] : memref<32x1000xf32, #tpu.memory_space<vmem>> -> memref<32x128xf32, #tpu.memory_space<vmem>>
      tpu.enqueue_dma source(%dma_start3A_463 : memref<32x128xf32, #tpu.memory_space<vmem>>) target(%dma_start3A_460 : memref<32x128xf32, #tpu.memory_space<hbm>>) target_semaphore(%arg18 : memref<!tpu.dma_semaphore, #tpu.memory_space<semaphore_mem>>)
      %dma_start3A_464 = arith.constant 0 : i32
      %dma_start3A_465 = arith.constant 128 : i32
      %dma_start3A_466 = tpu.memref_slice %arg12[%dma_start3A_464, %dma_start3A_465] : memref<32x1000xf32, #tpu.memory_space<vmem>> -> memref<32x128xf32, #tpu.memory_space<vmem>>
      %dma_start3A_467 = arith.constant 128 : i32
      %dma_start3A_468 = tpu.memref_slice %arg6[%add3A_453, %dma_start3A_467] : memref<51200x1000xf32, #tpu.memory_space<hbm>> -> memref<32x128xf32, #tpu.memory_space<hbm>>
      %dma_start3A_469 = arith.constant 128 : i32
      %dma_start3A_470 = tpu.memref_slice %arg6[%add3A_453, %dma_start3A_469] : memref<51200x1000xf32, #tpu.memory_space<hbm>> -> memref<32x128xf32, #tpu.memory_space<hbm>>
      %dma_start3A_471 = arith.constant 0 : i32
      %dma_start3A_472 = arith.constant 128 : i32
      %dma_start3A_473 = tpu.memref_slice %arg12[%dma_start3A_471, %dma_start3A_472] : memref<32x1000xf32, #tpu.memory_space<vmem>> -> memref<32x128xf32, #tpu.memory_space<vmem>>
      tpu.enqueue_dma source(%dma_start3A_473 : memref<32x128xf32, #tpu.memory_space<vmem>>) target(%dma_start3A_470 : memref<32x128xf32, #tpu.memory_space<hbm>>) target_semaphore(%arg18 : memref<!tpu.dma_semaphore, #tpu.memory_space<semaphore_mem>>)
      %dma_start3A_474 = arith.constant 0 : i32
      %dma_start3A_475 = arith.constant 256 : i32
      %dma_start3A_476 = tpu.memref_slice %arg12[%dma_start3A_474, %dma_start3A_475] : memref<32x1000xf32, #tpu.memory_space<vmem>> -> memref<32x128xf32, #tpu.memory_space<vmem>>
      %dma_start3A_477 = arith.constant 256 : i32
      %dma_start3A_478 = tpu.memref_slice %arg6[%add3A_453, %dma_start3A_477] : memref<51200x1000xf32, #tpu.memory_space<hbm>> -> memref<32x128xf32, #tpu.memory_space<hbm>>
      %dma_start3A_479 = arith.constant 256 : i32
      %dma_start3A_480 = tpu.memref_slice %arg6[%add3A_453, %dma_start3A_479] : memref<51200x1000xf32, #tpu.memory_space<hbm>> -> memref<32x128xf32, #tpu.memory_space<hbm>>
      %dma_start3A_481 = arith.constant 0 : i32
      %dma_start3A_482 = arith.constant 256 : i32
      %dma_start3A_483 = tpu.memref_slice %arg12[%dma_start3A_481, %dma_start3A_482] : memref<32x1000xf32, #tpu.memory_space<vmem>> -> memref<32x128xf32, #tpu.memory_space<vmem>>
      tpu.enqueue_dma source(%dma_start3A_483 : memref<32x128xf32, #tpu.memory_space<vmem>>) target(%dma_start3A_480 : memref<32x128xf32, #tpu.memory_space<hbm>>) target_semaphore(%arg18 : memref<!tpu.dma_semaphore, #tpu.memory_space<semaphore_mem>>)
      %dma_start3A_484 = arith.constant 0 : i32
      %dma_start3A_485 = arith.constant 384 : i32
      %dma_start3A_486 = tpu.memref_slice %arg12[%dma_start3A_484, %dma_start3A_485] : memref<32x1000xf32, #tpu.memory_space<vmem>> -> memref<32x128xf32, #tpu.memory_space<vmem>>
      %dma_start3A_487 = arith.constant 384 : i32
      %dma_start3A_488 = tpu.memref_slice %arg6[%add3A_453, %dma_start3A_487] : memref<51200x1000xf32, #tpu.memory_space<hbm>> -> memref<32x128xf32, #tpu.memory_space<hbm>>
      %dma_start3A_489 = arith.constant 384 : i32
      %dma_start3A_490 = tpu.memref_slice %arg6[%add3A_453, %dma_start3A_489] : memref<51200x1000xf32, #tpu.memory_space<hbm>> -> memref<32x128xf32, #tpu.memory_space<hbm>>
      %dma_start3A_491 = arith.constant 0 : i32
      %dma_start3A_492 = arith.constant 384 : i32
      %dma_start3A_493 = tpu.memref_slice %arg12[%dma_start3A_491, %dma_start3A_492] : memref<32x1000xf32, #tpu.memory_space<vmem>> -> memref<32x128xf32, #tpu.memory_space<vmem>>
      tpu.enqueue_dma source(%dma_start3A_493 : memref<32x128xf32, #tpu.memory_space<vmem>>) target(%dma_start3A_490 : memref<32x128xf32, #tpu.memory_space<hbm>>) target_semaphore(%arg18 : memref<!tpu.dma_semaphore, #tpu.memory_space<semaphore_mem>>)
      %dma_start3A_494 = arith.constant 0 : i32
      %dma_start3A_495 = arith.constant 512 : i32
      %dma_start3A_496 = tpu.memref_slice %arg12[%dma_start3A_494, %dma_start3A_495] : memref<32x1000xf32, #tpu.memory_space<vmem>> -> memref<32x128xf32, #tpu.memory_space<vmem>>
      %dma_start3A_497 = arith.constant 512 : i32
      %dma_start3A_498 = tpu.memref_slice %arg6[%add3A_453, %dma_start3A_497] : memref<51200x1000xf32, #tpu.memory_space<hbm>> -> memref<32x128xf32, #tpu.memory_space<hbm>>
      %dma_start3A_499 = arith.constant 512 : i32
      %dma_start3A_500 = tpu.memref_slice %arg6[%add3A_453, %dma_start3A_499] : memref<51200x1000xf32, #tpu.memory_space<hbm>> -> memref<32x128xf32, #tpu.memory_space<hbm>>
      %dma_start3A_501 = arith.constant 0 : i32
      %dma_start3A_502 = arith.constant 512 : i32
      %dma_start3A_503 = tpu.memref_slice %arg12[%dma_start3A_501, %dma_start3A_502] : memref<32x1000xf32, #tpu.memory_space<vmem>> -> memref<32x128xf32, #tpu.memory_space<vmem>>
      tpu.enqueue_dma source(%dma_start3A_503 : memref<32x128xf32, #tpu.memory_space<vmem>>) target(%dma_start3A_500 : memref<32x128xf32, #tpu.memory_space<hbm>>) target_semaphore(%arg18 : memref<!tpu.dma_semaphore, #tpu.memory_space<semaphore_mem>>)
      %dma_start3A_504 = arith.constant 0 : i32
      %dma_start3A_505 = arith.constant 640 : i32
      %dma_start3A_506 = tpu.memref_slice %arg12[%dma_start3A_504, %dma_start3A_505] : memref<32x1000xf32, #tpu.memory_space<vmem>> -> memref<32x128xf32, #tpu.memory_space<vmem>>
      %dma_start3A_507 = arith.constant 640 : i32
      %dma_start3A_508 = tpu.memref_slice %arg6[%add3A_453, %dma_start3A_507] : memref<51200x1000xf32, #tpu.memory_space<hbm>> -> memref<32x128xf32, #tpu.memory_space<hbm>>
      %dma_start3A_509 = arith.constant 640 : i32
      %dma_start3A_510 = tpu.memref_slice %arg6[%add3A_453, %dma_start3A_509] : memref<51200x1000xf32, #tpu.memory_space<hbm>> -> memref<32x128xf32, #tpu.memory_space<hbm>>
      %dma_start3A_511 = arith.constant 0 : i32
      %dma_start3A_512 = arith.constant 640 : i32
      %dma_start3A_513 = tpu.memref_slice %arg12[%dma_start3A_511, %dma_start3A_512] : memref<32x1000xf32, #tpu.memory_space<vmem>> -> memref<32x128xf32, #tpu.memory_space<vmem>>
      tpu.enqueue_dma source(%dma_start3A_513 : memref<32x128xf32, #tpu.memory_space<vmem>>) target(%dma_start3A_510 : memref<32x128xf32, #tpu.memory_space<hbm>>) target_semaphore(%arg18 : memref<!tpu.dma_semaphore, #tpu.memory_space<semaphore_mem>>)
      %dma_start3A_514 = arith.constant 0 : i32
      %dma_start3A_515 = arith.constant 768 : i32
      %dma_start3A_516 = tpu.memref_slice %arg12[%dma_start3A_514, %dma_start3A_515] : memref<32x1000xf32, #tpu.memory_space<vmem>> -> memref<32x128xf32, #tpu.memory_space<vmem>>
      %dma_start3A_517 = arith.constant 768 : i32
      %dma_start3A_518 = tpu.memref_slice %arg6[%add3A_453, %dma_start3A_517] : memref<51200x1000xf32, #tpu.memory_space<hbm>> -> memref<32x128xf32, #tpu.memory_space<hbm>>
      %dma_start3A_519 = arith.constant 768 : i32
      %dma_start3A_520 = tpu.memref_slice %arg6[%add3A_453, %dma_start3A_519] : memref<51200x1000xf32, #tpu.memory_space<hbm>> -> memref<32x128xf32, #tpu.memory_space<hbm>>
      %dma_start3A_521 = arith.constant 0 : i32
      %dma_start3A_522 = arith.constant 768 : i32
      %dma_start3A_523 = tpu.memref_slice %arg12[%dma_start3A_521, %dma_start3A_522] : memref<32x1000xf32, #tpu.memory_space<vmem>> -> memref<32x128xf32, #tpu.memory_space<vmem>>
      tpu.enqueue_dma source(%dma_start3A_523 : memref<32x128xf32, #tpu.memory_space<vmem>>) target(%dma_start3A_520 : memref<32x128xf32, #tpu.memory_space<hbm>>) target_semaphore(%arg18 : memref<!tpu.dma_semaphore, #tpu.memory_space<semaphore_mem>>)
      %dma_start3A_524 = arith.constant 0 : i32
      %dma_start3A_525 = arith.constant 896 : i32
      %dma_start3A_526 = tpu.memref_slice %arg12[%dma_start3A_524, %dma_start3A_525] : memref<32x1000xf32, #tpu.memory_space<vmem>> -> memref<32x104xf32, #tpu.memory_space<vmem>>
      %dma_start3A_527 = arith.constant 896 : i32
      %dma_start3A_528 = tpu.memref_slice %arg6[%add3A_453, %dma_start3A_527] : memref<51200x1000xf32, #tpu.memory_space<hbm>> -> memref<32x104xf32, #tpu.memory_space<hbm>>
      %dma_start3A_529 = arith.constant 896 : i32
      %dma_start3A_530 = tpu.memref_slice %arg6[%add3A_453, %dma_start3A_529] : memref<51200x1000xf32, #tpu.memory_space<hbm>> -> memref<32x104xf32, #tpu.memory_space<hbm>>
      %dma_start3A_531 = arith.constant 0 : i32
      %dma_start3A_532 = arith.constant 896 : i32
      %dma_start3A_533 = tpu.memref_slice %arg12[%dma_start3A_531, %dma_start3A_532] : memref<32x1000xf32, #tpu.memory_space<vmem>> -> memref<32x104xf32, #tpu.memory_space<vmem>>
      tpu.enqueue_dma source(%dma_start3A_533 : memref<32x104xf32, #tpu.memory_space<vmem>>) target(%dma_start3A_530 : memref<32x104xf32, #tpu.memory_space<hbm>>) target_semaphore(%arg18 : memref<!tpu.dma_semaphore, #tpu.memory_space<semaphore_mem>>)
      %iota3A = tpu.iota {dimensions = array<i32: 0>} : vector<16xi32>
      %add3A_534 = arith.constant 0 : i32
      %add3A_535 = vector.broadcast %add3A_534 : i32 to vector<16xi32>
      %add3A_536 = arith.addi %iota3A, %add3A_535 : vector<16xi32>
      %mul3A_537 = arith.constant 32 : i32
      %mul3A_538 = arith.muli %add3A_366, %mul3A_537 : i32
      %add3A_539 = arith.constant 0 : i32
      %add3A_540 = arith.addi %mul3A_538, %add3A_539 : i32
      %get3A = arith.index_cast %add3A_540 : i32 to index
      %get3A_541 = tpu.vector_load %arg9[%get3A] {strides = array<i32>} : memref<1600xi32, #tpu.memory_space<vmem>>, vector<16xi32>,
      %gather3A = tpu.vector_load_idx %arg12[%add3A_536, %get3A_541] : memref<32x1000xf32, #tpu.memory_space<vmem>>[vector<16xi32>, vector<16xi32>], vector<16xf32>,
      %get3A_542 = arith.constant 0 : index
      %get3A_543 = tpu.vector_load %arg11[%get3A_542] {strides = array<i32>} : memref<16xf32, #tpu.memory_space<vmem>>, vector<16xf32>,
      %sub3A = arith.subf %get3A_543, %gather3A : vector<16xf32>
      %swap3A_544 = arith.constant 0 : index
      %swap3A_545 = tpu.vector_load %arg11[%swap3A_544] {strides = array<i32>} : memref<16xf32, #tpu.memory_space<vmem>>, vector<16xf32>,
      tpu.vector_store %arg11[%swap3A_544], %sub3A {strides = array<i32>} : memref<16xf32, #tpu.memory_space<vmem>>, vector<16xf32>,
      %iota3A_546 = tpu.iota {dimensions = array<i32: 0>} : vector<16xi32>
      %add3A_547 = arith.constant 16 : i32
      %add3A_548 = vector.broadcast %add3A_547 : i32 to vector<16xi32>
      %add3A_549 = arith.addi %iota3A_546, %add3A_548 : vector<16xi32>
      %mul3A_550 = arith.constant 32 : i32
      %mul3A_551 = arith.muli %add3A_366, %mul3A_550 : i32
      %add3A_552 = arith.constant 16 : i32
      %add3A_553 = arith.addi %mul3A_551, %add3A_552 : i32
      %get3A_554 = arith.index_cast %add3A_553 : i32 to index
      %get3A_555 = tpu.vector_load %arg9[%get3A_554] {strides = array<i32>} : memref<1600xi32, #tpu.memory_space<vmem>>, vector<16xi32>,
      %gather3A_556 = tpu.vector_load_idx %arg12[%add3A_549, %get3A_555] : memref<32x1000xf32, #tpu.memory_space<vmem>>[vector<16xi32>, vector<16xi32>], vector<16xf32>,
      %get3A_557 = arith.constant 0 : index
      %get3A_558 = tpu.vector_load %arg11[%get3A_557] {strides = array<i32>} : memref<16xf32, #tpu.memory_space<vmem>>, vector<16xf32>,
      %sub3A_559 = arith.subf %get3A_558, %gather3A_556 : vector<16xf32>
      %swap3A_560 = arith.constant 0 : index
      %swap3A_561 = tpu.vector_load %arg11[%swap3A_560] {strides = array<i32>} : memref<16xf32, #tpu.memory_space<vmem>>, vector<16xf32>,
      tpu.vector_store %arg11[%swap3A_560], %sub3A_559 {strides = array<i32>} : memref<16xf32, #tpu.memory_space<vmem>>, vector<16xf32>,
      %add3A_562 = arith.constant 1 : i32
      %add3A_563 = arith.addi %add3A_364, %add3A_562 : i32
      %mul3A_564 = arith.constant 32 : i32
      %mul3A_565 = arith.muli %add3A_563, %mul3A_564 : i32
      %dma_wait3A_566 = arith.constant 0 : i32
      %dma_wait3A_567 = arith.constant 0 : i32
      %dma_wait3A_568 = tpu.memref_slice %arg13[%dma_wait3A_566, %dma_wait3A_567] : memref<32x1000xf32, #tpu.memory_space<vmem>> -> memref<32x128xf32, #tpu.memory_space<vmem>>
      %dma_wait3A_569 = tpu.memref_slice %arg8[%mul3A_565] : memref<1600xi32, #tpu.memory_space<vmem>> -> memref<32xi32, #tpu.memory_space<vmem>>
      %dma_wait3A_570 = arith.constant 0 : i32
      %dma_wait3A_571 = arith.constant 0 : i32
      %dma_wait3A_572 = tpu.memref_slice %arg2[%dma_wait3A_570, %dma_wait3A_571] : memref<1000x1024xf32, #tpu.memory_space<hbm>> -> memref<1000x128xf32, #tpu.memory_space<hbm>>
      %dma_wait3A_573 = arith.constant 0 : i32
      %dma_wait3A_574 = arith.constant 0 : i32
      %dma_wait3A_575 = tpu.memref_slice %dma_wait3A_572[%dma_wait3A_573, %dma_wait3A_574] : memref<1000x128xf32, #tpu.memory_space<hbm>> -> memref<1000x128xf32, #tpu.memory_space<hbm>>
      tpu.wait_indirect_dma semaphore(%arg17 : memref<!tpu.dma_semaphore, #tpu.memory_space<semaphore_mem>>) src(%dma_wait3A_575 : memref<1000x128xf32, #tpu.memory_space<hbm>>) dst(%dma_wait3A_568 : memref<32x128xf32, #tpu.memory_space<vmem>>)
      %dma_wait3A_576 = arith.constant 0 : i32
      %dma_wait3A_577 = arith.constant 128 : i32
      %dma_wait3A_578 = tpu.memref_slice %arg13[%dma_wait3A_576, %dma_wait3A_577] : memref<32x1000xf32, #tpu.memory_space<vmem>> -> memref<32x128xf32, #tpu.memory_space<vmem>>
      %dma_wait3A_579 = tpu.memref_slice %arg8[%mul3A_565] : memref<1600xi32, #tpu.memory_space<vmem>> -> memref<32xi32, #tpu.memory_space<vmem>>
      %dma_wait3A_580 = arith.constant 0 : i32
      %dma_wait3A_581 = arith.constant 128 : i32
      %dma_wait3A_582 = tpu.memref_slice %arg2[%dma_wait3A_580, %dma_wait3A_581] : memref<1000x1024xf32, #tpu.memory_space<hbm>> -> memref<1000x128xf32, #tpu.memory_space<hbm>>
      %dma_wait3A_583 = arith.constant 0 : i32
      %dma_wait3A_584 = arith.constant 0 : i32
      %dma_wait3A_585 = tpu.memref_slice %dma_wait3A_582[%dma_wait3A_583, %dma_wait3A_584] : memref<1000x128xf32, #tpu.memory_space<hbm>> -> memref<1000x128xf32, #tpu.memory_space<hbm>>
      tpu.wait_indirect_dma semaphore(%arg17 : memref<!tpu.dma_semaphore, #tpu.memory_space<semaphore_mem>>) src(%dma_wait3A_585 : memref<1000x128xf32, #tpu.memory_space<hbm>>) dst(%dma_wait3A_578 : memref<32x128xf32, #tpu.memory_space<vmem>>)
      %dma_wait3A_586 = arith.constant 0 : i32
      %dma_wait3A_587 = arith.constant 256 : i32
      %dma_wait3A_588 = tpu.memref_slice %arg13[%dma_wait3A_586, %dma_wait3A_587] : memref<32x1000xf32, #tpu.memory_space<vmem>> -> memref<32x128xf32, #tpu.memory_space<vmem>>
      %dma_wait3A_589 = tpu.memref_slice %arg8[%mul3A_565] : memref<1600xi32, #tpu.memory_space<vmem>> -> memref<32xi32, #tpu.memory_space<vmem>>
      %dma_wait3A_590 = arith.constant 0 : i32
      %dma_wait3A_591 = arith.constant 256 : i32
      %dma_wait3A_592 = tpu.memref_slice %arg2[%dma_wait3A_590, %dma_wait3A_591] : memref<1000x1024xf32, #tpu.memory_space<hbm>> -> memref<1000x128xf32, #tpu.memory_space<hbm>>
      %dma_wait3A_593 = arith.constant 0 : i32
      %dma_wait3A_594 = arith.constant 0 : i32
      %dma_wait3A_595 = tpu.memref_slice %dma_wait3A_592[%dma_wait3A_593, %dma_wait3A_594] : memref<1000x128xf32, #tpu.memory_space<hbm>> -> memref<1000x128xf32, #tpu.memory_space<hbm>>
      tpu.wait_indirect_dma semaphore(%arg17 : memref<!tpu.dma_semaphore, #tpu.memory_space<semaphore_mem>>) src(%dma_wait3A_595 : memref<1000x128xf32, #tpu.memory_space<hbm>>) dst(%dma_wait3A_588 : memref<32x128xf32, #tpu.memory_space<vmem>>)
      %dma_wait3A_596 = arith.constant 0 : i32
      %dma_wait3A_597 = arith.constant 384 : i32
      %dma_wait3A_598 = tpu.memref_slice %arg13[%dma_wait3A_596, %dma_wait3A_597] : memref<32x1000xf32, #tpu.memory_space<vmem>> -> memref<32x128xf32, #tpu.memory_space<vmem>>
      %dma_wait3A_599 = tpu.memref_slice %arg8[%mul3A_565] : memref<1600xi32, #tpu.memory_space<vmem>> -> memref<32xi32, #tpu.memory_space<vmem>>
      %dma_wait3A_600 = arith.constant 0 : i32
      %dma_wait3A_601 = arith.constant 384 : i32
      %dma_wait3A_602 = tpu.memref_slice %arg2[%dma_wait3A_600, %dma_wait3A_601] : memref<1000x1024xf32, #tpu.memory_space<hbm>> -> memref<1000x128xf32, #tpu.memory_space<hbm>>
      %dma_wait3A_603 = arith.constant 0 : i32
      %dma_wait3A_604 = arith.constant 0 : i32
      %dma_wait3A_605 = tpu.memref_slice %dma_wait3A_602[%dma_wait3A_603, %dma_wait3A_604] : memref<1000x128xf32, #tpu.memory_space<hbm>> -> memref<1000x128xf32, #tpu.memory_space<hbm>>
      tpu.wait_indirect_dma semaphore(%arg17 : memref<!tpu.dma_semaphore, #tpu.memory_space<semaphore_mem>>) src(%dma_wait3A_605 : memref<1000x128xf32, #tpu.memory_space<hbm>>) dst(%dma_wait3A_598 : memref<32x128xf32, #tpu.memory_space<vmem>>)
      %dma_wait3A_606 = arith.constant 0 : i32
      %dma_wait3A_607 = arith.constant 512 : i32
      %dma_wait3A_608 = tpu.memref_slice %arg13[%dma_wait3A_606, %dma_wait3A_607] : memref<32x1000xf32, #tpu.memory_space<vmem>> -> memref<32x128xf32, #tpu.memory_space<vmem>>
      %dma_wait3A_609 = tpu.memref_slice %arg8[%mul3A_565] : memref<1600xi32, #tpu.memory_space<vmem>> -> memref<32xi32, #tpu.memory_space<vmem>>
      %dma_wait3A_610 = arith.constant 0 : i32
      %dma_wait3A_611 = arith.constant 512 : i32
      %dma_wait3A_612 = tpu.memref_slice %arg2[%dma_wait3A_610, %dma_wait3A_611] : memref<1000x1024xf32, #tpu.memory_space<hbm>> -> memref<1000x128xf32, #tpu.memory_space<hbm>>
      %dma_wait3A_613 = arith.constant 0 : i32
      %dma_wait3A_614 = arith.constant 0 : i32
      %dma_wait3A_615 = tpu.memref_slice %dma_wait3A_612[%dma_wait3A_613, %dma_wait3A_614] : memref<1000x128xf32, #tpu.memory_space<hbm>> -> memref<1000x128xf32, #tpu.memory_space<hbm>>
      tpu.wait_indirect_dma semaphore(%arg17 : memref<!tpu.dma_semaphore, #tpu.memory_space<semaphore_mem>>) src(%dma_wait3A_615 : memref<1000x128xf32, #tpu.memory_space<hbm>>) dst(%dma_wait3A_608 : memref<32x128xf32, #tpu.memory_space<vmem>>)
      %dma_wait3A_616 = arith.constant 0 : i32
      %dma_wait3A_617 = arith.constant 640 : i32
      %dma_wait3A_618 = tpu.memref_slice %arg13[%dma_wait3A_616, %dma_wait3A_617] : memref<32x1000xf32, #tpu.memory_space<vmem>> -> memref<32x128xf32, #tpu.memory_space<vmem>>
      %dma_wait3A_619 = tpu.memref_slice %arg8[%mul3A_565] : memref<1600xi32, #tpu.memory_space<vmem>> -> memref<32xi32, #tpu.memory_space<vmem>>
      %dma_wait3A_620 = arith.constant 0 : i32
      %dma_wait3A_621 = arith.constant 640 : i32
      %dma_wait3A_622 = tpu.memref_slice %arg2[%dma_wait3A_620, %dma_wait3A_621] : memref<1000x1024xf32, #tpu.memory_space<hbm>> -> memref<1000x128xf32, #tpu.memory_space<hbm>>
      %dma_wait3A_623 = arith.constant 0 : i32
      %dma_wait3A_624 = arith.constant 0 : i32
      %dma_wait3A_625 = tpu.memref_slice %dma_wait3A_622[%dma_wait3A_623, %dma_wait3A_624] : memref<1000x128xf32, #tpu.memory_space<hbm>> -> memref<1000x128xf32, #tpu.memory_space<hbm>>
      tpu.wait_indirect_dma semaphore(%arg17 : memref<!tpu.dma_semaphore, #tpu.memory_space<semaphore_mem>>) src(%dma_wait3A_625 : memref<1000x128xf32, #tpu.memory_space<hbm>>) dst(%dma_wait3A_618 : memref<32x128xf32, #tpu.memory_space<vmem>>)
      %dma_wait3A_626 = arith.constant 0 : i32
      %dma_wait3A_627 = arith.constant 768 : i32
      %dma_wait3A_628 = tpu.memref_slice %arg13[%dma_wait3A_626, %dma_wait3A_627] : memref<32x1000xf32, #tpu.memory_space<vmem>> -> memref<32x128xf32, #tpu.memory_space<vmem>>
      %dma_wait3A_629 = tpu.memref_slice %arg8[%mul3A_565] : memref<1600xi32, #tpu.memory_space<vmem>> -> memref<32xi32, #tpu.memory_space<vmem>>
      %dma_wait3A_630 = arith.constant 0 : i32
      %dma_wait3A_631 = arith.constant 768 : i32
      %dma_wait3A_632 = tpu.memref_slice %arg2[%dma_wait3A_630, %dma_wait3A_631] : memref<1000x1024xf32, #tpu.memory_space<hbm>> -> memref<1000x128xf32, #tpu.memory_space<hbm>>
      %dma_wait3A_633 = arith.constant 0 : i32
      %dma_wait3A_634 = arith.constant 0 : i32
      %dma_wait3A_635 = tpu.memref_slice %dma_wait3A_632[%dma_wait3A_633, %dma_wait3A_634] : memref<1000x128xf32, #tpu.memory_space<hbm>> -> memref<1000x128xf32, #tpu.memory_space<hbm>>
      tpu.wait_indirect_dma semaphore(%arg17 : memref<!tpu.dma_semaphore, #tpu.memory_space<semaphore_mem>>) src(%dma_wait3A_635 : memref<1000x128xf32, #tpu.memory_space<hbm>>) dst(%dma_wait3A_628 : memref<32x128xf32, #tpu.memory_space<vmem>>)
      %dma_wait3A_636 = tpu.memref_slice %arg8[%mul3A_565] : memref<1600xi32, #tpu.memory_space<vmem>> -> memref<32xi32, #tpu.memory_space<vmem>>
      %dma_wait3A_637 = arith.constant 0 : i32
      %dma_wait3A_638 = arith.constant 896 : i32
      %dma_wait3A_639 = tpu.memref_slice %arg2[%dma_wait3A_637, %dma_wait3A_638] : memref<1000x1024xf32, #tpu.memory_space<hbm>> -> memref<1000x128xf32, #tpu.memory_space<hbm>>
      %dma_wait3A_640 = arith.constant 0 : i32
      %dma_wait3A_641 = arith.constant 0 : i32
      %dma_wait3A_642 = tpu.memref_slice %dma_wait3A_639[%dma_wait3A_640, %dma_wait3A_641] : memref<1000x128xf32, #tpu.memory_space<hbm>> -> memref<1000x128xf32, #tpu.memory_space<hbm>>
      tpu.wait_indirect_dma semaphore(%arg17 : memref<!tpu.dma_semaphore, #tpu.memory_space<semaphore_mem>>) src(%dma_wait3A_642 : memref<1000x128xf32, #tpu.memory_space<hbm>>) dst(%arg15 : memref<32x128xf32, #tpu.memory_space<vmem>>)
      %scan3A_643 = arith.constant 0 : i32
      %scan3A_644 = arith.constant 32 : i32
      %scan3A_645 = arith.addi %scan3A_643, %scan3A_644 : i32
      %scan3A_646 = arith.constant 1 : i32
      scf.for %scan3A_778 = %scan3A_643 to %scan3A_645 step %scan3A_646  : i32 {
        %mul3A_779 = arith.constant 1 : i32
        %mul3A_780 = arith.muli %scan3A_778, %mul3A_779 : i32
        %add3A_781 = arith.constant 0 : i32
        %add3A_782 = arith.addi %add3A_781, %mul3A_780 : i32
        %get3A_783 = arith.index_cast %add3A_782 : i32 to index
        %get3A_784 = arith.constant 0 : index
        %get3A_785 = tpu.vector_load %arg15[%get3A_783, %get3A_784] {strides = array<i32>} : memref<32x128xf32, #tpu.memory_space<vmem>>, vector<16xf32>,
        %swap3A_786 = arith.index_cast %add3A_782 : i32 to index
        %swap3A_787 = arith.constant 896 : index
        %swap3A_788 = tpu.vector_load %arg13[%swap3A_786, %swap3A_787] {strides = array<i32>} : memref<32x1000xf32, #tpu.memory_space<vmem>>, vector<16xf32>,
        tpu.vector_store %arg13[%swap3A_786, %swap3A_787], %get3A_785 {strides = array<i32>} : memref<32x1000xf32, #tpu.memory_space<vmem>>, vector<16xf32>,
        %get3A_789 = arith.index_cast %add3A_782 : i32 to index
        %get3A_790 = arith.constant 16 : index
        %get3A_791 = tpu.vector_load %arg15[%get3A_789, %get3A_790] {strides = array<i32>} : memref<32x128xf32, #tpu.memory_space<vmem>>, vector<16xf32>,
        %swap3A_792 = arith.index_cast %add3A_782 : i32 to index
        %swap3A_793 = arith.constant 912 : index
        %swap3A_794 = tpu.vector_load %arg13[%swap3A_792, %swap3A_793] {strides = array<i32>} : memref<32x1000xf32, #tpu.memory_space<vmem>>, vector<16xf32>,
        tpu.vector_store %arg13[%swap3A_792, %swap3A_793], %get3A_791 {strides = array<i32>} : memref<32x1000xf32, #tpu.memory_space<vmem>>, vector<16xf32>,
        %get3A_795 = arith.index_cast %add3A_782 : i32 to index
        %get3A_796 = arith.constant 32 : index
        %get3A_797 = tpu.vector_load %arg15[%get3A_795, %get3A_796] {strides = array<i32>} : memref<32x128xf32, #tpu.memory_space<vmem>>, vector<16xf32>,
        %swap3A_798 = arith.index_cast %add3A_782 : i32 to index
        %swap3A_799 = arith.constant 928 : index
        %swap3A_800 = tpu.vector_load %arg13[%swap3A_798, %swap3A_799] {strides = array<i32>} : memref<32x1000xf32, #tpu.memory_space<vmem>>, vector<16xf32>,
        tpu.vector_store %arg13[%swap3A_798, %swap3A_799], %get3A_797 {strides = array<i32>} : memref<32x1000xf32, #tpu.memory_space<vmem>>, vector<16xf32>,
        %get3A_801 = arith.index_cast %add3A_782 : i32 to index
        %get3A_802 = arith.constant 48 : index
        %get3A_803 = tpu.vector_load %arg15[%get3A_801, %get3A_802] {strides = array<i32>} : memref<32x128xf32, #tpu.memory_space<vmem>>, vector<16xf32>,
        %swap3A_804 = arith.index_cast %add3A_782 : i32 to index
        %swap3A_805 = arith.constant 944 : index
        %swap3A_806 = tpu.vector_load %arg13[%swap3A_804, %swap3A_805] {strides = array<i32>} : memref<32x1000xf32, #tpu.memory_space<vmem>>, vector<16xf32>,
        tpu.vector_store %arg13[%swap3A_804, %swap3A_805], %get3A_803 {strides = array<i32>} : memref<32x1000xf32, #tpu.memory_space<vmem>>, vector<16xf32>,
        %get3A_807 = arith.index_cast %add3A_782 : i32 to index
        %get3A_808 = arith.constant 64 : index
        %get3A_809 = tpu.vector_load %arg15[%get3A_807, %get3A_808] {strides = array<i32>} : memref<32x128xf32, #tpu.memory_space<vmem>>, vector<16xf32>,
        %swap3A_810 = arith.index_cast %add3A_782 : i32 to index
        %swap3A_811 = arith.constant 960 : index
        %swap3A_812 = tpu.vector_load %arg13[%swap3A_810, %swap3A_811] {strides = array<i32>} : memref<32x1000xf32, #tpu.memory_space<vmem>>, vector<16xf32>,
        tpu.vector_store %arg13[%swap3A_810, %swap3A_811], %get3A_809 {strides = array<i32>} : memref<32x1000xf32, #tpu.memory_space<vmem>>, vector<16xf32>,
        %get3A_813 = arith.index_cast %add3A_782 : i32 to index
        %get3A_814 = arith.constant 80 : index
        %get3A_815 = tpu.vector_load %arg15[%get3A_813, %get3A_814] {strides = array<i32>} : memref<32x128xf32, #tpu.memory_space<vmem>>, vector<16xf32>,
        %swap3A_816 = arith.index_cast %add3A_782 : i32 to index
        %swap3A_817 = arith.constant 976 : index
        %swap3A_818 = tpu.vector_load %arg13[%swap3A_816, %swap3A_817] {strides = array<i32>} : memref<32x1000xf32, #tpu.memory_space<vmem>>, vector<16xf32>,
        tpu.vector_store %arg13[%swap3A_816, %swap3A_817], %get3A_815 {strides = array<i32>} : memref<32x1000xf32, #tpu.memory_space<vmem>>, vector<16xf32>,
        %get3A_819 = arith.index_cast %add3A_782 : i32 to index
        %get3A_820 = arith.constant 88 : index
        %get3A_821 = tpu.vector_load %arg15[%get3A_819, %get3A_820] {strides = array<i32>} : memref<32x128xf32, #tpu.memory_space<vmem>>, vector<16xf32>,
        %swap3A_822 = arith.index_cast %add3A_782 : i32 to index
        %swap3A_823 = arith.constant 984 : index
        %swap3A_824 = tpu.vector_load %arg13[%swap3A_822, %swap3A_823] {strides = array<i32>} : memref<32x1000xf32, #tpu.memory_space<vmem>>, vector<16xf32>,
        tpu.vector_store %arg13[%swap3A_822, %swap3A_823], %get3A_821 {strides = array<i32>} : memref<32x1000xf32, #tpu.memory_space<vmem>>, vector<16xf32>,
      }
      %scan3A_647 = arith.constant 32 : i32
      %mul3A_648 = arith.constant 32 : i32
      %mul3A_649 = arith.muli %add3A_563, %mul3A_648 : i32
      %add3A_650 = arith.addi %mul3A_2, %mul3A_649 : i32
      %dma_start3A_651 = arith.constant 0 : i32
      %dma_start3A_652 = arith.constant 0 : i32
      %dma_start3A_653 = tpu.memref_slice %arg13[%dma_start3A_651, %dma_start3A_652] : memref<32x1000xf32, #tpu.memory_space<vmem>> -> memref<32x128xf32, #tpu.memory_space<vmem>>
      %dma_start3A_654 = arith.constant 0 : i32
      %dma_start3A_655 = tpu.memref_slice %arg6[%add3A_650, %dma_start3A_654] : memref<51200x1000xf32, #tpu.memory_space<hbm>> -> memref<32x128xf32, #tpu.memory_space<hbm>>
      %dma_start3A_656 = arith.constant 0 : i32
      %dma_start3A_657 = tpu.memref_slice %arg6[%add3A_650, %dma_start3A_656] : memref<51200x1000xf32, #tpu.memory_space<hbm>> -> memref<32x128xf32, #tpu.memory_space<hbm>>
      %dma_start3A_658 = arith.constant 0 : i32
      %dma_start3A_659 = arith.constant 0 : i32
      %dma_start3A_660 = tpu.memref_slice %arg13[%dma_start3A_658, %dma_start3A_659] : memref<32x1000xf32, #tpu.memory_space<vmem>> -> memref<32x128xf32, #tpu.memory_space<vmem>>
      tpu.enqueue_dma source(%dma_start3A_660 : memref<32x128xf32, #tpu.memory_space<vmem>>) target(%dma_start3A_657 : memref<32x128xf32, #tpu.memory_space<hbm>>) target_semaphore(%arg19 : memref<!tpu.dma_semaphore, #tpu.memory_space<semaphore_mem>>)
      %dma_start3A_661 = arith.constant 0 : i32
      %dma_start3A_662 = arith.constant 128 : i32
      %dma_start3A_663 = tpu.memref_slice %arg13[%dma_start3A_661, %dma_start3A_662] : memref<32x1000xf32, #tpu.memory_space<vmem>> -> memref<32x128xf32, #tpu.memory_space<vmem>>
      %dma_start3A_664 = arith.constant 128 : i32
      %dma_start3A_665 = tpu.memref_slice %arg6[%add3A_650, %dma_start3A_664] : memref<51200x1000xf32, #tpu.memory_space<hbm>> -> memref<32x128xf32, #tpu.memory_space<hbm>>
      %dma_start3A_666 = arith.constant 128 : i32
      %dma_start3A_667 = tpu.memref_slice %arg6[%add3A_650, %dma_start3A_666] : memref<51200x1000xf32, #tpu.memory_space<hbm>> -> memref<32x128xf32, #tpu.memory_space<hbm>>
      %dma_start3A_668 = arith.constant 0 : i32
      %dma_start3A_669 = arith.constant 128 : i32
      %dma_start3A_670 = tpu.memref_slice %arg13[%dma_start3A_668, %dma_start3A_669] : memref<32x1000xf32, #tpu.memory_space<vmem>> -> memref<32x128xf32, #tpu.memory_space<vmem>>
      tpu.enqueue_dma source(%dma_start3A_670 : memref<32x128xf32, #tpu.memory_space<vmem>>) target(%dma_start3A_667 : memref<32x128xf32, #tpu.memory_space<hbm>>) target_semaphore(%arg19 : memref<!tpu.dma_semaphore, #tpu.memory_space<semaphore_mem>>)
      %dma_start3A_671 = arith.constant 0 : i32
      %dma_start3A_672 = arith.constant 256 : i32
      %dma_start3A_673 = tpu.memref_slice %arg13[%dma_start3A_671, %dma_start3A_672] : memref<32x1000xf32, #tpu.memory_space<vmem>> -> memref<32x128xf32, #tpu.memory_space<vmem>>
      %dma_start3A_674 = arith.constant 256 : i32
      %dma_start3A_675 = tpu.memref_slice %arg6[%add3A_650, %dma_start3A_674] : memref<51200x1000xf32, #tpu.memory_space<hbm>> -> memref<32x128xf32, #tpu.memory_space<hbm>>
      %dma_start3A_676 = arith.constant 256 : i32
      %dma_start3A_677 = tpu.memref_slice %arg6[%add3A_650, %dma_start3A_676] : memref<51200x1000xf32, #tpu.memory_space<hbm>> -> memref<32x128xf32, #tpu.memory_space<hbm>>
      %dma_start3A_678 = arith.constant 0 : i32
      %dma_start3A_679 = arith.constant 256 : i32
      %dma_start3A_680 = tpu.memref_slice %arg13[%dma_start3A_678, %dma_start3A_679] : memref<32x1000xf32, #tpu.memory_space<vmem>> -> memref<32x128xf32, #tpu.memory_space<vmem>>
      tpu.enqueue_dma source(%dma_start3A_680 : memref<32x128xf32, #tpu.memory_space<vmem>>) target(%dma_start3A_677 : memref<32x128xf32, #tpu.memory_space<hbm>>) target_semaphore(%arg19 : memref<!tpu.dma_semaphore, #tpu.memory_space<semaphore_mem>>)
      %dma_start3A_681 = arith.constant 0 : i32
      %dma_start3A_682 = arith.constant 384 : i32
      %dma_start3A_683 = tpu.memref_slice %arg13[%dma_start3A_681, %dma_start3A_682] : memref<32x1000xf32, #tpu.memory_space<vmem>> -> memref<32x128xf32, #tpu.memory_space<vmem>>
      %dma_start3A_684 = arith.constant 384 : i32
      %dma_start3A_685 = tpu.memref_slice %arg6[%add3A_650, %dma_start3A_684] : memref<51200x1000xf32, #tpu.memory_space<hbm>> -> memref<32x128xf32, #tpu.memory_space<hbm>>
      %dma_start3A_686 = arith.constant 384 : i32
      %dma_start3A_687 = tpu.memref_slice %arg6[%add3A_650, %dma_start3A_686] : memref<51200x1000xf32, #tpu.memory_space<hbm>> -> memref<32x128xf32, #tpu.memory_space<hbm>>
      %dma_start3A_688 = arith.constant 0 : i32
      %dma_start3A_689 = arith.constant 384 : i32
      %dma_start3A_690 = tpu.memref_slice %arg13[%dma_start3A_688, %dma_start3A_689] : memref<32x1000xf32, #tpu.memory_space<vmem>> -> memref<32x128xf32, #tpu.memory_space<vmem>>
      tpu.enqueue_dma source(%dma_start3A_690 : memref<32x128xf32, #tpu.memory_space<vmem>>) target(%dma_start3A_687 : memref<32x128xf32, #tpu.memory_space<hbm>>) target_semaphore(%arg19 : memref<!tpu.dma_semaphore, #tpu.memory_space<semaphore_mem>>)
      %dma_start3A_691 = arith.constant 0 : i32
      %dma_start3A_692 = arith.constant 512 : i32
      %dma_start3A_693 = tpu.memref_slice %arg13[%dma_start3A_691, %dma_start3A_692] : memref<32x1000xf32, #tpu.memory_space<vmem>> -> memref<32x128xf32, #tpu.memory_space<vmem>>
      %dma_start3A_694 = arith.constant 512 : i32
      %dma_start3A_695 = tpu.memref_slice %arg6[%add3A_650, %dma_start3A_694] : memref<51200x1000xf32, #tpu.memory_space<hbm>> -> memref<32x128xf32, #tpu.memory_space<hbm>>
      %dma_start3A_696 = arith.constant 512 : i32
      %dma_start3A_697 = tpu.memref_slice %arg6[%add3A_650, %dma_start3A_696] : memref<51200x1000xf32, #tpu.memory_space<hbm>> -> memref<32x128xf32, #tpu.memory_space<hbm>>
      %dma_start3A_698 = arith.constant 0 : i32
      %dma_start3A_699 = arith.constant 512 : i32
      %dma_start3A_700 = tpu.memref_slice %arg13[%dma_start3A_698, %dma_start3A_699] : memref<32x1000xf32, #tpu.memory_space<vmem>> -> memref<32x128xf32, #tpu.memory_space<vmem>>
      tpu.enqueue_dma source(%dma_start3A_700 : memref<32x128xf32, #tpu.memory_space<vmem>>) target(%dma_start3A_697 : memref<32x128xf32, #tpu.memory_space<hbm>>) target_semaphore(%arg19 : memref<!tpu.dma_semaphore, #tpu.memory_space<semaphore_mem>>)
      %dma_start3A_701 = arith.constant 0 : i32
      %dma_start3A_702 = arith.constant 640 : i32
      %dma_start3A_703 = tpu.memref_slice %arg13[%dma_start3A_701, %dma_start3A_702] : memref<32x1000xf32, #tpu.memory_space<vmem>> -> memref<32x128xf32, #tpu.memory_space<vmem>>
      %dma_start3A_704 = arith.constant 640 : i32
      %dma_start3A_705 = tpu.memref_slice %arg6[%add3A_650, %dma_start3A_704] : memref<51200x1000xf32, #tpu.memory_space<hbm>> -> memref<32x128xf32, #tpu.memory_space<hbm>>
      %dma_start3A_706 = arith.constant 640 : i32
      %dma_start3A_707 = tpu.memref_slice %arg6[%add3A_650, %dma_start3A_706] : memref<51200x1000xf32, #tpu.memory_space<hbm>> -> memref<32x128xf32, #tpu.memory_space<hbm>>
      %dma_start3A_708 = arith.constant 0 : i32
      %dma_start3A_709 = arith.constant 640 : i32
      %dma_start3A_710 = tpu.memref_slice %arg13[%dma_start3A_708, %dma_start3A_709] : memref<32x1000xf32, #tpu.memory_space<vmem>> -> memref<32x128xf32, #tpu.memory_space<vmem>>
      tpu.enqueue_dma source(%dma_start3A_710 : memref<32x128xf32, #tpu.memory_space<vmem>>) target(%dma_start3A_707 : memref<32x128xf32, #tpu.memory_space<hbm>>) target_semaphore(%arg19 : memref<!tpu.dma_semaphore, #tpu.memory_space<semaphore_mem>>)
      %dma_start3A_711 = arith.constant 0 : i32
      %dma_start3A_712 = arith.constant 768 : i32
      %dma_start3A_713 = tpu.memref_slice %arg13[%dma_start3A_711, %dma_start3A_712] : memref<32x1000xf32, #tpu.memory_space<vmem>> -> memref<32x128xf32, #tpu.memory_space<vmem>>
      %dma_start3A_714 = arith.constant 768 : i32
      %dma_start3A_715 = tpu.memref_slice %arg6[%add3A_650, %dma_start3A_714] : memref<51200x1000xf32, #tpu.memory_space<hbm>> -> memref<32x128xf32, #tpu.memory_space<hbm>>
      %dma_start3A_716 = arith.constant 768 : i32
      %dma_start3A_717 = tpu.memref_slice %arg6[%add3A_650, %dma_start3A_716] : memref<51200x1000xf32, #tpu.memory_space<hbm>> -> memref<32x128xf32, #tpu.memory_space<hbm>>
      %dma_start3A_718 = arith.constant 0 : i32
      %dma_start3A_719 = arith.constant 768 : i32
      %dma_start3A_720 = tpu.memref_slice %arg13[%dma_start3A_718, %dma_start3A_719] : memref<32x1000xf32, #tpu.memory_space<vmem>> -> memref<32x128xf32, #tpu.memory_space<vmem>>
      tpu.enqueue_dma source(%dma_start3A_720 : memref<32x128xf32, #tpu.memory_space<vmem>>) target(%dma_start3A_717 : memref<32x128xf32, #tpu.memory_space<hbm>>) target_semaphore(%arg19 : memref<!tpu.dma_semaphore, #tpu.memory_space<semaphore_mem>>)
      %dma_start3A_721 = arith.constant 0 : i32
      %dma_start3A_722 = arith.constant 896 : i32
      %dma_start3A_723 = tpu.memref_slice %arg13[%dma_start3A_721, %dma_start3A_722] : memref<32x1000xf32, #tpu.memory_space<vmem>> -> memref<32x104xf32, #tpu.memory_space<vmem>>
      %dma_start3A_724 = arith.constant 896 : i32
      %dma_start3A_725 = tpu.memref_slice %arg6[%add3A_650, %dma_start3A_724] : memref<51200x1000xf32, #tpu.memory_space<hbm>> -> memref<32x104xf32, #tpu.memory_space<hbm>>
      %dma_start3A_726 = arith.constant 896 : i32
      %dma_start3A_727 = tpu.memref_slice %arg6[%add3A_650, %dma_start3A_726] : memref<51200x1000xf32, #tpu.memory_space<hbm>> -> memref<32x104xf32, #tpu.memory_space<hbm>>
      %dma_start3A_728 = arith.constant 0 : i32
      %dma_start3A_729 = arith.constant 896 : i32
      %dma_start3A_730 = tpu.memref_slice %arg13[%dma_start3A_728, %dma_start3A_729] : memref<32x1000xf32, #tpu.memory_space<vmem>> -> memref<32x104xf32, #tpu.memory_space<vmem>>
      tpu.enqueue_dma source(%dma_start3A_730 : memref<32x104xf32, #tpu.memory_space<vmem>>) target(%dma_start3A_727 : memref<32x104xf32, #tpu.memory_space<hbm>>) target_semaphore(%arg19 : memref<!tpu.dma_semaphore, #tpu.memory_space<semaphore_mem>>)
      %iota3A_731 = tpu.iota {dimensions = array<i32: 0>} : vector<16xi32>
      %add3A_732 = arith.constant 0 : i32
      %add3A_733 = vector.broadcast %add3A_732 : i32 to vector<16xi32>
      %add3A_734 = arith.addi %iota3A_731, %add3A_733 : vector<16xi32>
      %mul3A_735 = arith.constant 32 : i32
      %mul3A_736 = arith.muli %add3A_563, %mul3A_735 : i32
      %add3A_737 = arith.constant 0 : i32
      %add3A_738 = arith.addi %mul3A_736, %add3A_737 : i32
      %get3A_739 = arith.index_cast %add3A_738 : i32 to index
      %get3A_740 = tpu.vector_load %arg9[%get3A_739] {strides = array<i32>} : memref<1600xi32, #tpu.memory_space<vmem>>, vector<16xi32>,
      %gather3A_741 = tpu.vector_load_idx %arg13[%add3A_734, %get3A_740] : memref<32x1000xf32, #tpu.memory_space<vmem>>[vector<16xi32>, vector<16xi32>], vector<16xf32>,
      %get3A_742 = arith.constant 0 : index
      %get3A_743 = tpu.vector_load %arg11[%get3A_742] {strides = array<i32>} : memref<16xf32, #tpu.memory_space<vmem>>, vector<16xf32>,
      %sub3A_744 = arith.subf %get3A_743, %gather3A_741 : vector<16xf32>
      %swap3A_745 = arith.constant 0 : index
      %swap3A_746 = tpu.vector_load %arg11[%swap3A_745] {strides = array<i32>} : memref<16xf32, #tpu.memory_space<vmem>>, vector<16xf32>,
      tpu.vector_store %arg11[%swap3A_745], %sub3A_744 {strides = array<i32>} : memref<16xf32, #tpu.memory_space<vmem>>, vector<16xf32>,
      %iota3A_747 = tpu.iota {dimensions = array<i32: 0>} : vector<16xi32>
      %add3A_748 = arith.constant 16 : i32
      %add3A_749 = vector.broadcast %add3A_748 : i32 to vector<16xi32>
      %add3A_750 = arith.addi %iota3A_747, %add3A_749 : vector<16xi32>
      %mul3A_751 = arith.constant 32 : i32
      %mul3A_752 = arith.muli %add3A_563, %mul3A_751 : i32
      %add3A_753 = arith.constant 16 : i32
      %add3A_754 = arith.addi %mul3A_752, %add3A_753 : i32
      %get3A_755 = arith.index_cast %add3A_754 : i32 to index
      %get3A_756 = tpu.vector_load %arg9[%get3A_755] {strides = array<i32>} : memref<1600xi32, #tpu.memory_space<vmem>>, vector<16xi32>,
      %gather3A_757 = tpu.vector_load_idx %arg13[%add3A_750, %get3A_756] : memref<32x1000xf32, #tpu.memory_space<vmem>>[vector<16xi32>, vector<16xi32>], vector<16xf32>,
      %get3A_758 = arith.constant 0 : index
      %get3A_759 = tpu.vector_load %arg11[%get3A_758] {strides = array<i32>} : memref<16xf32, #tpu.memory_space<vmem>>, vector<16xf32>,
      %sub3A_760 = arith.subf %get3A_759, %gather3A_757 : vector<16xf32>
      %swap3A_761 = arith.constant 0 : index
      %swap3A_762 = tpu.vector_load %arg11[%swap3A_761] {strides = array<i32>} : memref<16xf32, #tpu.memory_space<vmem>>, vector<16xf32>,
      tpu.vector_store %arg11[%swap3A_761], %sub3A_760 {strides = array<i32>} : memref<16xf32, #tpu.memory_space<vmem>>, vector<16xf32>,
      %add3A_763 = arith.constant 2 : i32
      %add3A_764 = arith.addi %add3A_364, %add3A_763 : i32
      %add3A_765 = arith.constant 0 : i32
      %add3A_766 = arith.addi %add3A_764, %add3A_765 : i32
      %lt3A = arith.constant 50 : i32
      %lt3A_767 = arith.cmpi slt, %add3A_766, %lt3A : i32
      %convert_element_type3A = arith.extui %lt3A_767 : i1 to i32
      %cond3A = arith.constant 0 : i32
      %cond3A_768 = arith.cmpi ne, %convert_element_type3A, %cond3A : i32
      scf.if %cond3A_768 {
        %add3A_778 = arith.constant 0 : i32
        %add3A_779 = arith.addi %add3A_364, %add3A_778 : i32
        %mul3A_780 = arith.constant 32 : i32
        %mul3A_781 = arith.muli %add3A_779, %mul3A_780 : i32
        %add3A_782 = arith.addi %mul3A_2, %mul3A_781 : i32
        %dma_wait3A_783 = arith.constant 0 : i32
        %dma_wait3A_784 = arith.constant 0 : i32
        %dma_wait3A_785 = tpu.memref_slice %arg12[%dma_wait3A_783, %dma_wait3A_784] : memref<32x1000xf32, #tpu.memory_space<vmem>> -> memref<32x128xf32, #tpu.memory_space<vmem>>
        %dma_wait3A_786 = arith.constant 0 : i32
        %dma_wait3A_787 = tpu.memref_slice %arg6[%add3A_782, %dma_wait3A_786] : memref<51200x1000xf32, #tpu.memory_space<hbm>> -> memref<32x128xf32, #tpu.memory_space<hbm>>
        %dma_wait3A_788 = arith.constant 0 : i32
        %dma_wait3A_789 = tpu.memref_slice %arg6[%add3A_782, %dma_wait3A_788] : memref<51200x1000xf32, #tpu.memory_space<hbm>> -> memref<32x128xf32, #tpu.memory_space<hbm>>
        %dma_wait3A_790 = arith.constant 0 : i32
        %dma_wait3A_791 = arith.constant 0 : i32
        %dma_wait3A_792 = tpu.memref_slice %arg12[%dma_wait3A_790, %dma_wait3A_791] : memref<32x1000xf32, #tpu.memory_space<vmem>> -> memref<32x128xf32, #tpu.memory_space<vmem>>
        tpu.wait_dma2 semaphore(%arg18 : memref<!tpu.dma_semaphore, #tpu.memory_space<semaphore_mem>>) src(%dma_wait3A_792 : memref<32x128xf32, #tpu.memory_space<vmem>>) dst(%dma_wait3A_789 : memref<32x128xf32, #tpu.memory_space<hbm>>)
        %dma_wait3A_793 = arith.constant 0 : i32
        %dma_wait3A_794 = arith.constant 128 : i32
        %dma_wait3A_795 = tpu.memref_slice %arg12[%dma_wait3A_793, %dma_wait3A_794] : memref<32x1000xf32, #tpu.memory_space<vmem>> -> memref<32x128xf32, #tpu.memory_space<vmem>>
        %dma_wait3A_796 = arith.constant 128 : i32
        %dma_wait3A_797 = tpu.memref_slice %arg6[%add3A_782, %dma_wait3A_796] : memref<51200x1000xf32, #tpu.memory_space<hbm>> -> memref<32x128xf32, #tpu.memory_space<hbm>>
        %dma_wait3A_798 = arith.constant 128 : i32
        %dma_wait3A_799 = tpu.memref_slice %arg6[%add3A_782, %dma_wait3A_798] : memref<51200x1000xf32, #tpu.memory_space<hbm>> -> memref<32x128xf32, #tpu.memory_space<hbm>>
        %dma_wait3A_800 = arith.constant 0 : i32
        %dma_wait3A_801 = arith.constant 128 : i32
        %dma_wait3A_802 = tpu.memref_slice %arg12[%dma_wait3A_800, %dma_wait3A_801] : memref<32x1000xf32, #tpu.memory_space<vmem>> -> memref<32x128xf32, #tpu.memory_space<vmem>>
        tpu.wait_dma2 semaphore(%arg18 : memref<!tpu.dma_semaphore, #tpu.memory_space<semaphore_mem>>) src(%dma_wait3A_802 : memref<32x128xf32, #tpu.memory_space<vmem>>) dst(%dma_wait3A_799 : memref<32x128xf32, #tpu.memory_space<hbm>>)
        %dma_wait3A_803 = arith.constant 0 : i32
        %dma_wait3A_804 = arith.constant 256 : i32
        %dma_wait3A_805 = tpu.memref_slice %arg12[%dma_wait3A_803, %dma_wait3A_804] : memref<32x1000xf32, #tpu.memory_space<vmem>> -> memref<32x128xf32, #tpu.memory_space<vmem>>
        %dma_wait3A_806 = arith.constant 256 : i32
        %dma_wait3A_807 = tpu.memref_slice %arg6[%add3A_782, %dma_wait3A_806] : memref<51200x1000xf32, #tpu.memory_space<hbm>> -> memref<32x128xf32, #tpu.memory_space<hbm>>
        %dma_wait3A_808 = arith.constant 256 : i32
        %dma_wait3A_809 = tpu.memref_slice %arg6[%add3A_782, %dma_wait3A_808] : memref<51200x1000xf32, #tpu.memory_space<hbm>> -> memref<32x128xf32, #tpu.memory_space<hbm>>
        %dma_wait3A_810 = arith.constant 0 : i32
        %dma_wait3A_811 = arith.constant 256 : i32
        %dma_wait3A_812 = tpu.memref_slice %arg12[%dma_wait3A_810, %dma_wait3A_811] : memref<32x1000xf32, #tpu.memory_space<vmem>> -> memref<32x128xf32, #tpu.memory_space<vmem>>
        tpu.wait_dma2 semaphore(%arg18 : memref<!tpu.dma_semaphore, #tpu.memory_space<semaphore_mem>>) src(%dma_wait3A_812 : memref<32x128xf32, #tpu.memory_space<vmem>>) dst(%dma_wait3A_809 : memref<32x128xf32, #tpu.memory_space<hbm>>)
        %dma_wait3A_813 = arith.constant 0 : i32
        %dma_wait3A_814 = arith.constant 384 : i32
        %dma_wait3A_815 = tpu.memref_slice %arg12[%dma_wait3A_813, %dma_wait3A_814] : memref<32x1000xf32, #tpu.memory_space<vmem>> -> memref<32x128xf32, #tpu.memory_space<vmem>>
        %dma_wait3A_816 = arith.constant 384 : i32
        %dma_wait3A_817 = tpu.memref_slice %arg6[%add3A_782, %dma_wait3A_816] : memref<51200x1000xf32, #tpu.memory_space<hbm>> -> memref<32x128xf32, #tpu.memory_space<hbm>>
        %dma_wait3A_818 = arith.constant 384 : i32
        %dma_wait3A_819 = tpu.memref_slice %arg6[%add3A_782, %dma_wait3A_818] : memref<51200x1000xf32, #tpu.memory_space<hbm>> -> memref<32x128xf32, #tpu.memory_space<hbm>>
        %dma_wait3A_820 = arith.constant 0 : i32
        %dma_wait3A_821 = arith.constant 384 : i32
        %dma_wait3A_822 = tpu.memref_slice %arg12[%dma_wait3A_820, %dma_wait3A_821] : memref<32x1000xf32, #tpu.memory_space<vmem>> -> memref<32x128xf32, #tpu.memory_space<vmem>>
        tpu.wait_dma2 semaphore(%arg18 : memref<!tpu.dma_semaphore, #tpu.memory_space<semaphore_mem>>) src(%dma_wait3A_822 : memref<32x128xf32, #tpu.memory_space<vmem>>) dst(%dma_wait3A_819 : memref<32x128xf32, #tpu.memory_space<hbm>>)
        %dma_wait3A_823 = arith.constant 0 : i32
        %dma_wait3A_824 = arith.constant 512 : i32
        %dma_wait3A_825 = tpu.memref_slice %arg12[%dma_wait3A_823, %dma_wait3A_824] : memref<32x1000xf32, #tpu.memory_space<vmem>> -> memref<32x128xf32, #tpu.memory_space<vmem>>
        %dma_wait3A_826 = arith.constant 512 : i32
        %dma_wait3A_827 = tpu.memref_slice %arg6[%add3A_782, %dma_wait3A_826] : memref<51200x1000xf32, #tpu.memory_space<hbm>> -> memref<32x128xf32, #tpu.memory_space<hbm>>
        %dma_wait3A_828 = arith.constant 512 : i32
        %dma_wait3A_829 = tpu.memref_slice %arg6[%add3A_782, %dma_wait3A_828] : memref<51200x1000xf32, #tpu.memory_space<hbm>> -> memref<32x128xf32, #tpu.memory_space<hbm>>
        %dma_wait3A_830 = arith.constant 0 : i32
        %dma_wait3A_831 = arith.constant 512 : i32
        %dma_wait3A_832 = tpu.memref_slice %arg12[%dma_wait3A_830, %dma_wait3A_831] : memref<32x1000xf32, #tpu.memory_space<vmem>> -> memref<32x128xf32, #tpu.memory_space<vmem>>
        tpu.wait_dma2 semaphore(%arg18 : memref<!tpu.dma_semaphore, #tpu.memory_space<semaphore_mem>>) src(%dma_wait3A_832 : memref<32x128xf32, #tpu.memory_space<vmem>>) dst(%dma_wait3A_829 : memref<32x128xf32, #tpu.memory_space<hbm>>)
        %dma_wait3A_833 = arith.constant 0 : i32
        %dma_wait3A_834 = arith.constant 640 : i32
        %dma_wait3A_835 = tpu.memref_slice %arg12[%dma_wait3A_833, %dma_wait3A_834] : memref<32x1000xf32, #tpu.memory_space<vmem>> -> memref<32x128xf32, #tpu.memory_space<vmem>>
        %dma_wait3A_836 = arith.constant 640 : i32
        %dma_wait3A_837 = tpu.memref_slice %arg6[%add3A_782, %dma_wait3A_836] : memref<51200x1000xf32, #tpu.memory_space<hbm>> -> memref<32x128xf32, #tpu.memory_space<hbm>>
        %dma_wait3A_838 = arith.constant 640 : i32
        %dma_wait3A_839 = tpu.memref_slice %arg6[%add3A_782, %dma_wait3A_838] : memref<51200x1000xf32, #tpu.memory_space<hbm>> -> memref<32x128xf32, #tpu.memory_space<hbm>>
        %dma_wait3A_840 = arith.constant 0 : i32
        %dma_wait3A_841 = arith.constant 640 : i32
        %dma_wait3A_842 = tpu.memref_slice %arg12[%dma_wait3A_840, %dma_wait3A_841] : memref<32x1000xf32, #tpu.memory_space<vmem>> -> memref<32x128xf32, #tpu.memory_space<vmem>>
        tpu.wait_dma2 semaphore(%arg18 : memref<!tpu.dma_semaphore, #tpu.memory_space<semaphore_mem>>) src(%dma_wait3A_842 : memref<32x128xf32, #tpu.memory_space<vmem>>) dst(%dma_wait3A_839 : memref<32x128xf32, #tpu.memory_space<hbm>>)
        %dma_wait3A_843 = arith.constant 0 : i32
        %dma_wait3A_844 = arith.constant 768 : i32
        %dma_wait3A_845 = tpu.memref_slice %arg12[%dma_wait3A_843, %dma_wait3A_844] : memref<32x1000xf32, #tpu.memory_space<vmem>> -> memref<32x128xf32, #tpu.memory_space<vmem>>
        %dma_wait3A_846 = arith.constant 768 : i32
        %dma_wait3A_847 = tpu.memref_slice %arg6[%add3A_782, %dma_wait3A_846] : memref<51200x1000xf32, #tpu.memory_space<hbm>> -> memref<32x128xf32, #tpu.memory_space<hbm>>
        %dma_wait3A_848 = arith.constant 768 : i32
        %dma_wait3A_849 = tpu.memref_slice %arg6[%add3A_782, %dma_wait3A_848] : memref<51200x1000xf32, #tpu.memory_space<hbm>> -> memref<32x128xf32, #tpu.memory_space<hbm>>
        %dma_wait3A_850 = arith.constant 0 : i32
        %dma_wait3A_851 = arith.constant 768 : i32
        %dma_wait3A_852 = tpu.memref_slice %arg12[%dma_wait3A_850, %dma_wait3A_851] : memref<32x1000xf32, #tpu.memory_space<vmem>> -> memref<32x128xf32, #tpu.memory_space<vmem>>
        tpu.wait_dma2 semaphore(%arg18 : memref<!tpu.dma_semaphore, #tpu.memory_space<semaphore_mem>>) src(%dma_wait3A_852 : memref<32x128xf32, #tpu.memory_space<vmem>>) dst(%dma_wait3A_849 : memref<32x128xf32, #tpu.memory_space<hbm>>)
        %dma_wait3A_853 = arith.constant 0 : i32
        %dma_wait3A_854 = arith.constant 896 : i32
        %dma_wait3A_855 = tpu.memref_slice %arg12[%dma_wait3A_853, %dma_wait3A_854] : memref<32x1000xf32, #tpu.memory_space<vmem>> -> memref<32x104xf32, #tpu.memory_space<vmem>>
        %dma_wait3A_856 = arith.constant 896 : i32
        %dma_wait3A_857 = tpu.memref_slice %arg6[%add3A_782, %dma_wait3A_856] : memref<51200x1000xf32, #tpu.memory_space<hbm>> -> memref<32x104xf32, #tpu.memory_space<hbm>>
        %dma_wait3A_858 = arith.constant 896 : i32
        %dma_wait3A_859 = tpu.memref_slice %arg6[%add3A_782, %dma_wait3A_858] : memref<51200x1000xf32, #tpu.memory_space<hbm>> -> memref<32x104xf32, #tpu.memory_space<hbm>>
        %dma_wait3A_860 = arith.constant 0 : i32
        %dma_wait3A_861 = arith.constant 896 : i32
        %dma_wait3A_862 = tpu.memref_slice %arg12[%dma_wait3A_860, %dma_wait3A_861] : memref<32x1000xf32, #tpu.memory_space<vmem>> -> memref<32x104xf32, #tpu.memory_space<vmem>>
        tpu.wait_dma2 semaphore(%arg18 : memref<!tpu.dma_semaphore, #tpu.memory_space<semaphore_mem>>) src(%dma_wait3A_862 : memref<32x104xf32, #tpu.memory_space<vmem>>) dst(%dma_wait3A_859 : memref<32x104xf32, #tpu.memory_space<hbm>>)
        %mul3A_863 = arith.constant 32 : i32
        %mul3A_864 = arith.muli %add3A_766, %mul3A_863 : i32
        %dma_start3A_865 = arith.constant 0 : i32
        %dma_start3A_866 = arith.constant 0 : i32
        %dma_start3A_867 = tpu.memref_slice %arg12[%dma_start3A_865, %dma_start3A_866] : memref<32x1000xf32, #tpu.memory_space<vmem>> -> memref<32x128xf32, #tpu.memory_space<vmem>>
        %dma_start3A_868 = tpu.memref_slice %arg8[%mul3A_864] : memref<1600xi32, #tpu.memory_space<vmem>> -> memref<32xi32, #tpu.memory_space<vmem>>
        %dma_start3A_869 = arith.constant 0 : i32
        %dma_start3A_870 = arith.constant 0 : i32
        %dma_start3A_871 = tpu.memref_slice %arg2[%dma_start3A_869, %dma_start3A_870] : memref<1000x1024xf32, #tpu.memory_space<hbm>> -> memref<1000x128xf32, #tpu.memory_space<hbm>>
        %dma_start3A_872 = arith.constant 0 : i32
        %dma_start3A_873 = arith.constant 0 : i32
        %dma_start3A_874 = tpu.memref_slice %dma_start3A_871[%dma_start3A_872, %dma_start3A_873] : memref<1000x128xf32, #tpu.memory_space<hbm>> -> memref<1000x128xf32, #tpu.memory_space<hbm>>
        tpu.enqueue_indirect_dma source(%dma_start3A_874 : memref<1000x128xf32, #tpu.memory_space<hbm>>) target(%dma_start3A_867 : memref<32x128xf32, #tpu.memory_space<vmem>>) offsets(%dma_start3A_868 : memref<32xi32, #tpu.memory_space<vmem>>) semaphore(%arg16 : memref<!tpu.dma_semaphore, #tpu.memory_space<semaphore_mem>>)
        %dma_start3A_875 = arith.constant 0 : i32
        %dma_start3A_876 = arith.constant 128 : i32
        %dma_start3A_877 = tpu.memref_slice %arg12[%dma_start3A_875, %dma_start3A_876] : memref<32x1000xf32, #tpu.memory_space<vmem>> -> memref<32x128xf32, #tpu.memory_space<vmem>>
        %dma_start3A_878 = tpu.memref_slice %arg8[%mul3A_864] : memref<1600xi32, #tpu.memory_space<vmem>> -> memref<32xi32, #tpu.memory_space<vmem>>
        %dma_start3A_879 = arith.constant 0 : i32
        %dma_start3A_880 = arith.constant 128 : i32
        %dma_start3A_881 = tpu.memref_slice %arg2[%dma_start3A_879, %dma_start3A_880] : memref<1000x1024xf32, #tpu.memory_space<hbm>> -> memref<1000x128xf32, #tpu.memory_space<hbm>>
        %dma_start3A_882 = arith.constant 0 : i32
        %dma_start3A_883 = arith.constant 0 : i32
        %dma_start3A_884 = tpu.memref_slice %dma_start3A_881[%dma_start3A_882, %dma_start3A_883] : memref<1000x128xf32, #tpu.memory_space<hbm>> -> memref<1000x128xf32, #tpu.memory_space<hbm>>
        tpu.enqueue_indirect_dma source(%dma_start3A_884 : memref<1000x128xf32, #tpu.memory_space<hbm>>) target(%dma_start3A_877 : memref<32x128xf32, #tpu.memory_space<vmem>>) offsets(%dma_start3A_878 : memref<32xi32, #tpu.memory_space<vmem>>) semaphore(%arg16 : memref<!tpu.dma_semaphore, #tpu.memory_space<semaphore_mem>>)
        %dma_start3A_885 = arith.constant 0 : i32
        %dma_start3A_886 = arith.constant 256 : i32
        %dma_start3A_887 = tpu.memref_slice %arg12[%dma_start3A_885, %dma_start3A_886] : memref<32x1000xf32, #tpu.memory_space<vmem>> -> memref<32x128xf32, #tpu.memory_space<vmem>>
        %dma_start3A_888 = tpu.memref_slice %arg8[%mul3A_864] : memref<1600xi32, #tpu.memory_space<vmem>> -> memref<32xi32, #tpu.memory_space<vmem>>
        %dma_start3A_889 = arith.constant 0 : i32
        %dma_start3A_890 = arith.constant 256 : i32
        %dma_start3A_891 = tpu.memref_slice %arg2[%dma_start3A_889, %dma_start3A_890] : memref<1000x1024xf32, #tpu.memory_space<hbm>> -> memref<1000x128xf32, #tpu.memory_space<hbm>>
        %dma_start3A_892 = arith.constant 0 : i32
        %dma_start3A_893 = arith.constant 0 : i32
        %dma_start3A_894 = tpu.memref_slice %dma_start3A_891[%dma_start3A_892, %dma_start3A_893] : memref<1000x128xf32, #tpu.memory_space<hbm>> -> memref<1000x128xf32, #tpu.memory_space<hbm>>
        tpu.enqueue_indirect_dma source(%dma_start3A_894 : memref<1000x128xf32, #tpu.memory_space<hbm>>) target(%dma_start3A_887 : memref<32x128xf32, #tpu.memory_space<vmem>>) offsets(%dma_start3A_888 : memref<32xi32, #tpu.memory_space<vmem>>) semaphore(%arg16 : memref<!tpu.dma_semaphore, #tpu.memory_space<semaphore_mem>>)
        %dma_start3A_895 = arith.constant 0 : i32
        %dma_start3A_896 = arith.constant 384 : i32
        %dma_start3A_897 = tpu.memref_slice %arg12[%dma_start3A_895, %dma_start3A_896] : memref<32x1000xf32, #tpu.memory_space<vmem>> -> memref<32x128xf32, #tpu.memory_space<vmem>>
        %dma_start3A_898 = tpu.memref_slice %arg8[%mul3A_864] : memref<1600xi32, #tpu.memory_space<vmem>> -> memref<32xi32, #tpu.memory_space<vmem>>
        %dma_start3A_899 = arith.constant 0 : i32
        %dma_start3A_900 = arith.constant 384 : i32
        %dma_start3A_901 = tpu.memref_slice %arg2[%dma_start3A_899, %dma_start3A_900] : memref<1000x1024xf32, #tpu.memory_space<hbm>> -> memref<1000x128xf32, #tpu.memory_space<hbm>>
        %dma_start3A_902 = arith.constant 0 : i32
        %dma_start3A_903 = arith.constant 0 : i32
        %dma_start3A_904 = tpu.memref_slice %dma_start3A_901[%dma_start3A_902, %dma_start3A_903] : memref<1000x128xf32, #tpu.memory_space<hbm>> -> memref<1000x128xf32, #tpu.memory_space<hbm>>
        tpu.enqueue_indirect_dma source(%dma_start3A_904 : memref<1000x128xf32, #tpu.memory_space<hbm>>) target(%dma_start3A_897 : memref<32x128xf32, #tpu.memory_space<vmem>>) offsets(%dma_start3A_898 : memref<32xi32, #tpu.memory_space<vmem>>) semaphore(%arg16 : memref<!tpu.dma_semaphore, #tpu.memory_space<semaphore_mem>>)
        %dma_start3A_905 = arith.constant 0 : i32
        %dma_start3A_906 = arith.constant 512 : i32
        %dma_start3A_907 = tpu.memref_slice %arg12[%dma_start3A_905, %dma_start3A_906] : memref<32x1000xf32, #tpu.memory_space<vmem>> -> memref<32x128xf32, #tpu.memory_space<vmem>>
        %dma_start3A_908 = tpu.memref_slice %arg8[%mul3A_864] : memref<1600xi32, #tpu.memory_space<vmem>> -> memref<32xi32, #tpu.memory_space<vmem>>
        %dma_start3A_909 = arith.constant 0 : i32
        %dma_start3A_910 = arith.constant 512 : i32
        %dma_start3A_911 = tpu.memref_slice %arg2[%dma_start3A_909, %dma_start3A_910] : memref<1000x1024xf32, #tpu.memory_space<hbm>> -> memref<1000x128xf32, #tpu.memory_space<hbm>>
        %dma_start3A_912 = arith.constant 0 : i32
        %dma_start3A_913 = arith.constant 0 : i32
        %dma_start3A_914 = tpu.memref_slice %dma_start3A_911[%dma_start3A_912, %dma_start3A_913] : memref<1000x128xf32, #tpu.memory_space<hbm>> -> memref<1000x128xf32, #tpu.memory_space<hbm>>
        tpu.enqueue_indirect_dma source(%dma_start3A_914 : memref<1000x128xf32, #tpu.memory_space<hbm>>) target(%dma_start3A_907 : memref<32x128xf32, #tpu.memory_space<vmem>>) offsets(%dma_start3A_908 : memref<32xi32, #tpu.memory_space<vmem>>) semaphore(%arg16 : memref<!tpu.dma_semaphore, #tpu.memory_space<semaphore_mem>>)
        %dma_start3A_915 = arith.constant 0 : i32
        %dma_start3A_916 = arith.constant 640 : i32
        %dma_start3A_917 = tpu.memref_slice %arg12[%dma_start3A_915, %dma_start3A_916] : memref<32x1000xf32, #tpu.memory_space<vmem>> -> memref<32x128xf32, #tpu.memory_space<vmem>>
        %dma_start3A_918 = tpu.memref_slice %arg8[%mul3A_864] : memref<1600xi32, #tpu.memory_space<vmem>> -> memref<32xi32, #tpu.memory_space<vmem>>
        %dma_start3A_919 = arith.constant 0 : i32
        %dma_start3A_920 = arith.constant 640 : i32
        %dma_start3A_921 = tpu.memref_slice %arg2[%dma_start3A_919, %dma_start3A_920] : memref<1000x1024xf32, #tpu.memory_space<hbm>> -> memref<1000x128xf32, #tpu.memory_space<hbm>>
        %dma_start3A_922 = arith.constant 0 : i32
        %dma_start3A_923 = arith.constant 0 : i32
        %dma_start3A_924 = tpu.memref_slice %dma_start3A_921[%dma_start3A_922, %dma_start3A_923] : memref<1000x128xf32, #tpu.memory_space<hbm>> -> memref<1000x128xf32, #tpu.memory_space<hbm>>
        tpu.enqueue_indirect_dma source(%dma_start3A_924 : memref<1000x128xf32, #tpu.memory_space<hbm>>) target(%dma_start3A_917 : memref<32x128xf32, #tpu.memory_space<vmem>>) offsets(%dma_start3A_918 : memref<32xi32, #tpu.memory_space<vmem>>) semaphore(%arg16 : memref<!tpu.dma_semaphore, #tpu.memory_space<semaphore_mem>>)
        %dma_start3A_925 = arith.constant 0 : i32
        %dma_start3A_926 = arith.constant 768 : i32
        %dma_start3A_927 = tpu.memref_slice %arg12[%dma_start3A_925, %dma_start3A_926] : memref<32x1000xf32, #tpu.memory_space<vmem>> -> memref<32x128xf32, #tpu.memory_space<vmem>>
        %dma_start3A_928 = tpu.memref_slice %arg8[%mul3A_864] : memref<1600xi32, #tpu.memory_space<vmem>> -> memref<32xi32, #tpu.memory_space<vmem>>
        %dma_start3A_929 = arith.constant 0 : i32
        %dma_start3A_930 = arith.constant 768 : i32
        %dma_start3A_931 = tpu.memref_slice %arg2[%dma_start3A_929, %dma_start3A_930] : memref<1000x1024xf32, #tpu.memory_space<hbm>> -> memref<1000x128xf32, #tpu.memory_space<hbm>>
        %dma_start3A_932 = arith.constant 0 : i32
        %dma_start3A_933 = arith.constant 0 : i32
        %dma_start3A_934 = tpu.memref_slice %dma_start3A_931[%dma_start3A_932, %dma_start3A_933] : memref<1000x128xf32, #tpu.memory_space<hbm>> -> memref<1000x128xf32, #tpu.memory_space<hbm>>
        tpu.enqueue_indirect_dma source(%dma_start3A_934 : memref<1000x128xf32, #tpu.memory_space<hbm>>) target(%dma_start3A_927 : memref<32x128xf32, #tpu.memory_space<vmem>>) offsets(%dma_start3A_928 : memref<32xi32, #tpu.memory_space<vmem>>) semaphore(%arg16 : memref<!tpu.dma_semaphore, #tpu.memory_space<semaphore_mem>>)
        %dma_start3A_935 = tpu.memref_slice %arg8[%mul3A_864] : memref<1600xi32, #tpu.memory_space<vmem>> -> memref<32xi32, #tpu.memory_space<vmem>>
        %dma_start3A_936 = arith.constant 0 : i32
        %dma_start3A_937 = arith.constant 896 : i32
        %dma_start3A_938 = tpu.memref_slice %arg2[%dma_start3A_936, %dma_start3A_937] : memref<1000x1024xf32, #tpu.memory_space<hbm>> -> memref<1000x128xf32, #tpu.memory_space<hbm>>
        %dma_start3A_939 = arith.constant 0 : i32
        %dma_start3A_940 = arith.constant 0 : i32
        %dma_start3A_941 = tpu.memref_slice %dma_start3A_938[%dma_start3A_939, %dma_start3A_940] : memref<1000x128xf32, #tpu.memory_space<hbm>> -> memref<1000x128xf32, #tpu.memory_space<hbm>>
        tpu.enqueue_indirect_dma source(%dma_start3A_941 : memref<1000x128xf32, #tpu.memory_space<hbm>>) target(%arg14 : memref<32x128xf32, #tpu.memory_space<vmem>>) offsets(%dma_start3A_935 : memref<32xi32, #tpu.memory_space<vmem>>) semaphore(%arg16 : memref<!tpu.dma_semaphore, #tpu.memory_space<semaphore_mem>>)
      } else {
      }
      %add3A_769 = arith.constant 2 : i32
      %add3A_770 = arith.addi %add3A_364, %add3A_769 : i32
      %add3A_771 = arith.constant 1 : i32
      %add3A_772 = arith.addi %add3A_770, %add3A_771 : i32
      %lt3A_773 = arith.constant 50 : i32
      %lt3A_774 = arith.cmpi slt, %add3A_772, %lt3A_773 : i32
      %convert_element_type3A_775 = arith.extui %lt3A_774 : i1 to i32
      %cond3A_776 = arith.constant 0 : i32
      %cond3A_777 = arith.cmpi ne, %convert_element_type3A_775, %cond3A_776 : i32
      scf.if %cond3A_777 {
        %add3A_778 = arith.constant 1 : i32
        %add3A_779 = arith.addi %add3A_364, %add3A_778 : i32
        %mul3A_780 = arith.constant 32 : i32
        %mul3A_781 = arith.muli %add3A_779, %mul3A_780 : i32
        %add3A_782 = arith.addi %mul3A_2, %mul3A_781 : i32
        %dma_wait3A_783 = arith.constant 0 : i32
        %dma_wait3A_784 = arith.constant 0 : i32
        %dma_wait3A_785 = tpu.memref_slice %arg13[%dma_wait3A_783, %dma_wait3A_784] : memref<32x1000xf32, #tpu.memory_space<vmem>> -> memref<32x128xf32, #tpu.memory_space<vmem>>
        %dma_wait3A_786 = arith.constant 0 : i32
        %dma_wait3A_787 = tpu.memref_slice %arg6[%add3A_782, %dma_wait3A_786] : memref<51200x1000xf32, #tpu.memory_space<hbm>> -> memref<32x128xf32, #tpu.memory_space<hbm>>
        %dma_wait3A_788 = arith.constant 0 : i32
        %dma_wait3A_789 = tpu.memref_slice %arg6[%add3A_782, %dma_wait3A_788] : memref<51200x1000xf32, #tpu.memory_space<hbm>> -> memref<32x128xf32, #tpu.memory_space<hbm>>
        %dma_wait3A_790 = arith.constant 0 : i32
        %dma_wait3A_791 = arith.constant 0 : i32
        %dma_wait3A_792 = tpu.memref_slice %arg13[%dma_wait3A_790, %dma_wait3A_791] : memref<32x1000xf32, #tpu.memory_space<vmem>> -> memref<32x128xf32, #tpu.memory_space<vmem>>
        tpu.wait_dma2 semaphore(%arg19 : memref<!tpu.dma_semaphore, #tpu.memory_space<semaphore_mem>>) src(%dma_wait3A_792 : memref<32x128xf32, #tpu.memory_space<vmem>>) dst(%dma_wait3A_789 : memref<32x128xf32, #tpu.memory_space<hbm>>)
        %dma_wait3A_793 = arith.constant 0 : i32
        %dma_wait3A_794 = arith.constant 128 : i32
        %dma_wait3A_795 = tpu.memref_slice %arg13[%dma_wait3A_793, %dma_wait3A_794] : memref<32x1000xf32, #tpu.memory_space<vmem>> -> memref<32x128xf32, #tpu.memory_space<vmem>>
        %dma_wait3A_796 = arith.constant 128 : i32
        %dma_wait3A_797 = tpu.memref_slice %arg6[%add3A_782, %dma_wait3A_796] : memref<51200x1000xf32, #tpu.memory_space<hbm>> -> memref<32x128xf32, #tpu.memory_space<hbm>>
        %dma_wait3A_798 = arith.constant 128 : i32
        %dma_wait3A_799 = tpu.memref_slice %arg6[%add3A_782, %dma_wait3A_798] : memref<51200x1000xf32, #tpu.memory_space<hbm>> -> memref<32x128xf32, #tpu.memory_space<hbm>>
        %dma_wait3A_800 = arith.constant 0 : i32
        %dma_wait3A_801 = arith.constant 128 : i32
        %dma_wait3A_802 = tpu.memref_slice %arg13[%dma_wait3A_800, %dma_wait3A_801] : memref<32x1000xf32, #tpu.memory_space<vmem>> -> memref<32x128xf32, #tpu.memory_space<vmem>>
        tpu.wait_dma2 semaphore(%arg19 : memref<!tpu.dma_semaphore, #tpu.memory_space<semaphore_mem>>) src(%dma_wait3A_802 : memref<32x128xf32, #tpu.memory_space<vmem>>) dst(%dma_wait3A_799 : memref<32x128xf32, #tpu.memory_space<hbm>>)
        %dma_wait3A_803 = arith.constant 0 : i32
        %dma_wait3A_804 = arith.constant 256 : i32
        %dma_wait3A_805 = tpu.memref_slice %arg13[%dma_wait3A_803, %dma_wait3A_804] : memref<32x1000xf32, #tpu.memory_space<vmem>> -> memref<32x128xf32, #tpu.memory_space<vmem>>
        %dma_wait3A_806 = arith.constant 256 : i32
        %dma_wait3A_807 = tpu.memref_slice %arg6[%add3A_782, %dma_wait3A_806] : memref<51200x1000xf32, #tpu.memory_space<hbm>> -> memref<32x128xf32, #tpu.memory_space<hbm>>
        %dma_wait3A_808 = arith.constant 256 : i32
        %dma_wait3A_809 = tpu.memref_slice %arg6[%add3A_782, %dma_wait3A_808] : memref<51200x1000xf32, #tpu.memory_space<hbm>> -> memref<32x128xf32, #tpu.memory_space<hbm>>
        %dma_wait3A_810 = arith.constant 0 : i32
        %dma_wait3A_811 = arith.constant 256 : i32
        %dma_wait3A_812 = tpu.memref_slice %arg13[%dma_wait3A_810, %dma_wait3A_811] : memref<32x1000xf32, #tpu.memory_space<vmem>> -> memref<32x128xf32, #tpu.memory_space<vmem>>
        tpu.wait_dma2 semaphore(%arg19 : memref<!tpu.dma_semaphore, #tpu.memory_space<semaphore_mem>>) src(%dma_wait3A_812 : memref<32x128xf32, #tpu.memory_space<vmem>>) dst(%dma_wait3A_809 : memref<32x128xf32, #tpu.memory_space<hbm>>)
        %dma_wait3A_813 = arith.constant 0 : i32
        %dma_wait3A_814 = arith.constant 384 : i32
        %dma_wait3A_815 = tpu.memref_slice %arg13[%dma_wait3A_813, %dma_wait3A_814] : memref<32x1000xf32, #tpu.memory_space<vmem>> -> memref<32x128xf32, #tpu.memory_space<vmem>>
        %dma_wait3A_816 = arith.constant 384 : i32
        %dma_wait3A_817 = tpu.memref_slice %arg6[%add3A_782, %dma_wait3A_816] : memref<51200x1000xf32, #tpu.memory_space<hbm>> -> memref<32x128xf32, #tpu.memory_space<hbm>>
        %dma_wait3A_818 = arith.constant 384 : i32
        %dma_wait3A_819 = tpu.memref_slice %arg6[%add3A_782, %dma_wait3A_818] : memref<51200x1000xf32, #tpu.memory_space<hbm>> -> memref<32x128xf32, #tpu.memory_space<hbm>>
        %dma_wait3A_820 = arith.constant 0 : i32
        %dma_wait3A_821 = arith.constant 384 : i32
        %dma_wait3A_822 = tpu.memref_slice %arg13[%dma_wait3A_820, %dma_wait3A_821] : memref<32x1000xf32, #tpu.memory_space<vmem>> -> memref<32x128xf32, #tpu.memory_space<vmem>>
        tpu.wait_dma2 semaphore(%arg19 : memref<!tpu.dma_semaphore, #tpu.memory_space<semaphore_mem>>) src(%dma_wait3A_822 : memref<32x128xf32, #tpu.memory_space<vmem>>) dst(%dma_wait3A_819 : memref<32x128xf32, #tpu.memory_space<hbm>>)
        %dma_wait3A_823 = arith.constant 0 : i32
        %dma_wait3A_824 = arith.constant 512 : i32
        %dma_wait3A_825 = tpu.memref_slice %arg13[%dma_wait3A_823, %dma_wait3A_824] : memref<32x1000xf32, #tpu.memory_space<vmem>> -> memref<32x128xf32, #tpu.memory_space<vmem>>
        %dma_wait3A_826 = arith.constant 512 : i32
        %dma_wait3A_827 = tpu.memref_slice %arg6[%add3A_782, %dma_wait3A_826] : memref<51200x1000xf32, #tpu.memory_space<hbm>> -> memref<32x128xf32, #tpu.memory_space<hbm>>
        %dma_wait3A_828 = arith.constant 512 : i32
        %dma_wait3A_829 = tpu.memref_slice %arg6[%add3A_782, %dma_wait3A_828] : memref<51200x1000xf32, #tpu.memory_space<hbm>> -> memref<32x128xf32, #tpu.memory_space<hbm>>
        %dma_wait3A_830 = arith.constant 0 : i32
        %dma_wait3A_831 = arith.constant 512 : i32
        %dma_wait3A_832 = tpu.memref_slice %arg13[%dma_wait3A_830, %dma_wait3A_831] : memref<32x1000xf32, #tpu.memory_space<vmem>> -> memref<32x128xf32, #tpu.memory_space<vmem>>
        tpu.wait_dma2 semaphore(%arg19 : memref<!tpu.dma_semaphore, #tpu.memory_space<semaphore_mem>>) src(%dma_wait3A_832 : memref<32x128xf32, #tpu.memory_space<vmem>>) dst(%dma_wait3A_829 : memref<32x128xf32, #tpu.memory_space<hbm>>)
        %dma_wait3A_833 = arith.constant 0 : i32
        %dma_wait3A_834 = arith.constant 640 : i32
        %dma_wait3A_835 = tpu.memref_slice %arg13[%dma_wait3A_833, %dma_wait3A_834] : memref<32x1000xf32, #tpu.memory_space<vmem>> -> memref<32x128xf32, #tpu.memory_space<vmem>>
        %dma_wait3A_836 = arith.constant 640 : i32
        %dma_wait3A_837 = tpu.memref_slice %arg6[%add3A_782, %dma_wait3A_836] : memref<51200x1000xf32, #tpu.memory_space<hbm>> -> memref<32x128xf32, #tpu.memory_space<hbm>>
        %dma_wait3A_838 = arith.constant 640 : i32
        %dma_wait3A_839 = tpu.memref_slice %arg6[%add3A_782, %dma_wait3A_838] : memref<51200x1000xf32, #tpu.memory_space<hbm>> -> memref<32x128xf32, #tpu.memory_space<hbm>>
        %dma_wait3A_840 = arith.constant 0 : i32
        %dma_wait3A_841 = arith.constant 640 : i32
        %dma_wait3A_842 = tpu.memref_slice %arg13[%dma_wait3A_840, %dma_wait3A_841] : memref<32x1000xf32, #tpu.memory_space<vmem>> -> memref<32x128xf32, #tpu.memory_space<vmem>>
        tpu.wait_dma2 semaphore(%arg19 : memref<!tpu.dma_semaphore, #tpu.memory_space<semaphore_mem>>) src(%dma_wait3A_842 : memref<32x128xf32, #tpu.memory_space<vmem>>) dst(%dma_wait3A_839 : memref<32x128xf32, #tpu.memory_space<hbm>>)
        %dma_wait3A_843 = arith.constant 0 : i32
        %dma_wait3A_844 = arith.constant 768 : i32
        %dma_wait3A_845 = tpu.memref_slice %arg13[%dma_wait3A_843, %dma_wait3A_844] : memref<32x1000xf32, #tpu.memory_space<vmem>> -> memref<32x128xf32, #tpu.memory_space<vmem>>
        %dma_wait3A_846 = arith.constant 768 : i32
        %dma_wait3A_847 = tpu.memref_slice %arg6[%add3A_782, %dma_wait3A_846] : memref<51200x1000xf32, #tpu.memory_space<hbm>> -> memref<32x128xf32, #tpu.memory_space<hbm>>
        %dma_wait3A_848 = arith.constant 768 : i32
        %dma_wait3A_849 = tpu.memref_slice %arg6[%add3A_782, %dma_wait3A_848] : memref<51200x1000xf32, #tpu.memory_space<hbm>> -> memref<32x128xf32, #tpu.memory_space<hbm>>
        %dma_wait3A_850 = arith.constant 0 : i32
        %dma_wait3A_851 = arith.constant 768 : i32
        %dma_wait3A_852 = tpu.memref_slice %arg13[%dma_wait3A_850, %dma_wait3A_851] : memref<32x1000xf32, #tpu.memory_space<vmem>> -> memref<32x128xf32, #tpu.memory_space<vmem>>
        tpu.wait_dma2 semaphore(%arg19 : memref<!tpu.dma_semaphore, #tpu.memory_space<semaphore_mem>>) src(%dma_wait3A_852 : memref<32x128xf32, #tpu.memory_space<vmem>>) dst(%dma_wait3A_849 : memref<32x128xf32, #tpu.memory_space<hbm>>)
        %dma_wait3A_853 = arith.constant 0 : i32
        %dma_wait3A_854 = arith.constant 896 : i32
        %dma_wait3A_855 = tpu.memref_slice %arg13[%dma_wait3A_853, %dma_wait3A_854] : memref<32x1000xf32, #tpu.memory_space<vmem>> -> memref<32x104xf32, #tpu.memory_space<vmem>>
        %dma_wait3A_856 = arith.constant 896 : i32
        %dma_wait3A_857 = tpu.memref_slice %arg6[%add3A_782, %dma_wait3A_856] : memref<51200x1000xf32, #tpu.memory_space<hbm>> -> memref<32x104xf32, #tpu.memory_space<hbm>>
        %dma_wait3A_858 = arith.constant 896 : i32
        %dma_wait3A_859 = tpu.memref_slice %arg6[%add3A_782, %dma_wait3A_858] : memref<51200x1000xf32, #tpu.memory_space<hbm>> -> memref<32x104xf32, #tpu.memory_space<hbm>>
        %dma_wait3A_860 = arith.constant 0 : i32
        %dma_wait3A_861 = arith.constant 896 : i32
        %dma_wait3A_862 = tpu.memref_slice %arg13[%dma_wait3A_860, %dma_wait3A_861] : memref<32x1000xf32, #tpu.memory_space<vmem>> -> memref<32x104xf32, #tpu.memory_space<vmem>>
        tpu.wait_dma2 semaphore(%arg19 : memref<!tpu.dma_semaphore, #tpu.memory_space<semaphore_mem>>) src(%dma_wait3A_862 : memref<32x104xf32, #tpu.memory_space<vmem>>) dst(%dma_wait3A_859 : memref<32x104xf32, #tpu.memory_space<hbm>>)
        %mul3A_863 = arith.constant 32 : i32
        %mul3A_864 = arith.muli %add3A_772, %mul3A_863 : i32
        %dma_start3A_865 = arith.constant 0 : i32
        %dma_start3A_866 = arith.constant 0 : i32
        %dma_start3A_867 = tpu.memref_slice %arg13[%dma_start3A_865, %dma_start3A_866] : memref<32x1000xf32, #tpu.memory_space<vmem>> -> memref<32x128xf32, #tpu.memory_space<vmem>>
        %dma_start3A_868 = tpu.memref_slice %arg8[%mul3A_864] : memref<1600xi32, #tpu.memory_space<vmem>> -> memref<32xi32, #tpu.memory_space<vmem>>
        %dma_start3A_869 = arith.constant 0 : i32
        %dma_start3A_870 = arith.constant 0 : i32
        %dma_start3A_871 = tpu.memref_slice %arg2[%dma_start3A_869, %dma_start3A_870] : memref<1000x1024xf32, #tpu.memory_space<hbm>> -> memref<1000x128xf32, #tpu.memory_space<hbm>>
        %dma_start3A_872 = arith.constant 0 : i32
        %dma_start3A_873 = arith.constant 0 : i32
        %dma_start3A_874 = tpu.memref_slice %dma_start3A_871[%dma_start3A_872, %dma_start3A_873] : memref<1000x128xf32, #tpu.memory_space<hbm>> -> memref<1000x128xf32, #tpu.memory_space<hbm>>
        tpu.enqueue_indirect_dma source(%dma_start3A_874 : memref<1000x128xf32, #tpu.memory_space<hbm>>) target(%dma_start3A_867 : memref<32x128xf32, #tpu.memory_space<vmem>>) offsets(%dma_start3A_868 : memref<32xi32, #tpu.memory_space<vmem>>) semaphore(%arg17 : memref<!tpu.dma_semaphore, #tpu.memory_space<semaphore_mem>>)
        %dma_start3A_875 = arith.constant 0 : i32
        %dma_start3A_876 = arith.constant 128 : i32
        %dma_start3A_877 = tpu.memref_slice %arg13[%dma_start3A_875, %dma_start3A_876] : memref<32x1000xf32, #tpu.memory_space<vmem>> -> memref<32x128xf32, #tpu.memory_space<vmem>>
        %dma_start3A_878 = tpu.memref_slice %arg8[%mul3A_864] : memref<1600xi32, #tpu.memory_space<vmem>> -> memref<32xi32, #tpu.memory_space<vmem>>
        %dma_start3A_879 = arith.constant 0 : i32
        %dma_start3A_880 = arith.constant 128 : i32
        %dma_start3A_881 = tpu.memref_slice %arg2[%dma_start3A_879, %dma_start3A_880] : memref<1000x1024xf32, #tpu.memory_space<hbm>> -> memref<1000x128xf32, #tpu.memory_space<hbm>>
        %dma_start3A_882 = arith.constant 0 : i32
        %dma_start3A_883 = arith.constant 0 : i32
        %dma_start3A_884 = tpu.memref_slice %dma_start3A_881[%dma_start3A_882, %dma_start3A_883] : memref<1000x128xf32, #tpu.memory_space<hbm>> -> memref<1000x128xf32, #tpu.memory_space<hbm>>
        tpu.enqueue_indirect_dma source(%dma_start3A_884 : memref<1000x128xf32, #tpu.memory_space<hbm>>) target(%dma_start3A_877 : memref<32x128xf32, #tpu.memory_space<vmem>>) offsets(%dma_start3A_878 : memref<32xi32, #tpu.memory_space<vmem>>) semaphore(%arg17 : memref<!tpu.dma_semaphore, #tpu.memory_space<semaphore_mem>>)
        %dma_start3A_885 = arith.constant 0 : i32
        %dma_start3A_886 = arith.constant 256 : i32
        %dma_start3A_887 = tpu.memref_slice %arg13[%dma_start3A_885, %dma_start3A_886] : memref<32x1000xf32, #tpu.memory_space<vmem>> -> memref<32x128xf32, #tpu.memory_space<vmem>>
        %dma_start3A_888 = tpu.memref_slice %arg8[%mul3A_864] : memref<1600xi32, #tpu.memory_space<vmem>> -> memref<32xi32, #tpu.memory_space<vmem>>
        %dma_start3A_889 = arith.constant 0 : i32
        %dma_start3A_890 = arith.constant 256 : i32
        %dma_start3A_891 = tpu.memref_slice %arg2[%dma_start3A_889, %dma_start3A_890] : memref<1000x1024xf32, #tpu.memory_space<hbm>> -> memref<1000x128xf32, #tpu.memory_space<hbm>>
        %dma_start3A_892 = arith.constant 0 : i32
        %dma_start3A_893 = arith.constant 0 : i32
        %dma_start3A_894 = tpu.memref_slice %dma_start3A_891[%dma_start3A_892, %dma_start3A_893] : memref<1000x128xf32, #tpu.memory_space<hbm>> -> memref<1000x128xf32, #tpu.memory_space<hbm>>
        tpu.enqueue_indirect_dma source(%dma_start3A_894 : memref<1000x128xf32, #tpu.memory_space<hbm>>) target(%dma_start3A_887 : memref<32x128xf32, #tpu.memory_space<vmem>>) offsets(%dma_start3A_888 : memref<32xi32, #tpu.memory_space<vmem>>) semaphore(%arg17 : memref<!tpu.dma_semaphore, #tpu.memory_space<semaphore_mem>>)
        %dma_start3A_895 = arith.constant 0 : i32
        %dma_start3A_896 = arith.constant 384 : i32
        %dma_start3A_897 = tpu.memref_slice %arg13[%dma_start3A_895, %dma_start3A_896] : memref<32x1000xf32, #tpu.memory_space<vmem>> -> memref<32x128xf32, #tpu.memory_space<vmem>>
        %dma_start3A_898 = tpu.memref_slice %arg8[%mul3A_864] : memref<1600xi32, #tpu.memory_space<vmem>> -> memref<32xi32, #tpu.memory_space<vmem>>
        %dma_start3A_899 = arith.constant 0 : i32
        %dma_start3A_900 = arith.constant 384 : i32
        %dma_start3A_901 = tpu.memref_slice %arg2[%dma_start3A_899, %dma_start3A_900] : memref<1000x1024xf32, #tpu.memory_space<hbm>> -> memref<1000x128xf32, #tpu.memory_space<hbm>>
        %dma_start3A_902 = arith.constant 0 : i32
        %dma_start3A_903 = arith.constant 0 : i32
        %dma_start3A_904 = tpu.memref_slice %dma_start3A_901[%dma_start3A_902, %dma_start3A_903] : memref<1000x128xf32, #tpu.memory_space<hbm>> -> memref<1000x128xf32, #tpu.memory_space<hbm>>
        tpu.enqueue_indirect_dma source(%dma_start3A_904 : memref<1000x128xf32, #tpu.memory_space<hbm>>) target(%dma_start3A_897 : memref<32x128xf32, #tpu.memory_space<vmem>>) offsets(%dma_start3A_898 : memref<32xi32, #tpu.memory_space<vmem>>) semaphore(%arg17 : memref<!tpu.dma_semaphore, #tpu.memory_space<semaphore_mem>>)
        %dma_start3A_905 = arith.constant 0 : i32
        %dma_start3A_906 = arith.constant 512 : i32
        %dma_start3A_907 = tpu.memref_slice %arg13[%dma_start3A_905, %dma_start3A_906] : memref<32x1000xf32, #tpu.memory_space<vmem>> -> memref<32x128xf32, #tpu.memory_space<vmem>>
        %dma_start3A_908 = tpu.memref_slice %arg8[%mul3A_864] : memref<1600xi32, #tpu.memory_space<vmem>> -> memref<32xi32, #tpu.memory_space<vmem>>
        %dma_start3A_909 = arith.constant 0 : i32
        %dma_start3A_910 = arith.constant 512 : i32
        %dma_start3A_911 = tpu.memref_slice %arg2[%dma_start3A_909, %dma_start3A_910] : memref<1000x1024xf32, #tpu.memory_space<hbm>> -> memref<1000x128xf32, #tpu.memory_space<hbm>>
        %dma_start3A_912 = arith.constant 0 : i32
        %dma_start3A_913 = arith.constant 0 : i32
        %dma_start3A_914 = tpu.memref_slice %dma_start3A_911[%dma_start3A_912, %dma_start3A_913] : memref<1000x128xf32, #tpu.memory_space<hbm>> -> memref<1000x128xf32, #tpu.memory_space<hbm>>
        tpu.enqueue_indirect_dma source(%dma_start3A_914 : memref<1000x128xf32, #tpu.memory_space<hbm>>) target(%dma_start3A_907 : memref<32x128xf32, #tpu.memory_space<vmem>>) offsets(%dma_start3A_908 : memref<32xi32, #tpu.memory_space<vmem>>) semaphore(%arg17 : memref<!tpu.dma_semaphore, #tpu.memory_space<semaphore_mem>>)
        %dma_start3A_915 = arith.constant 0 : i32
        %dma_start3A_916 = arith.constant 640 : i32
        %dma_start3A_917 = tpu.memref_slice %arg13[%dma_start3A_915, %dma_start3A_916] : memref<32x1000xf32, #tpu.memory_space<vmem>> -> memref<32x128xf32, #tpu.memory_space<vmem>>
        %dma_start3A_918 = tpu.memref_slice %arg8[%mul3A_864] : memref<1600xi32, #tpu.memory_space<vmem>> -> memref<32xi32, #tpu.memory_space<vmem>>
        %dma_start3A_919 = arith.constant 0 : i32
        %dma_start3A_920 = arith.constant 640 : i32
        %dma_start3A_921 = tpu.memref_slice %arg2[%dma_start3A_919, %dma_start3A_920] : memref<1000x1024xf32, #tpu.memory_space<hbm>> -> memref<1000x128xf32, #tpu.memory_space<hbm>>
        %dma_start3A_922 = arith.constant 0 : i32
        %dma_start3A_923 = arith.constant 0 : i32
        %dma_start3A_924 = tpu.memref_slice %dma_start3A_921[%dma_start3A_922, %dma_start3A_923] : memref<1000x128xf32, #tpu.memory_space<hbm>> -> memref<1000x128xf32, #tpu.memory_space<hbm>>
        tpu.enqueue_indirect_dma source(%dma_start3A_924 : memref<1000x128xf32, #tpu.memory_space<hbm>>) target(%dma_start3A_917 : memref<32x128xf32, #tpu.memory_space<vmem>>) offsets(%dma_start3A_918 : memref<32xi32, #tpu.memory_space<vmem>>) semaphore(%arg17 : memref<!tpu.dma_semaphore, #tpu.memory_space<semaphore_mem>>)
        %dma_start3A_925 = arith.constant 0 : i32
        %dma_start3A_926 = arith.constant 768 : i32
        %dma_start3A_927 = tpu.memref_slice %arg13[%dma_start3A_925, %dma_start3A_926] : memref<32x1000xf32, #tpu.memory_space<vmem>> -> memref<32x128xf32, #tpu.memory_space<vmem>>
        %dma_start3A_928 = tpu.memref_slice %arg8[%mul3A_864] : memref<1600xi32, #tpu.memory_space<vmem>> -> memref<32xi32, #tpu.memory_space<vmem>>
        %dma_start3A_929 = arith.constant 0 : i32
        %dma_start3A_930 = arith.constant 768 : i32
        %dma_start3A_931 = tpu.memref_slice %arg2[%dma_start3A_929, %dma_start3A_930] : memref<1000x1024xf32, #tpu.memory_space<hbm>> -> memref<1000x128xf32, #tpu.memory_space<hbm>>
        %dma_start3A_932 = arith.constant 0 : i32
        %dma_start3A_933 = arith.constant 0 : i32
        %dma_start3A_934 = tpu.memref_slice %dma_start3A_931[%dma_start3A_932, %dma_start3A_933] : memref<1000x128xf32, #tpu.memory_space<hbm>> -> memref<1000x128xf32, #tpu.memory_space<hbm>>
        tpu.enqueue_indirect_dma source(%dma_start3A_934 : memref<1000x128xf32, #tpu.memory_space<hbm>>) target(%dma_start3A_927 : memref<32x128xf32, #tpu.memory_space<vmem>>) offsets(%dma_start3A_928 : memref<32xi32, #tpu.memory_space<vmem>>) semaphore(%arg17 : memref<!tpu.dma_semaphore, #tpu.memory_space<semaphore_mem>>)
        %dma_start3A_935 = tpu.memref_slice %arg8[%mul3A_864] : memref<1600xi32, #tpu.memory_space<vmem>> -> memref<32xi32, #tpu.memory_space<vmem>>
        %dma_start3A_936 = arith.constant 0 : i32
        %dma_start3A_937 = arith.constant 896 : i32
        %dma_start3A_938 = tpu.memref_slice %arg2[%dma_start3A_936, %dma_start3A_937] : memref<1000x1024xf32, #tpu.memory_space<hbm>> -> memref<1000x128xf32, #tpu.memory_space<hbm>>
        %dma_start3A_939 = arith.constant 0 : i32
        %dma_start3A_940 = arith.constant 0 : i32
        %dma_start3A_941 = tpu.memref_slice %dma_start3A_938[%dma_start3A_939, %dma_start3A_940] : memref<1000x128xf32, #tpu.memory_space<hbm>> -> memref<1000x128xf32, #tpu.memory_space<hbm>>
        tpu.enqueue_indirect_dma source(%dma_start3A_941 : memref<1000x128xf32, #tpu.memory_space<hbm>>) target(%arg15 : memref<32x128xf32, #tpu.memory_space<vmem>>) offsets(%dma_start3A_935 : memref<32xi32, #tpu.memory_space<vmem>>) semaphore(%arg17 : memref<!tpu.dma_semaphore, #tpu.memory_space<semaphore_mem>>)
      } else {
      }
    }
    %scan3A_186 = arith.constant 25 : i32
    %scan3A_187 = arith.constant 0 : i32
    %scan3A_188 = arith.constant 20 : i32
    %scan3A_189 = arith.addi %scan3A_187, %scan3A_188 : i32
    %scan3A_190 = arith.constant 1 : i32
    scf.for %scan3A_360 = %scan3A_187 to %scan3A_189 step %scan3A_190  : i32 {
      %mul3A_361 = arith.constant 80 : i32
      %mul3A_362 = arith.muli %scan3A_360, %mul3A_361 : i32
      %add3A_363 = arith.constant 0 : i32
      %add3A_364 = arith.addi %add3A_363, %mul3A_362 : i32
      %dma_wait3A_365 = tpu.memref_slice %arg10[%add3A_364] : memref<1600xf32, #tpu.memory_space<vmem>> -> memref<80xf32, #tpu.memory_space<vmem>>
      %dma_wait3A_366 = tpu.memref_slice %arg8[%add3A_364] : memref<1600xi32, #tpu.memory_space<vmem>> -> memref<80xi32, #tpu.memory_space<vmem>>
      %dma_wait3A_367 = arith.constant 0 : i32
      %dma_wait3A_368 = tpu.memref_slice %arg3[%dma_wait3A_367] : memref<1000xf32, #tpu.memory_space<hbm>> -> memref<1000xf32, #tpu.memory_space<hbm>>
      tpu.wait_indirect_dma semaphore(%arg20 : memref<!tpu.dma_semaphore, #tpu.memory_space<semaphore_mem>>) src(%dma_wait3A_368 : memref<1000xf32, #tpu.memory_space<hbm>>) dst(%dma_wait3A_365 : memref<80xf32, #tpu.memory_space<vmem>>)
    }
    %scan3A_191 = arith.constant 20 : i32
    %scan3A_192 = arith.constant 0 : i32
    %scan3A_193 = arith.constant 100 : i32
    %scan3A_194 = arith.addi %scan3A_192, %scan3A_193 : i32
    %scan3A_195 = arith.constant 1 : i32
    scf.for %scan3A_360 = %scan3A_192 to %scan3A_194 step %scan3A_195  : i32 {
      %mul3A_361 = arith.constant 16 : i32
      %mul3A_362 = arith.muli %scan3A_360, %mul3A_361 : i32
      %add3A_363 = arith.constant 0 : i32
      %add3A_364 = arith.addi %add3A_363, %mul3A_362 : i32
      %get3A = arith.constant 0 : index
      %get3A_365 = tpu.vector_load %arg11[%get3A] {strides = array<i32>} : memref<16xf32, #tpu.memory_space<vmem>>, vector<16xf32>,
      %get3A_366 = arith.index_cast %add3A_364 : i32 to index
      %get3A_367 = tpu.vector_load %arg10[%get3A_366] {strides = array<i32>} : memref<1600xf32, #tpu.memory_space<vmem>>, vector<16xf32>,
      %add3A_368 = arith.addf %get3A_365, %get3A_367 : vector<16xf32>
      %swap3A_369 = arith.constant 0 : index
      %swap3A_370 = tpu.vector_load %arg11[%swap3A_369] {strides = array<i32>} : memref<16xf32, #tpu.memory_space<vmem>>, vector<16xf32>,
      tpu.vector_store %arg11[%swap3A_369], %add3A_368 {strides = array<i32>} : memref<16xf32, #tpu.memory_space<vmem>>, vector<16xf32>,
    }
    %scan3A_196 = arith.constant 100 : i32
    "tpu.region"() ({
      %run_scoped3A = tpu.sem_alloc : memref<!tpu.dma_semaphore, #tpu.memory_space<semaphore_mem>>
      %dma_start3A_360 = arith.constant 0 : i32
      %dma_start3A_361 = tpu.memref_slice %arg7[%add3A, %dma_start3A_360] : memref<32x16xf32, #tpu.memory_space<hbm>> -> memref<1x16xf32, #tpu.memory_space<hbm>>
      %dma_start3A_362 = tpu.memref_squeeze %dma_start3A_361 : memref<1x16xf32, #tpu.memory_space<hbm>> -> memref<16xf32, #tpu.memory_space<hbm>>
      %dma_start3A_363 = arith.constant 0 : i32
      %dma_start3A_364 = tpu.memref_slice %arg7[%add3A, %dma_start3A_363] : memref<32x16xf32, #tpu.memory_space<hbm>> -> memref<1x16xf32, #tpu.memory_space<hbm>>
      %dma_start3A_365 = tpu.memref_squeeze %dma_start3A_364 : memref<1x16xf32, #tpu.memory_space<hbm>> -> memref<16xf32, #tpu.memory_space<hbm>>
      tpu.enqueue_dma source(%arg11 : memref<16xf32, #tpu.memory_space<vmem>>) target(%dma_start3A_365 : memref<16xf32, #tpu.memory_space<hbm>>) target_semaphore(%run_scoped3A : memref<!tpu.dma_semaphore, #tpu.memory_space<semaphore_mem>>)
      %dma_wait3A_366 = arith.constant 0 : i32
      %dma_wait3A_367 = tpu.memref_slice %arg7[%add3A, %dma_wait3A_366] : memref<32x16xf32, #tpu.memory_space<hbm>> -> memref<1x16xf32, #tpu.memory_space<hbm>>
      %dma_wait3A_368 = tpu.memref_squeeze %dma_wait3A_367 : memref<1x16xf32, #tpu.memory_space<hbm>> -> memref<16xf32, #tpu.memory_space<hbm>>
      %dma_wait3A_369 = arith.constant 0 : i32
      %dma_wait3A_370 = tpu.memref_slice %arg7[%add3A, %dma_wait3A_369] : memref<32x16xf32, #tpu.memory_space<hbm>> -> memref<1x16xf32, #tpu.memory_space<hbm>>
      %dma_wait3A_371 = tpu.memref_squeeze %dma_wait3A_370 : memref<1x16xf32, #tpu.memory_space<hbm>> -> memref<16xf32, #tpu.memory_space<hbm>>
      tpu.wait_dma2 semaphore(%run_scoped3A : memref<!tpu.dma_semaphore, #tpu.memory_space<semaphore_mem>>) src(%arg11 : memref<16xf32, #tpu.memory_space<vmem>>) dst(%dma_wait3A_371 : memref<16xf32, #tpu.memory_space<hbm>>)
      tpu.yield
    }) : () -> ()
    %add3A_197 = arith.constant 1536 : i32
    %add3A_198 = arith.addi %mul3A_2, %add3A_197 : i32
    %dma_wait3A = arith.constant 0 : i32
    %dma_wait3A_199 = arith.constant 0 : i32
    %dma_wait3A_200 = tpu.memref_slice %arg12[%dma_wait3A, %dma_wait3A_199] : memref<32x1000xf32, #tpu.memory_space<vmem>> -> memref<32x128xf32, #tpu.memory_space<vmem>>
    %dma_wait3A_201 = arith.constant 0 : i32
    %dma_wait3A_202 = tpu.memref_slice %arg6[%add3A_198, %dma_wait3A_201] : memref<51200x1000xf32, #tpu.memory_space<hbm>> -> memref<32x128xf32, #tpu.memory_space<hbm>>
    %dma_wait3A_203 = arith.constant 0 : i32
    %dma_wait3A_204 = tpu.memref_slice %arg6[%add3A_198, %dma_wait3A_203] : memref<51200x1000xf32, #tpu.memory_space<hbm>> -> memref<32x128xf32, #tpu.memory_space<hbm>>
    %dma_wait3A_205 = arith.constant 0 : i32
    %dma_wait3A_206 = arith.constant 0 : i32
    %dma_wait3A_207 = tpu.memref_slice %arg12[%dma_wait3A_205, %dma_wait3A_206] : memref<32x1000xf32, #tpu.memory_space<vmem>> -> memref<32x128xf32, #tpu.memory_space<vmem>>
    tpu.wait_dma2 semaphore(%arg18 : memref<!tpu.dma_semaphore, #tpu.memory_space<semaphore_mem>>) src(%dma_wait3A_207 : memref<32x128xf32, #tpu.memory_space<vmem>>) dst(%dma_wait3A_204 : memref<32x128xf32, #tpu.memory_space<hbm>>)
    %dma_wait3A_208 = arith.constant 0 : i32
    %dma_wait3A_209 = arith.constant 128 : i32
    %dma_wait3A_210 = tpu.memref_slice %arg12[%dma_wait3A_208, %dma_wait3A_209] : memref<32x1000xf32, #tpu.memory_space<vmem>> -> memref<32x128xf32, #tpu.memory_space<vmem>>
    %dma_wait3A_211 = arith.constant 128 : i32
    %dma_wait3A_212 = tpu.memref_slice %arg6[%add3A_198, %dma_wait3A_211] : memref<51200x1000xf32, #tpu.memory_space<hbm>> -> memref<32x128xf32, #tpu.memory_space<hbm>>
    %dma_wait3A_213 = arith.constant 128 : i32
    %dma_wait3A_214 = tpu.memref_slice %arg6[%add3A_198, %dma_wait3A_213] : memref<51200x1000xf32, #tpu.memory_space<hbm>> -> memref<32x128xf32, #tpu.memory_space<hbm>>
    %dma_wait3A_215 = arith.constant 0 : i32
    %dma_wait3A_216 = arith.constant 128 : i32
    %dma_wait3A_217 = tpu.memref_slice %arg12[%dma_wait3A_215, %dma_wait3A_216] : memref<32x1000xf32, #tpu.memory_space<vmem>> -> memref<32x128xf32, #tpu.memory_space<vmem>>
    tpu.wait_dma2 semaphore(%arg18 : memref<!tpu.dma_semaphore, #tpu.memory_space<semaphore_mem>>) src(%dma_wait3A_217 : memref<32x128xf32, #tpu.memory_space<vmem>>) dst(%dma_wait3A_214 : memref<32x128xf32, #tpu.memory_space<hbm>>)
    %dma_wait3A_218 = arith.constant 0 : i32
    %dma_wait3A_219 = arith.constant 256 : i32
    %dma_wait3A_220 = tpu.memref_slice %arg12[%dma_wait3A_218, %dma_wait3A_219] : memref<32x1000xf32, #tpu.memory_space<vmem>> -> memref<32x128xf32, #tpu.memory_space<vmem>>
    %dma_wait3A_221 = arith.constant 256 : i32
    %dma_wait3A_222 = tpu.memref_slice %arg6[%add3A_198, %dma_wait3A_221] : memref<51200x1000xf32, #tpu.memory_space<hbm>> -> memref<32x128xf32, #tpu.memory_space<hbm>>
    %dma_wait3A_223 = arith.constant 256 : i32
    %dma_wait3A_224 = tpu.memref_slice %arg6[%add3A_198, %dma_wait3A_223] : memref<51200x1000xf32, #tpu.memory_space<hbm>> -> memref<32x128xf32, #tpu.memory_space<hbm>>
    %dma_wait3A_225 = arith.constant 0 : i32
    %dma_wait3A_226 = arith.constant 256 : i32
    %dma_wait3A_227 = tpu.memref_slice %arg12[%dma_wait3A_225, %dma_wait3A_226] : memref<32x1000xf32, #tpu.memory_space<vmem>> -> memref<32x128xf32, #tpu.memory_space<vmem>>
    tpu.wait_dma2 semaphore(%arg18 : memref<!tpu.dma_semaphore, #tpu.memory_space<semaphore_mem>>) src(%dma_wait3A_227 : memref<32x128xf32, #tpu.memory_space<vmem>>) dst(%dma_wait3A_224 : memref<32x128xf32, #tpu.memory_space<hbm>>)
    %dma_wait3A_228 = arith.constant 0 : i32
    %dma_wait3A_229 = arith.constant 384 : i32
    %dma_wait3A_230 = tpu.memref_slice %arg12[%dma_wait3A_228, %dma_wait3A_229] : memref<32x1000xf32, #tpu.memory_space<vmem>> -> memref<32x128xf32, #tpu.memory_space<vmem>>
    %dma_wait3A_231 = arith.constant 384 : i32
    %dma_wait3A_232 = tpu.memref_slice %arg6[%add3A_198, %dma_wait3A_231] : memref<51200x1000xf32, #tpu.memory_space<hbm>> -> memref<32x128xf32, #tpu.memory_space<hbm>>
    %dma_wait3A_233 = arith.constant 384 : i32
    %dma_wait3A_234 = tpu.memref_slice %arg6[%add3A_198, %dma_wait3A_233] : memref<51200x1000xf32, #tpu.memory_space<hbm>> -> memref<32x128xf32, #tpu.memory_space<hbm>>
    %dma_wait3A_235 = arith.constant 0 : i32
    %dma_wait3A_236 = arith.constant 384 : i32
    %dma_wait3A_237 = tpu.memref_slice %arg12[%dma_wait3A_235, %dma_wait3A_236] : memref<32x1000xf32, #tpu.memory_space<vmem>> -> memref<32x128xf32, #tpu.memory_space<vmem>>
    tpu.wait_dma2 semaphore(%arg18 : memref<!tpu.dma_semaphore, #tpu.memory_space<semaphore_mem>>) src(%dma_wait3A_237 : memref<32x128xf32, #tpu.memory_space<vmem>>) dst(%dma_wait3A_234 : memref<32x128xf32, #tpu.memory_space<hbm>>)
    %dma_wait3A_238 = arith.constant 0 : i32
    %dma_wait3A_239 = arith.constant 512 : i32
    %dma_wait3A_240 = tpu.memref_slice %arg12[%dma_wait3A_238, %dma_wait3A_239] : memref<32x1000xf32, #tpu.memory_space<vmem>> -> memref<32x128xf32, #tpu.memory_space<vmem>>
    %dma_wait3A_241 = arith.constant 512 : i32
    %dma_wait3A_242 = tpu.memref_slice %arg6[%add3A_198, %dma_wait3A_241] : memref<51200x1000xf32, #tpu.memory_space<hbm>> -> memref<32x128xf32, #tpu.memory_space<hbm>>
    %dma_wait3A_243 = arith.constant 512 : i32
    %dma_wait3A_244 = tpu.memref_slice %arg6[%add3A_198, %dma_wait3A_243] : memref<51200x1000xf32, #tpu.memory_space<hbm>> -> memref<32x128xf32, #tpu.memory_space<hbm>>
    %dma_wait3A_245 = arith.constant 0 : i32
    %dma_wait3A_246 = arith.constant 512 : i32
    %dma_wait3A_247 = tpu.memref_slice %arg12[%dma_wait3A_245, %dma_wait3A_246] : memref<32x1000xf32, #tpu.memory_space<vmem>> -> memref<32x128xf32, #tpu.memory_space<vmem>>
    tpu.wait_dma2 semaphore(%arg18 : memref<!tpu.dma_semaphore, #tpu.memory_space<semaphore_mem>>) src(%dma_wait3A_247 : memref<32x128xf32, #tpu.memory_space<vmem>>) dst(%dma_wait3A_244 : memref<32x128xf32, #tpu.memory_space<hbm>>)
    %dma_wait3A_248 = arith.constant 0 : i32
    %dma_wait3A_249 = arith.constant 640 : i32
    %dma_wait3A_250 = tpu.memref_slice %arg12[%dma_wait3A_248, %dma_wait3A_249] : memref<32x1000xf32, #tpu.memory_space<vmem>> -> memref<32x128xf32, #tpu.memory_space<vmem>>
    %dma_wait3A_251 = arith.constant 640 : i32
    %dma_wait3A_252 = tpu.memref_slice %arg6[%add3A_198, %dma_wait3A_251] : memref<51200x1000xf32, #tpu.memory_space<hbm>> -> memref<32x128xf32, #tpu.memory_space<hbm>>
    %dma_wait3A_253 = arith.constant 640 : i32
    %dma_wait3A_254 = tpu.memref_slice %arg6[%add3A_198, %dma_wait3A_253] : memref<51200x1000xf32, #tpu.memory_space<hbm>> -> memref<32x128xf32, #tpu.memory_space<hbm>>
    %dma_wait3A_255 = arith.constant 0 : i32
    %dma_wait3A_256 = arith.constant 640 : i32
    %dma_wait3A_257 = tpu.memref_slice %arg12[%dma_wait3A_255, %dma_wait3A_256] : memref<32x1000xf32, #tpu.memory_space<vmem>> -> memref<32x128xf32, #tpu.memory_space<vmem>>
    tpu.wait_dma2 semaphore(%arg18 : memref<!tpu.dma_semaphore, #tpu.memory_space<semaphore_mem>>) src(%dma_wait3A_257 : memref<32x128xf32, #tpu.memory_space<vmem>>) dst(%dma_wait3A_254 : memref<32x128xf32, #tpu.memory_space<hbm>>)
    %dma_wait3A_258 = arith.constant 0 : i32
    %dma_wait3A_259 = arith.constant 768 : i32
    %dma_wait3A_260 = tpu.memref_slice %arg12[%dma_wait3A_258, %dma_wait3A_259] : memref<32x1000xf32, #tpu.memory_space<vmem>> -> memref<32x128xf32, #tpu.memory_space<vmem>>
    %dma_wait3A_261 = arith.constant 768 : i32
    %dma_wait3A_262 = tpu.memref_slice %arg6[%add3A_198, %dma_wait3A_261] : memref<51200x1000xf32, #tpu.memory_space<hbm>> -> memref<32x128xf32, #tpu.memory_space<hbm>>
    %dma_wait3A_263 = arith.constant 768 : i32
    %dma_wait3A_264 = tpu.memref_slice %arg6[%add3A_198, %dma_wait3A_263] : memref<51200x1000xf32, #tpu.memory_space<hbm>> -> memref<32x128xf32, #tpu.memory_space<hbm>>
    %dma_wait3A_265 = arith.constant 0 : i32
    %dma_wait3A_266 = arith.constant 768 : i32
    %dma_wait3A_267 = tpu.memref_slice %arg12[%dma_wait3A_265, %dma_wait3A_266] : memref<32x1000xf32, #tpu.memory_space<vmem>> -> memref<32x128xf32, #tpu.memory_space<vmem>>
    tpu.wait_dma2 semaphore(%arg18 : memref<!tpu.dma_semaphore, #tpu.memory_space<semaphore_mem>>) src(%dma_wait3A_267 : memref<32x128xf32, #tpu.memory_space<vmem>>) dst(%dma_wait3A_264 : memref<32x128xf32, #tpu.memory_space<hbm>>)
    %dma_wait3A_268 = arith.constant 0 : i32
    %dma_wait3A_269 = arith.constant 896 : i32
    %dma_wait3A_270 = tpu.memref_slice %arg12[%dma_wait3A_268, %dma_wait3A_269] : memref<32x1000xf32, #tpu.memory_space<vmem>> -> memref<32x104xf32, #tpu.memory_space<vmem>>
    %dma_wait3A_271 = arith.constant 896 : i32
    %dma_wait3A_272 = tpu.memref_slice %arg6[%add3A_198, %dma_wait3A_271] : memref<51200x1000xf32, #tpu.memory_space<hbm>> -> memref<32x104xf32, #tpu.memory_space<hbm>>
    %dma_wait3A_273 = arith.constant 896 : i32
    %dma_wait3A_274 = tpu.memref_slice %arg6[%add3A_198, %dma_wait3A_273] : memref<51200x1000xf32, #tpu.memory_space<hbm>> -> memref<32x104xf32, #tpu.memory_space<hbm>>
    %dma_wait3A_275 = arith.constant 0 : i32
    %dma_wait3A_276 = arith.constant 896 : i32
    %dma_wait3A_277 = tpu.memref_slice %arg12[%dma_wait3A_275, %dma_wait3A_276] : memref<32x1000xf32, #tpu.memory_space<vmem>> -> memref<32x104xf32, #tpu.memory_space<vmem>>
    tpu.wait_dma2 semaphore(%arg18 : memref<!tpu.dma_semaphore, #tpu.memory_space<semaphore_mem>>) src(%dma_wait3A_277 : memref<32x104xf32, #tpu.memory_space<vmem>>) dst(%dma_wait3A_274 : memref<32x104xf32, #tpu.memory_space<hbm>>)
    %add3A_278 = arith.constant 1568 : i32
    %add3A_279 = arith.addi %mul3A_2, %add3A_278 : i32
    %dma_wait3A_280 = arith.constant 0 : i32
    %dma_wait3A_281 = arith.constant 0 : i32
    %dma_wait3A_282 = tpu.memref_slice %arg13[%dma_wait3A_280, %dma_wait3A_281] : memref<32x1000xf32, #tpu.memory_space<vmem>> -> memref<32x128xf32, #tpu.memory_space<vmem>>
    %dma_wait3A_283 = arith.constant 0 : i32
    %dma_wait3A_284 = tpu.memref_slice %arg6[%add3A_279, %dma_wait3A_283] : memref<51200x1000xf32, #tpu.memory_space<hbm>> -> memref<32x128xf32, #tpu.memory_space<hbm>>
    %dma_wait3A_285 = arith.constant 0 : i32
    %dma_wait3A_286 = tpu.memref_slice %arg6[%add3A_279, %dma_wait3A_285] : memref<51200x1000xf32, #tpu.memory_space<hbm>> -> memref<32x128xf32, #tpu.memory_space<hbm>>
    %dma_wait3A_287 = arith.constant 0 : i32
    %dma_wait3A_288 = arith.constant 0 : i32
    %dma_wait3A_289 = tpu.memref_slice %arg13[%dma_wait3A_287, %dma_wait3A_288] : memref<32x1000xf32, #tpu.memory_space<vmem>> -> memref<32x128xf32, #tpu.memory_space<vmem>>
    tpu.wait_dma2 semaphore(%arg19 : memref<!tpu.dma_semaphore, #tpu.memory_space<semaphore_mem>>) src(%dma_wait3A_289 : memref<32x128xf32, #tpu.memory_space<vmem>>) dst(%dma_wait3A_286 : memref<32x128xf32, #tpu.memory_space<hbm>>)
    %dma_wait3A_290 = arith.constant 0 : i32
    %dma_wait3A_291 = arith.constant 128 : i32
    %dma_wait3A_292 = tpu.memref_slice %arg13[%dma_wait3A_290, %dma_wait3A_291] : memref<32x1000xf32, #tpu.memory_space<vmem>> -> memref<32x128xf32, #tpu.memory_space<vmem>>
    %dma_wait3A_293 = arith.constant 128 : i32
    %dma_wait3A_294 = tpu.memref_slice %arg6[%add3A_279, %dma_wait3A_293] : memref<51200x1000xf32, #tpu.memory_space<hbm>> -> memref<32x128xf32, #tpu.memory_space<hbm>>
    %dma_wait3A_295 = arith.constant 128 : i32
    %dma_wait3A_296 = tpu.memref_slice %arg6[%add3A_279, %dma_wait3A_295] : memref<51200x1000xf32, #tpu.memory_space<hbm>> -> memref<32x128xf32, #tpu.memory_space<hbm>>
    %dma_wait3A_297 = arith.constant 0 : i32
    %dma_wait3A_298 = arith.constant 128 : i32
    %dma_wait3A_299 = tpu.memref_slice %arg13[%dma_wait3A_297, %dma_wait3A_298] : memref<32x1000xf32, #tpu.memory_space<vmem>> -> memref<32x128xf32, #tpu.memory_space<vmem>>
    tpu.wait_dma2 semaphore(%arg19 : memref<!tpu.dma_semaphore, #tpu.memory_space<semaphore_mem>>) src(%dma_wait3A_299 : memref<32x128xf32, #tpu.memory_space<vmem>>) dst(%dma_wait3A_296 : memref<32x128xf32, #tpu.memory_space<hbm>>)
    %dma_wait3A_300 = arith.constant 0 : i32
    %dma_wait3A_301 = arith.constant 256 : i32
    %dma_wait3A_302 = tpu.memref_slice %arg13[%dma_wait3A_300, %dma_wait3A_301] : memref<32x1000xf32, #tpu.memory_space<vmem>> -> memref<32x128xf32, #tpu.memory_space<vmem>>
    %dma_wait3A_303 = arith.constant 256 : i32
    %dma_wait3A_304 = tpu.memref_slice %arg6[%add3A_279, %dma_wait3A_303] : memref<51200x1000xf32, #tpu.memory_space<hbm>> -> memref<32x128xf32, #tpu.memory_space<hbm>>
    %dma_wait3A_305 = arith.constant 256 : i32
    %dma_wait3A_306 = tpu.memref_slice %arg6[%add3A_279, %dma_wait3A_305] : memref<51200x1000xf32, #tpu.memory_space<hbm>> -> memref<32x128xf32, #tpu.memory_space<hbm>>
    %dma_wait3A_307 = arith.constant 0 : i32
    %dma_wait3A_308 = arith.constant 256 : i32
    %dma_wait3A_309 = tpu.memref_slice %arg13[%dma_wait3A_307, %dma_wait3A_308] : memref<32x1000xf32, #tpu.memory_space<vmem>> -> memref<32x128xf32, #tpu.memory_space<vmem>>
    tpu.wait_dma2 semaphore(%arg19 : memref<!tpu.dma_semaphore, #tpu.memory_space<semaphore_mem>>) src(%dma_wait3A_309 : memref<32x128xf32, #tpu.memory_space<vmem>>) dst(%dma_wait3A_306 : memref<32x128xf32, #tpu.memory_space<hbm>>)
    %dma_wait3A_310 = arith.constant 0 : i32
    %dma_wait3A_311 = arith.constant 384 : i32
    %dma_wait3A_312 = tpu.memref_slice %arg13[%dma_wait3A_310, %dma_wait3A_311] : memref<32x1000xf32, #tpu.memory_space<vmem>> -> memref<32x128xf32, #tpu.memory_space<vmem>>
    %dma_wait3A_313 = arith.constant 384 : i32
    %dma_wait3A_314 = tpu.memref_slice %arg6[%add3A_279, %dma_wait3A_313] : memref<51200x1000xf32, #tpu.memory_space<hbm>> -> memref<32x128xf32, #tpu.memory_space<hbm>>
    %dma_wait3A_315 = arith.constant 384 : i32
    %dma_wait3A_316 = tpu.memref_slice %arg6[%add3A_279, %dma_wait3A_315] : memref<51200x1000xf32, #tpu.memory_space<hbm>> -> memref<32x128xf32, #tpu.memory_space<hbm>>
    %dma_wait3A_317 = arith.constant 0 : i32
    %dma_wait3A_318 = arith.constant 384 : i32
    %dma_wait3A_319 = tpu.memref_slice %arg13[%dma_wait3A_317, %dma_wait3A_318] : memref<32x1000xf32, #tpu.memory_space<vmem>> -> memref<32x128xf32, #tpu.memory_space<vmem>>
    tpu.wait_dma2 semaphore(%arg19 : memref<!tpu.dma_semaphore, #tpu.memory_space<semaphore_mem>>) src(%dma_wait3A_319 : memref<32x128xf32, #tpu.memory_space<vmem>>) dst(%dma_wait3A_316 : memref<32x128xf32, #tpu.memory_space<hbm>>)
    %dma_wait3A_320 = arith.constant 0 : i32
    %dma_wait3A_321 = arith.constant 512 : i32
    %dma_wait3A_322 = tpu.memref_slice %arg13[%dma_wait3A_320, %dma_wait3A_321] : memref<32x1000xf32, #tpu.memory_space<vmem>> -> memref<32x128xf32, #tpu.memory_space<vmem>>
    %dma_wait3A_323 = arith.constant 512 : i32
    %dma_wait3A_324 = tpu.memref_slice %arg6[%add3A_279, %dma_wait3A_323] : memref<51200x1000xf32, #tpu.memory_space<hbm>> -> memref<32x128xf32, #tpu.memory_space<hbm>>
    %dma_wait3A_325 = arith.constant 512 : i32
    %dma_wait3A_326 = tpu.memref_slice %arg6[%add3A_279, %dma_wait3A_325] : memref<51200x1000xf32, #tpu.memory_space<hbm>> -> memref<32x128xf32, #tpu.memory_space<hbm>>
    %dma_wait3A_327 = arith.constant 0 : i32
    %dma_wait3A_328 = arith.constant 512 : i32
    %dma_wait3A_329 = tpu.memref_slice %arg13[%dma_wait3A_327, %dma_wait3A_328] : memref<32x1000xf32, #tpu.memory_space<vmem>> -> memref<32x128xf32, #tpu.memory_space<vmem>>
    tpu.wait_dma2 semaphore(%arg19 : memref<!tpu.dma_semaphore, #tpu.memory_space<semaphore_mem>>) src(%dma_wait3A_329 : memref<32x128xf32, #tpu.memory_space<vmem>>) dst(%dma_wait3A_326 : memref<32x128xf32, #tpu.memory_space<hbm>>)
    %dma_wait3A_330 = arith.constant 0 : i32
    %dma_wait3A_331 = arith.constant 640 : i32
    %dma_wait3A_332 = tpu.memref_slice %arg13[%dma_wait3A_330, %dma_wait3A_331] : memref<32x1000xf32, #tpu.memory_space<vmem>> -> memref<32x128xf32, #tpu.memory_space<vmem>>
    %dma_wait3A_333 = arith.constant 640 : i32
    %dma_wait3A_334 = tpu.memref_slice %arg6[%add3A_279, %dma_wait3A_333] : memref<51200x1000xf32, #tpu.memory_space<hbm>> -> memref<32x128xf32, #tpu.memory_space<hbm>>
    %dma_wait3A_335 = arith.constant 640 : i32
    %dma_wait3A_336 = tpu.memref_slice %arg6[%add3A_279, %dma_wait3A_335] : memref<51200x1000xf32, #tpu.memory_space<hbm>> -> memref<32x128xf32, #tpu.memory_space<hbm>>
    %dma_wait3A_337 = arith.constant 0 : i32
    %dma_wait3A_338 = arith.constant 640 : i32
    %dma_wait3A_339 = tpu.memref_slice %arg13[%dma_wait3A_337, %dma_wait3A_338] : memref<32x1000xf32, #tpu.memory_space<vmem>> -> memref<32x128xf32, #tpu.memory_space<vmem>>
    tpu.wait_dma2 semaphore(%arg19 : memref<!tpu.dma_semaphore, #tpu.memory_space<semaphore_mem>>) src(%dma_wait3A_339 : memref<32x128xf32, #tpu.memory_space<vmem>>) dst(%dma_wait3A_336 : memref<32x128xf32, #tpu.memory_space<hbm>>)
    %dma_wait3A_340 = arith.constant 0 : i32
    %dma_wait3A_341 = arith.constant 768 : i32
    %dma_wait3A_342 = tpu.memref_slice %arg13[%dma_wait3A_340, %dma_wait3A_341] : memref<32x1000xf32, #tpu.memory_space<vmem>> -> memref<32x128xf32, #tpu.memory_space<vmem>>
    %dma_wait3A_343 = arith.constant 768 : i32
    %dma_wait3A_344 = tpu.memref_slice %arg6[%add3A_279, %dma_wait3A_343] : memref<51200x1000xf32, #tpu.memory_space<hbm>> -> memref<32x128xf32, #tpu.memory_space<hbm>>
    %dma_wait3A_345 = arith.constant 768 : i32
    %dma_wait3A_346 = tpu.memref_slice %arg6[%add3A_279, %dma_wait3A_345] : memref<51200x1000xf32, #tpu.memory_space<hbm>> -> memref<32x128xf32, #tpu.memory_space<hbm>>
    %dma_wait3A_347 = arith.constant 0 : i32
    %dma_wait3A_348 = arith.constant 768 : i32
    %dma_wait3A_349 = tpu.memref_slice %arg13[%dma_wait3A_347, %dma_wait3A_348] : memref<32x1000xf32, #tpu.memory_space<vmem>> -> memref<32x128xf32, #tpu.memory_space<vmem>>
    tpu.wait_dma2 semaphore(%arg19 : memref<!tpu.dma_semaphore, #tpu.memory_space<semaphore_mem>>) src(%dma_wait3A_349 : memref<32x128xf32, #tpu.memory_space<vmem>>) dst(%dma_wait3A_346 : memref<32x128xf32, #tpu.memory_space<hbm>>)
    %dma_wait3A_350 = arith.constant 0 : i32
    %dma_wait3A_351 = arith.constant 896 : i32
    %dma_wait3A_352 = tpu.memref_slice %arg13[%dma_wait3A_350, %dma_wait3A_351] : memref<32x1000xf32, #tpu.memory_space<vmem>> -> memref<32x104xf32, #tpu.memory_space<vmem>>
    %dma_wait3A_353 = arith.constant 896 : i32
    %dma_wait3A_354 = tpu.memref_slice %arg6[%add3A_279, %dma_wait3A_353] : memref<51200x1000xf32, #tpu.memory_space<hbm>> -> memref<32x104xf32, #tpu.memory_space<hbm>>
    %dma_wait3A_355 = arith.constant 896 : i32
    %dma_wait3A_356 = tpu.memref_slice %arg6[%add3A_279, %dma_wait3A_355] : memref<51200x1000xf32, #tpu.memory_space<hbm>> -> memref<32x104xf32, #tpu.memory_space<hbm>>
    %dma_wait3A_357 = arith.constant 0 : i32
    %dma_wait3A_358 = arith.constant 896 : i32
    %dma_wait3A_359 = tpu.memref_slice %arg13[%dma_wait3A_357, %dma_wait3A_358] : memref<32x1000xf32, #tpu.memory_space<vmem>> -> memref<32x104xf32, #tpu.memory_space<vmem>>
    tpu.wait_dma2 semaphore(%arg19 : memref<!tpu.dma_semaphore, #tpu.memory_space<semaphore_mem>>) src(%dma_wait3A_359 : memref<32x104xf32, #tpu.memory_space<vmem>>) dst(%dma_wait3A_356 : memref<32x104xf32, #tpu.memory_space<hbm>>)
    return
  }
}

module attributes {stable_mosaic.version = 14 : i64} {
  func.func @_prep_body(%arg0: memref<1000x1000xf32, #tpu.memory_space<vmem>>, %arg1: memref<1000xf32, #tpu.memory_space<vmem>>, %arg2: memref<1000x1024xf32, #tpu.memory_space<vmem>>) attributes {dimension_semantics = [], scalar_prefetch = 0 : i64, scratch_operands = 0 : i64, tpu.core_type = #tpu.core_type<tc>} {
    %get3A = arith.constant 0 : index
    %get3A_0 = arith.constant 0 : index
    %get3A_1 = vector.load %arg0[%get3A, %get3A_0] : memref<1000x1000xf32, #tpu.memory_space<vmem>>, vector<1000x1000xf32>
    %reduce_max3A = arith.constant dense<0xFF800000> : vector<1000xf32>
    %reduce_max3A_2 = vector.multi_reduction <maximumf>, %get3A_1, %reduce_max3A [1] : vector<1000x1000xf32> to vector<1000xf32>
    %broadcast_in_dim3A = vector.shape_cast %reduce_max3A_2 : vector<1000xf32> to vector<1000x1xf32>
    %sub3A = vector.broadcast %broadcast_in_dim3A : vector<1000x1xf32> to vector<1000x1000xf32>
    %sub3A_3 = arith.subf %get3A_1, %sub3A : vector<1000x1000xf32>
    %exp3A = math.exp %sub3A_3 : vector<1000x1000xf32>
    %reduce_sum3A = arith.constant dense<0.000000e+00> : vector<1000xf32>
    %reduce_sum3A_4 = vector.multi_reduction <add>, %exp3A, %reduce_sum3A [1] : vector<1000x1000xf32> to vector<1000xf32>
    %log3A = math.log %reduce_sum3A_4 : vector<1000xf32>
    %add3A = arith.addf %reduce_max3A_2, %log3A : vector<1000xf32>
    %swap3A = arith.constant 0 : index
    %swap3A_5 = vector.load %arg1[%swap3A] : memref<1000xf32, #tpu.memory_space<vmem>>, vector<1000xf32>
    tpu.vector_store %arg1[%swap3A], %add3A {strides = array<i32>} : memref<1000xf32, #tpu.memory_space<vmem>>, vector<1000xf32>,
    %broadcast_in_dim3A_6 = arith.constant 0.000000e+00 : f32
    %broadcast_in_dim3A_7 = vector.broadcast %broadcast_in_dim3A_6 : f32 to vector<1000x24xf32>
    %concatenate3A = tpu.concatenate %get3A_1, %broadcast_in_dim3A_7 in 1 : vector<1000x1000xf32>, vector<1000x24xf32> -> vector<1000x1024xf32>
    %swap3A_8 = arith.constant 0 : index
    %swap3A_9 = arith.constant 0 : index
    %swap3A_10 = vector.load %arg2[%swap3A_8, %swap3A_9] : memref<1000x1024xf32, #tpu.memory_space<vmem>>, vector<1000x1024xf32>
    tpu.vector_store %arg2[%swap3A_8, %swap3A_9], %concatenate3A {strides = array<i32>} : memref<1000x1024xf32, #tpu.memory_space<vmem>>, vector<1000x1024xf32>,
    return
  }
}

module attributes {stable_mosaic.version = 14 : i64} {
  func.func @_reduce_body(%arg0: memref<32x16xf32, #tpu.memory_space<vmem>>, %arg1: memref<1x1xf32, #tpu.memory_space<vmem>>) attributes {dimension_semantics = [], scalar_prefetch = 0 : i64, scratch_operands = 0 : i64, tpu.core_type = #tpu.core_type<tc>} {
    %get3A = arith.constant 0 : index
    %get3A_0 = arith.constant 0 : index
    %get3A_1 = vector.load %arg0[%get3A, %get3A_0] : memref<32x16xf32, #tpu.memory_space<vmem>>, vector<32x16xf32>
    %reduce_sum3A = vector.shape_cast %get3A_1 : vector<32x16xf32> to vector<1x32x16xf32>
    %reduce_sum3A_2 = arith.constant dense<0.000000e+00> : vector<1xf32>
    %reduce_sum3A_3 = vector.multi_reduction <add>, %reduce_sum3A, %reduce_sum3A_2 [1, 2] : vector<1x32x16xf32> to vector<1xf32>
    %reduce_sum3A_4 = vector.shape_cast %reduce_sum3A_3 : vector<1xf32> to vector<1x1x1xf32>
    %reduce_sum3A_5 = vector.extract %reduce_sum3A_4[0, 0, 0] : f32 from vector<1x1x1xf32>
    %div3A = arith.constant 5.120000e+04 : f32
    %div3A_6 = arith.divf %reduce_sum3A_5, %div3A : f32
    %reshape3A = vector.broadcast %div3A_6 : f32 to vector<1x1xf32>
    %swap3A = arith.constant 0 : index
    %swap3A_7 = arith.constant 0 : index
    %swap3A_8 = vector.load %arg1[%swap3A, %swap3A_7] : memref<1x1xf32, #tpu.memory_space<vmem>>, vector<1x1xf32>
    tpu.vector_store %arg1[%swap3A, %swap3A_7], %reshape3A {strides = array<i32>} : memref<1x1xf32, #tpu.memory_space<vmem>>, vector<1x1xf32>,
    return
  }
}

module attributes {stable_mosaic.version = 14 : i64} {
  func.func @_tr_body(%arg0: i32, %arg1: memref<1024x1000xf32, #tpu.memory_space<vmem>>, %arg2: memref<1000x1024xf32, #tpu.memory_space<vmem>>) attributes {dimension_semantics = [#tpu.dimension_semantics<arbitrary>], iteration_bounds = array<i64: 50>, scalar_prefetch = 0 : i64, scratch_operands = 0 : i64, tpu.core_type = #tpu.core_type<tc>, window_params = [{transform_indices = @transform_0, window_bounds = array<i64: 1024, 1000>}, {transform_indices = @transform_1, window_bounds = array<i64: 1000, 1024>}]} {
    %get3A = arith.constant 0 : index
    %get3A_0 = arith.constant 0 : index
    %get3A_1 = vector.load %arg1[%get3A, %get3A_0] : memref<1024x1000xf32, #tpu.memory_space<vmem>>, vector<1024x1000xf32>
    %transpose3A = tpu.transpose %get3A_1, [1, 0] : vector<1024x1000xf32> -> vector<1000x1024xf32>
    %swap3A = arith.constant 0 : index
    %swap3A_2 = arith.constant 0 : index
    %swap3A_3 = vector.load %arg2[%swap3A, %swap3A_2] : memref<1000x1024xf32, #tpu.memory_space<vmem>>, vector<1000x1024xf32>
    tpu.vector_store %arg2[%swap3A, %swap3A_2], %transpose3A {strides = array<i32>} : memref<1000x1024xf32, #tpu.memory_space<vmem>>, vector<1000x1024xf32>,
    return
  }
  func.func @transform_0(%arg0: i32) -> (i32, i32) {
    %c0_i32 = arith.constant 0 : i32
    %c0_i32_0 = arith.constant 0 : i32
    return %arg0, %c0_i32 : i32, i32
  }
  func.func @transform_1(%arg0: i32) -> (i32, i32) {
    %c0_i32 = arith.constant 0 : i32
    %c0_i32_0 = arith.constant 0 : i32
    return %c0_i32, %arg0 : i32, i32
  }
}

</mosaic_0001>

<sc_bundles>
// kernel: kernel.6.cloned.1.call-start
scs
__scs_entry_jumppad:
0x0: {  	(pc) =	sbr.rel $0x88, $3  }
0x1: {  	(tag) =	ssettag $0x0;
	lr =	simm.s32 $0x1  }
0x2: {  	[smem:$0x3F9E] =	sst lr;
	_ =	strace $0xD0000000  }
0x3: {  	_ = 	snop  }
0x4: {  	_ = 	snop  }
0x5: {  	_ = 	snop  }
0x6: {  	_ = 	snop  }
0x7: {  	_ = 	snop  }
__scs_overlays_trampoline_lowered:
0x8: {  	[smem:$0x3FAD] =	sst s0  }
0x9: {  	[smem:$0x3FAE] =	sst s1  }
0xa: {  	[smem:$0x3FAF] =	sst s2  }
0xb: {  	[smem:$0x3FB0] =	sst s3  }
0xc: {  	[smem:$0x3FB1] =	sst s4  }
0xd: {  	[smem:$0x3FB2] =	sst s5  }
0xe: {  	[smem:$0x3FB3] =	sst s6  }
0xf: {  	[smem:$0x3FB4] =	sst s7  }
0x10: {  	[smem:$0x3FB5] =	sst s8  }
0x11: {  	[smem:$0x3FB6] =	sst s9;
	s0 =	simm.s32 @!p0 $0x0  }
0x12: {  	s1 =	sld [smem:$0x3F9C];
	s0 =	simm.s32 @p0 $0x1  }
0x13: {  	[smem:$0x3FB7] =	sst s0;
	s0 =	simm.s32 @!p1 $0x0  }
0x14: {  	s2 =	sld [smem:$0x3F9B];
	s0 =	simm.s32 @p1 $0x1  }
0x15: {  	[smem:$0x3FB8] =	sst s0;
	s0 =	simm.s32 @!p2 $0x0  }
0x16: {  	s3 =	sld [smem:$0x3FDB];
	s0 =	simm.s32 @p2 $0x1  }
0x17: {  	s4 =	simm.s32 $0x1BF5;
	[smem:$0x3FBA] =	sst s0  }
0x18: {  	s0 =	sld [smem:$0x3F9D];
	_ =	swait.ge [sflag:s4], $0x0  }
0x19: {  	s7 =	sld [smem:$0x3F9E]  }
0x1a: {  	s8 =	sadd.s32 $0xFFFFE003, lr  }
0x1b: {  	s9 =	sadd.s32 $0xFFFFFEF7, lr;
	s5 =	simm.s32 $0xFFFFFFFF;
	p2 =	slt.u32 s8, $0xFFFFF086  }
0x1c: {  	p1 =	slt.u32 s9, $0xF7A;
	s5 =	simm.s32 @!p2 $0x0  }
0x1d: {  	s5 =	simm.s32 @p1 $0x1;
	p0 =	seq.s32 s7, s2  }
0x1e: {  	s7 =	smul.u32 @!p0 $0xF7A, s2;
	p2 =	seq.s32 @!p0 s5, $0x0  }
0x1f: {  	s9 =	smul.u32 $0xF7A, s1;
	s8 =	simm.s32 @!p0 $0x1BF5;
	p2 =	por !p2, p0  }
0x20: {  	[sflag:s8] =	ssyncset.s32 @!p0 $0xFFFFF086;
	s6 =	sadd.s32 @!p0 s3, s7;
	s7 =	simm.s32 @!p0 $0x108  }
0x21: {  	s3 =	sadd.s32 s3, s9;
	s6 =	sadd.s32 @!p0 $0x88, s6;
	s7 =	simm.s32 @p2 $0x1082  }
0x22: {  	[simem:s7], [sflag:s8] =	dma.local @!p0 [hbm:s6], $0xF7A  }
0x23: {  	s9 =	sor.u32 $0xD0000000, s2;
	s6 =	simm.s32 $0x108;
	_ =	swait.ge @!p0 [sflag:s8], $0x0  }
0x24: {  	s3 =	sadd.s32 $0x88, s3;
	s6 =	simm.s32 @!p1 $0x1082;
	[sflag:s4] =	ssyncset.s32 $0xFFFFF086  }
0x25: {  	[simem:s6], [sflag:s4] =	dma.local [hbm:s3], $0xF7A  }
0x26: {  	[smem:$0x3F9E] =	sst s1;
	(tag) =	ssettag s2;
	_ =	strace s9  }
0x27: {  	s1 =	sld [smem:$0x3FAE]  }
0x28: {  	s2 =	sld [smem:$0x3FAF]  }
0x29: {  	s4 =	sld [smem:$0x3FB1]  }
0x2a: {  	p0 =	seq.s32 s5, $0x0;
	s5 =	sld [smem:$0x3FB2]  }
0x2b: {  	s6 =	sld [smem:$0x3FB3]  }
0x2c: {  	s7 =	sld [smem:$0x3FB4]  }
0x2d: {  	s3 =	simm.s32 $0x108;
	s8 =	sld [smem:$0x3FB5]  }
0x2e: {  	s3 =	simm.s32 @!p0 $0x1082;
	s9 =	sld [smem:$0x3FB6]  }
0x2f: {  	lr =	sadd.s32 s0, s3;
	s0 =	sld [smem:$0x3FAD]  }
0x30: {  	s3 =	sld [smem:$0x3FB0]  }
0x31: {  	[smem:$0x3FB9] =	sst s10  }
0x32: {  	s10 =	sld [smem:$0x3FB7];
	_ =	sdelay $0x3  }
0x33: {  	p0 =	seq.s32 s10, $0x1;
	s10 =	sld [smem:$0x3FB9];
	_ =	sdelay $0x3  }
0x34: {  	[smem:$0x3FB9] =	sst s10  }
0x35: {  	s10 =	sld [smem:$0x3FB8];
	_ =	sdelay $0x3  }
0x36: {  	p1 =	seq.s32 s10, $0x1;
	s10 =	sld [smem:$0x3FB9];
	_ =	sdelay $0x3  }
0x37: {  	[smem:$0x3FB9] =	sst s10  }
0x38: {  	s10 =	sld [smem:$0x3FBA]  }
0x39: {  	_ = 	snop;
	(pc) =	sbr.ind lr, $3  }
0x3a: {  	_ = 	snop  }
0x3b: {  	_ = 	snop  }
0x3c: {  	p2 =	seq.s32 s10, $0x1;
	s10 =	sld [smem:$0x3FB9]  }
0x3d: {  	_ =	shalt  }
0x3e: {  	_ =	shalt  }
0x3f: {  	_ =	shalt  }
0x40: {  	_ =	shalt  }
0x41: {  	_ =	shalt  }
0x42: {  	_ =	shalt  }
0x43: {  	_ =	shalt  }
0x44: {  	_ =	shalt  }
0x45: {  	_ =	shalt  }
0x46: {  	_ =	shalt  }
0x47: {  	_ =	shalt  }
0x48: {  	_ =	shalt  }
0x49: {  	_ =	shalt  }
0x4a: {  	_ =	shalt  }
0x4b: {  	_ =	shalt  }
0x4c: {  	_ =	shalt  }
0x4d: {  	_ =	shalt  }
0x4e: {  	_ =	shalt  }
0x4f: {  	_ =	shalt  }
0x50: {  	_ =	shalt  }
0x51: {  	_ =	shalt  }
0x52: {  	_ =	shalt  }
0x53: {  	_ =	shalt  }
0x54: {  	_ =	shalt  }
0x55: {  	_ =	shalt  }
0x56: {  	_ =	shalt  }
0x57: {  	_ =	shalt  }
0x58: {  	_ =	shalt  }
0x59: {  	_ =	shalt  }
0x5a: {  	_ =	shalt  }
0x5b: {  	_ =	shalt  }
0x5c: {  	_ =	shalt  }
0x5d: {  	_ =	shalt  }
0x5e: {  	_ =	shalt  }
0x5f: {  	_ =	shalt  }
0x60: {  	_ =	shalt  }
0x61: {  	_ =	shalt  }
0x62: {  	_ =	shalt  }
0x63: {  	_ =	shalt  }
0x64: {  	_ =	shalt  }
0x65: {  	_ =	shalt  }
0x66: {  	_ =	shalt  }
0x67: {  	_ =	shalt  }
0x68: {  	_ =	shalt  }
0x69: {  	_ =	shalt  }
0x6a: {  	_ =	shalt  }
0x6b: {  	_ =	shalt  }
0x6c: {  	_ =	shalt  }
0x6d: {  	_ =	shalt  }
0x6e: {  	_ =	shalt  }
0x6f: {  	_ =	shalt  }
0x70: {  	_ =	shalt  }
0x71: {  	_ =	shalt  }
0x72: {  	_ =	shalt  }
0x73: {  	_ =	shalt  }
0x74: {  	_ =	shalt  }
0x75: {  	_ =	shalt  }
0x76: {  	_ =	shalt  }
0x77: {  	_ =	shalt  }
0x78: {  	_ =	shalt  }
0x79: {  	_ =	shalt  }
0x7a: {  	_ =	shalt  }
0x7b: {  	_ =	shalt  }
0x7c: {  	_ =	shalt  }
0x7d: {  	_ =	shalt  }
0x7e: {  	_ =	shalt  }
0x7f: {  	_ =	shalt  }
0x80: {  	_ =	shalt  }
0x81: {  	_ =	shalt  }
0x82: {  	_ =	shalt  }
0x83: {  	_ =	shalt  }
0x84: {  	_ =	shalt  }
0x85: {  	_ =	shalt  }
0x86: {  	_ =	shalt  }
0x87: {  	_ =	shalt  }
.Lfunc_end0:
.L_simem_size_0:
called_computation_lowered:
.L_overlay_start_0:
0x88: {  	s2 =	sld [smem:$0x3FD9]  }
0x89: {  	s3 =	sld [smem:$0x3FFE];
	_ =	sdelay $0x1  }
0x8a: {  	s1 =	srdreg.scid  }
0x8b: {  	s0 =	sand.u32 $0x1, s1  }
0x8c: {  	s14 =	sshll.u32 s0, $0xA;
	s2 =	sadd.s32 s3, s2  }
0x8d: {  	s2 =	sadd.s32 s2, s14  }
0x8e: {  	[smem:$0x3FC5] =	sst s2  }
0x8f: {  	_ = 	snop  }
0x90: {  	s2 =	sld [smem:$0x3FD0];
	_ =	sdelay $0x2  }
0x91: {  	s15 =	simm.s32 $0xA;
	s4 =	simm.s32 $0x10  }
0x92: {  	[smem:s4], [sflag:s15] =	dma.local [hbm:s2], $0x1  }
0x93: {  	_ =	swait.eq [sflag:s15], $0x1  }
0x94: {  	[sflag:s15] =	ssyncset.done $0x0  }
0x95: {  	[sflag:s15] =	ssyncadd.s32 $0xFFFFFFFF  }
0x96: {  	s16 =	sld [smem:$0x10];
	(tm) =	ssettm $0x1  }
0x97: {  	s17 =	sld [smem:$0x3FFB];
	_ =	sdelay $0x3  }
0x98: {  	_ =	strace s17  }
0x99: {  	s3 =	sld [smem:$0x3FFC];
	_ =	sdelay $0x3  }
0x9a: {  	_ =	strace s3  }
0x9b: {  	s3 =	sld [smem:$0x3FFD];
	_ =	sdelay $0x3  }
0x9c: {  	_ =	strace s3  }
0x9d: {  	_ =	strace $0x8FFFFFFF  }
0x9e: {  	s18 =	sld [smem:$0x3FDB];
	_ =	sdelay $0x1  }
0x9f: {  	s19 =	simm.s32 $_scs_section_size  }
0xa0: {  	s5 =	simm.s32 $_size__tile_overlayer_lowered;
	s6 =	simm.s32 $_tile_overlayer_lowered  }
0xa1: {  	s22 =	simm.s32 $0x1BFF;
	s21 =	sshll.u32 s6, $0x1;
	s3 =	sadd.s32 s19, s18  }
0xa2: {  	s7 =	simm.s32 $0x0;
	s20 =	sshll.u32 s5, $0x1;
	s5 =	sadd.s32 s21, s3  }
0xa3: {  	[timem:s7], [sflag:s22] =	dma.local [hbm:s5], s20  }
0xa4: {  	_ =	swait.ge [sflag:s22], s20  }
0xa5: {  	s4 =	ssub.s32 $0x0, s20;
	[sflag:s22] =	ssyncset.done $0x0  }
0xa6: {  	[sflag:s22] =	ssyncadd.s32 s4;
	_ =	sdelay $0x1  }
0xa7: {  	s23 =	simm.s32 $0x1B8B  }
0xa8: {  	_ =	swait.ge [sflag:s23], $0x1  }
0xa9: {  	[sflag:s23] =	ssyncset.done $0x0  }
0xaa: {  	s25 =	simm.s32 $0x1B8E;
	s24 =	sld [smem:$0x3FFE];
	[sflag:s23] =	ssyncadd.s32 $0xFFFFFFFF  }
0xab: {  	s26 =	simm.s32 $execute0_lowered;
	[smem:$0x3FD2] =	sst s25  }
0xac: {  	s5 =	sshll.u32 s26, $0x1;
	_ =	strace $0x80000046;
	[dreg:$0x1] =	wrdreg $0xFFFFFFFF  }
0xad: {  	s28 =	simm.s32 $_size_execute0_lowered;
	s3 =	sadd.s32 s3, s5;
	[dreg:$0x0] =	wrdreg $0x0  }
0xae: {  	s5 =	sshll.u32 s28, $0x1;
	[dreg:$0x2] =	wrdreg s3  }
0xaf: {  	[dreg:$0x3] =	wrdreg s5  }
0xb0: {  	[dreg:$0x4] =	wrdreg $0xC0  }
0xb1: {  	_ =	task [dreg:s7], $0x5FFFF  }
0xb2: {  	[dreg:$0x1] =	wrdreg $0xFFFFFFFF  }
0xb3: {  	[dreg:$0x0] =	wrdreg $0x60  }
0xb4: {  	[dreg:$0x2] =	wrdreg s16  }
0xb5: {  	[dreg:$0x3] =	wrdreg s24  }
0xb6: {  	[dreg:$0x4] =	wrdreg $0x9  }
0xb7: {  	_ =	task.clear_ibuf [dreg:s7], $0x5FFFF;
	_ =	strace $0x90000046  }
0xb8: {  	s29 =	simm.s32 $0x9;
	_ =	strace $0x80000048  }
0xb9: {  	_ =	swait.ge [sflag:s29], $0x1  }
0xba: {  	[sflag:s29] =	ssyncadd.s32 $0xFFFFFFFF  }
0xbb: {  	_ =	strace $0x90000048  }
0xbc: {  	_ =	sfence  }
0xbd: {  	s30 =	sld [smem:$0x0];
	_ =	sdelay $0x2  }
0xbe: {  	s31 =	sshll.u32 s1, $0xD;
	s1 =	sshrl.u32 s1, $0x2  }
0xbf: {  	s3 =	sand.u32 $0x4000, s31;
	s1 =	sadd.s32 s1, s30  }
0xc0: {  	s0 =	sor.u32 s3, s0;
	s1 =	sshll.u32 s1, $0x11  }
0xc1: {  	s0 =	sor.u32 s1, s0  }
0xc2: {  	s0 =	sadd.s32 $0x8F2B, s0  }
0xc3: {  	[sflag:s0] =	ssyncadd.remote.s32 $0x1  }
0xc4: {  	_ =	sfence.sel $0xFFFF  }
0xc5: {  	[dreg:$0x0] =	wrdreg $0xFFFFFFFF;
	(pc) =	sbr.abs _section_cstart, $3  }
0xc6: {  	[dreg:$0x1] =	wrdreg $0xFFFFFFFF  }
0xc7: {  	_ =	task.clear_ibuf [dreg:s7], $0x2FFFF;
	_ =	strace $0x9FFFFFFF  }
0xc8: {  	(tm) =	ssettm $0x7FFFFFFF  }
0xc9: {  	_ =	shalt  }
tec
execute0_lowered:
.L_overlay_start_1:
0x0: {  	(tag) =	ssettag $0x1  }
0x1: {  	s2 =	rddreg [dreg:$0x0]  }
0x2: {  	s5 =	rddreg [dreg:$0x1];
	s3 =	simm.s32 $0x0  }
0x3: {  	[smem:$0x7FF] =	sst s3;
	s6 =	sadd.s32 $0x4600, s5  }
0x4: {  	s13 =	sadd.s32 $0x4A00, s5;
	_ =	strace $0x80000047;
	[dreg:$0x3] =	wrdreg s6  }
0x5: {  	v6 =	vlaneseq.u32;
	v1 =	vimm.s32 $0x7;
	v3 =	vimm.s32 $0x3;
	s16 =	sadd.s32 $0x80, s2;
	[dreg:$0x4] =	wrdreg s13  }
0x6: {  	vm0 =	vmmov $0xff;
	v5 =	vimm.s32 $0x0;
	v7 =	vimm.s32 $0x2380;
	s17 =	sadd.s32 $0x100, s2;
	[dreg:$0x10] =	wrdreg s16  }
0x7: {  	vm1 =	vcmask $0x300;
	v8 =	vimm.s32 $0x6380;
	v9 =	vimm.s32 $0x1;
	s18 =	sadd.s32 $0x180, s2;
	[dreg:$0x11] =	wrdreg s17  }
0x8: {  	s0 =	srdreg.scid;
	v10 =	vimm.s32 $0x2;
	v11 =	vimm.s32 $0x4;
	v12 =	vimm.s32 $0x5;
	s19 =	sadd.s32 $0x200, s2;
	[dreg:$0x12] =	wrdreg s18  }
0x9: {  	s1 =	stileid.u32;
	v13 =	vimm.s32 $0x6;
	v14 =	vimm.s32 $0x8;
	v15 =	vimm.s32 $0x9;
	s20 =	sadd.s32 $0x280, s2;
	[dreg:$0x13] =	wrdreg s19  }
0xa: {  	s30 =	simm.s32 $0xF400;
	v16 =	vimm.s32 $0xA;
	v17 =	vimm.s32 $0xB;
	v18 =	vimm.s32 $0xC;
	s21 =	sadd.s32 $0x300, s2;
	[dreg:$0x14] =	wrdreg s20  }
0xb: {  	s29 =	simm.s32 $0xE000;
	v19 =	vimm.s32 $0xD;
	v20 =	vimm.s32 $0xE;
	v21 =	vimm.s32 $0xF;
	s22 =	sadd.s32 $0x4B00, s5;
	[dreg:$0x15] =	wrdreg s21  }
0xc: {  	s28 =	simm.s32 $0x2;
	v22 =	vimm.f32 $0.0e+00;
	s23 =	sadd.s32 $0x4B80, s5;
	v0 =	vand.u32 $0x7, v6;
	v2 =	vshrl.u32 v6, $0x3;
	[dreg:$0x9] =	wrdreg s22  }
0xd: {  	s0 =	sand.u32 $0x1, s0;
	s24 =	sadd.s32 $0x4C00, s5;
	v4 =	vor.u32 $0x8, v6;
	v7 =	vsel vm1, $0x0, v7;
	v8 =	vsel vm1, $0x4000, v8;
	[dreg:$0xa] =	wrdreg s23  }
0xe: {  	s1 =	sshll.u32 s1, $0x1;
	s25 =	sadd.s32 $0x4C80, s5;
	vm1 =	vcmask $0x704;
	v6 =	vmul.u32 $0x8, v6;
	[dreg:$0xc] =	wrdreg s24;
	v2 =	vmul.u32 $0x8, v2  }
0xf: {  	s26 =	sadd.s32 $0x4D00, s5;
	s31 =	sadd.s32 $0x4D80, s5;
	[dreg:$0xd] =	wrdreg s25;
	v7 =	vsel vm1, $0x80, v7;
	v8 =	vsel vm1, $0x4080, v8;
	vm1 =	vcmask $0xB08  }
0x10: {  	s1 =	sor.u32 s0, s1;
	s0 =	ssub.s32 $0x2, s0;
	[dreg:$0xe] =	wrdreg s26;
	v7 =	vsel vm1, $0x100, v7;
	v8 =	vsel vm1, $0x4100, v8;
	vm1 =	vcmask $0xF0C  }
0x11: {  	s6 =	sadd.s32 $0x4A80, s5;
	[dreg:$0xf] =	wrdreg s31;
	s23 =	simm.s32 $0xB400;
	v7 =	vsel vm1, $0x180, v7;
	v8 =	vsel vm1, $0x4180, v8;
	vm1 =	vcmask $0x1310  }
0x12: {  	s26 =	simm.s32 $0x9800;
	s17 =	simm.s32 $0xB800;
	s18 =	simm.s32 $0xD800;
	v7 =	vsel vm1, $0x200, v7;
	v8 =	vsel vm1, $0x4200, v8;
	vm1 =	vcmask $0x1714  }
0x13: {  	s16 =	simm.s32 $0xF800;
	s19 =	simm.s32 $0x9C00;
	s20 =	simm.s32 $0xBC00;
	v7 =	vsel vm1, $0x280, v7;
	v8 =	vsel vm1, $0x4280, v8;
	vm1 =	vcmask $0x1B18  }
0x14: {  	s21 =	simm.s32 $0xDC00;
	s22 =	simm.s32 $0xFC00;
	s24 =	simm.s32 $0xA800;
	v7 =	vsel vm1, $0x300, v7;
	v8 =	vsel vm1, $0x4300, v8;
	vm1 =	vcmask $0x1F1C  }
0x15: {  	s25 =	simm.s32 $0x1;
	s4 =	smul.u32 $0x640, s1;
	s1 =	sshll.u32 s1, $0x4;
	v7 =	vsel vm1, $0x380, v7;
	v8 =	vsel vm1, $0x4380, v8;
	vm1 =	vcmask $0x2320  }
0x16: {  	s8 =	sshrl.u32 s0, $0x1;
	[dreg:$0x18] =	wrdreg s6;
	s1 =	sadd.s32 s1, s5;
	v7 =	vsel vm1, $0x2000, v7;
	v8 =	vsel vm1, $0x6000, v8;
	vm1 =	vcmask $0x2724  }
0x17: {  	s0 =	ssub.s32 s0, s8;
	[dreg:$0xb] =	wrdreg s4;
	s1 =	sadd.s32 $0x4800, s1;
	v7 =	vsel vm1, $0x2080, v7;
	v8 =	vsel vm1, $0x6080, v8;
	vm1 =	vcmask $0x2B28  }
0x18: {  	s12 =	sshrl.u32 s4, $0x3;
	s0 =	smax.u32 s0, $0x1;
	[dreg:$0x7] =	wrdreg s1;
	v7 =	vsel vm1, $0x2100, v7;
	v8 =	vsel vm1, $0x6100, v8;
	vm1 =	vcmask $0x2F2C  }
0x19: {  	s4 =	simm.s32 $0x6;
	s7 =	sadd.s32 s12, s5;
	[dreg:$0x8] =	wrdreg s0;
	v7 =	vsel vm1, $0x2180, v7;
	v8 =	vsel vm1, $0x6180, v8;
	vm1 =	vcmask $0x3330  }
0x1a: {  	s12 =	simm.s32 $0xA400;
	s5 =	simm.s32 $0x3;
	s14 =	sadd.s32 $0x1200, s7;
	v7 =	vsel vm1, $0x2200, v7;
	v8 =	vsel vm1, $0x6200, v8;
	vm1 =	vcmask $0x3734  }
0x1b: {  	s1 =	simm.s32 $0x4;
	s15 =	sadd.s32 $0x2C00, s7;
	[dreg:$0x5] =	wrdreg s14;
	v7 =	vsel vm1, $0x2280, v7;
	v8 =	vsel vm1, $0x6280, v8;
	vm1 =	vcmask $0x3B38  }
0x1c: {  	[dreg:$0x6] =	wrdreg s15;
	s15 =	sadd.s32 $0x380, s2;
	s2 =	simm.s32 $0x0;
	v7 =	vsel vm1, $0x2300, v7;
	v8 =	vsel vm1, $0x6300, v8;
	vm1 =	vmmov $0x1  }
.LBB2_1:
0x1d: {  	[dreg:$0x16] =	wrdreg s2  }
0x1e: {  	s0 =	rddreg [dreg:$0x5]  }
0x1f: {  	[tilespmem:s3], [sflag:$0x6] =	stream.linear.gather [hbm4b:s0+s3], $0x640, $0x38;
	[tilespmem:$0x13400] =	vst v63  }
0x20: {  	_ =	swait.ge [sflag:s4], $0x640  }
0x21: {  	[sflag:s4] =	ssyncset.done $0x0  }
0x22: {  	s7 =	simm.s32 $0x680;
	s13 =	rddreg [dreg:$0x6];
	[sflag:s4] =	ssyncadd.s32 $0xFFFFF9C0  }
0x23: {  	[tilespmem:s7], [sflag:$0x6] =	stream.linear.gather [hbm4b:s13+s3], $0x640, $0x38;
	[tilespmem:$0x13400] =	vst v63  }
0x24: {  	_ =	swait.ge [sflag:s4], $0x640  }
0x25: {  	s14 =	simm.s32 $0xD00;
	[sflag:s4] =	ssyncset.done $0x0  }
0x26: {  	s0 =	rddreg [dreg:$0x3];
	[sflag:s4] =	ssyncadd.s32 $0xFFFFF9C0;
	s4 =	simm.s32 $0x50  }
0x27: {  	[tilespmem:s14], [sflag:$0x5] =	stream.indirect.gather [hbm4b:s0+s4], $0x1, s3, s4, $0xb8;
	[tilespmem:$0x13400] =	vst v63  }
0x28: {  	s31 =	simm.s32 $0xD50  }
0x29: {  	[tilespmem:s31], [sflag:$0x5] =	stream.indirect.gather [hbm4b:s0+s4], $0x1, s4, s4, $0xb8;
	[tilespmem:$0x13400] =	vst v63  }
0x2a: {  	s2 =	simm.s32 $0xA0;
	s8 =	simm.s32 $0xDA0  }
0x2b: {  	[tilespmem:s8], [sflag:$0x5] =	stream.indirect.gather [hbm4b:s0+s4], $0x1, s2, s4, $0xb8;
	[tilespmem:$0x13400] =	vst v63  }
0x2c: {  	s9 =	simm.s32 $0xDF0;
	s8 =	simm.s32 $0xF0  }
0x2d: {  	[tilespmem:s9], [sflag:$0x5] =	stream.indirect.gather [hbm4b:s0+s4], $0x1, s8, s4, $0xb8;
	[tilespmem:$0x13400] =	vst v63  }
0x2e: {  	s10 =	simm.s32 $0x140;
	s11 =	simm.s32 $0xE40  }
0x2f: {  	[tilespmem:s11], [sflag:$0x5] =	stream.indirect.gather [hbm4b:s0+s4], $0x1, s10, s4, $0xb8;
	[tilespmem:$0x13400] =	vst v63  }
0x30: {  	s13 =	simm.s32 $0x190;
	s14 =	simm.s32 $0xE90  }
0x31: {  	[tilespmem:s14], [sflag:$0x5] =	stream.indirect.gather [hbm4b:s0+s4], $0x1, s13, s4, $0xb8;
	[tilespmem:$0x13400] =	vst v63  }
0x32: {  	s31 =	simm.s32 $0x1E0;
	s2 =	simm.s32 $0xEE0  }
0x33: {  	[tilespmem:s2], [sflag:$0x5] =	stream.indirect.gather [hbm4b:s0+s4], $0x1, s31, s4, $0xb8;
	[tilespmem:$0x13400] =	vst v63  }
0x34: {  	s8 =	simm.s32 $0x230;
	s9 =	simm.s32 $0xF30  }
0x35: {  	[tilespmem:s9], [sflag:$0x5] =	stream.indirect.gather [hbm4b:s0+s4], $0x1, s8, s4, $0xb8;
	[tilespmem:$0x13400] =	vst v63  }
0x36: {  	s10 =	simm.s32 $0x280;
	s11 =	simm.s32 $0xF80  }
0x37: {  	[tilespmem:s11], [sflag:$0x5] =	stream.indirect.gather [hbm4b:s0+s4], $0x1, s10, s4, $0xb8;
	[tilespmem:$0x13400] =	vst v63  }
0x38: {  	s13 =	simm.s32 $0x2D0;
	s14 =	simm.s32 $0xFD0  }
0x39: {  	[tilespmem:s14], [sflag:$0x5] =	stream.indirect.gather [hbm4b:s0+s4], $0x1, s13, s4, $0xb8;
	[tilespmem:$0x13400] =	vst v63  }
0x3a: {  	s31 =	simm.s32 $0x320;
	s2 =	simm.s32 $0x1020  }
0x3b: {  	[tilespmem:s2], [sflag:$0x5] =	stream.indirect.gather [hbm4b:s0+s4], $0x1, s31, s4, $0xb8;
	[tilespmem:$0x13400] =	vst v63  }
0x3c: {  	s8 =	simm.s32 $0x370;
	s9 =	simm.s32 $0x1070  }
0x3d: {  	[tilespmem:s9], [sflag:$0x5] =	stream.indirect.gather [hbm4b:s0+s4], $0x1, s8, s4, $0xb8;
	[tilespmem:$0x13400] =	vst v63  }
0x3e: {  	s10 =	simm.s32 $0x3C0;
	s11 =	simm.s32 $0x10C0  }
0x3f: {  	[tilespmem:s11], [sflag:$0x5] =	stream.indirect.gather [hbm4b:s0+s4], $0x1, s10, s4, $0xb8;
	[tilespmem:$0x13400] =	vst v63  }
0x40: {  	s13 =	simm.s32 $0x410;
	s14 =	simm.s32 $0x1110  }
0x41: {  	[tilespmem:s14], [sflag:$0x5] =	stream.indirect.gather [hbm4b:s0+s4], $0x1, s13, s4, $0xb8;
	[tilespmem:$0x13400] =	vst v63  }
0x42: {  	s31 =	simm.s32 $0x460;
	s2 =	simm.s32 $0x1160  }
0x43: {  	[tilespmem:s2], [sflag:$0x5] =	stream.indirect.gather [hbm4b:s0+s4], $0x1, s31, s4, $0xb8;
	[tilespmem:$0x13400] =	vst v63  }
0x44: {  	s8 =	simm.s32 $0x4B0;
	s9 =	simm.s32 $0x11B0  }
0x45: {  	[tilespmem:s9], [sflag:$0x5] =	stream.indirect.gather [hbm4b:s0+s4], $0x1, s8, s4, $0xb8;
	[tilespmem:$0x13400] =	vst v63  }
0x46: {  	s10 =	simm.s32 $0x500;
	s11 =	simm.s32 $0x1200  }
0x47: {  	[tilespmem:s11], [sflag:$0x5] =	stream.indirect.gather [hbm4b:s0+s4], $0x1, s10, s4, $0xb8;
	[tilespmem:$0x13400] =	vst v63  }
0x48: {  	s13 =	simm.s32 $0x550;
	s14 =	simm.s32 $0x1250  }
0x49: {  	[tilespmem:s14], [sflag:$0x5] =	stream.indirect.gather [hbm4b:s0+s4], $0x1, s13, s4, $0xb8;
	[tilespmem:$0x13400] =	vst v63  }
0x4a: {  	s31 =	simm.s32 $0x5A0;
	s2 =	simm.s32 $0x12A0  }
0x4b: {  	[tilespmem:s2], [sflag:$0x5] =	stream.indirect.gather [hbm4b:s0+s4], $0x1, s31, s4, $0xb8;
	[tilespmem:$0x13400] =	vst v63  }
0x4c: {  	s8 =	simm.s32 $0x5F0;
	s9 =	simm.s32 $0x12F0  }
0x4d: {  	[tilespmem:s9], [sflag:$0x5] =	stream.indirect.gather [hbm4b:s0+s4], $0x1, s8, s4, $0xb8;
	[tilespmem:$0x13400] =	vst v63  }
0x4e: {  	v23 =	vld [tilespmem:$0x0];
	_ =	sdelay $0x4  }
0x4f: {  	v24 =	vshll.u32 v23, $0x3  }
0x50: {  	v23 =	vand.u32 $0x7, v23;
	v24 =	vand.u32 $0xFFFFFFC0, v24  }
0x51: {  	v23 =	vor.u32 v23, v24  }
0x52: {  	v24 =	vperm.xlane v23, v0;
	_ =	sdelay $0x1  }
0x53: {  	v23 =	vperm.xlane v23, v4;
	v24 =	vadd.s32 v2, v24;
	_ =	sdelay $0x1  }
0x54: {  	v23 =	vadd.s32 v2, v23;
	_ =	sdelay $0x1  }
0x55: {  	s10 =	simm.s32 $0x1400;
	s2 =	rddreg [dreg:$0x0]  }
0x56: {  	[tilespmem:s10], [sflag:$0x1] =	stream.indirect_vreg.gather [hbm4b:s2+s3], $0x80, v24, vm0, $0xb8;
	[tilespmem:$0x13400] =	vst v63  }
0x57: {  	s11 =	simm.s32 $0x3400  }
0x58: {  	[tilespmem:s11], [sflag:$0x1] =	stream.indirect_vreg.gather [hbm4b:s2+s3], $0x80, v23, vm0, $0xb8;
	[tilespmem:$0x13400] =	vst v63  }
0x59: {  	v23 =	vld [tilespmem:$0x10];
	_ =	sdelay $0x4  }
0x5a: {  	v35 =	vshll.u32 v23, $0x3  }
0x5b: {  	v23 =	vand.u32 $0x7, v23;
	v24 =	vand.u32 $0xFFFFFFC0, v35  }
0x5c: {  	v23 =	vor.u32 v23, v24  }
0x5d: {  	v24 =	vperm.xlane v23, v0;
	_ =	sdelay $0x1  }
0x5e: {  	v23 =	vperm.xlane v23, v4;
	v24 =	vadd.s32 v2, v24;
	_ =	sdelay $0x1  }
0x5f: {  	v23 =	vadd.s32 v2, v23;
	_ =	sdelay $0x1  }
0x60: {  	s13 =	simm.s32 $0x5400  }
0x61: {  	[tilespmem:s13], [sflag:$0x1] =	stream.indirect_vreg.gather [hbm4b:s2+s3], $0x80, v24, vm0, $0xb8;
	[tilespmem:$0x13400] =	vst v63  }
0x62: {  	s14 =	simm.s32 $0x7400  }
0x63: {  	[tilespmem:s14], [sflag:$0x1] =	stream.indirect_vreg.gather [hbm4b:s2+s3], $0x80, v23, vm0, $0xb8;
	[tilespmem:$0x13400] =	vst v63  }
0x64: {  	v23 =	vld [tilespmem:$0x0];
	_ =	sdelay $0x4  }
0x65: {  	v36 =	vshll.u32 v23, $0x3  }
0x66: {  	v23 =	vand.u32 $0x7, v23;
	v24 =	vand.u32 $0xFFFFFFC0, v36  }
0x67: {  	v23 =	vor.u32 v23, v24  }
0x68: {  	v24 =	vperm.xlane v23, v0;
	_ =	sdelay $0x1  }
0x69: {  	v23 =	vperm.xlane v23, v4;
	v24 =	vadd.s32 v2, v24;
	_ =	sdelay $0x1  }
0x6a: {  	v23 =	vadd.s32 v2, v23;
	_ =	sdelay $0x1  }
0x6b: {  	s31 =	simm.s32 $0x1800;
	s4 =	rddreg [dreg:$0x10]  }
0x6c: {  	[tilespmem:s31], [sflag:$0x1] =	stream.indirect_vreg.gather [hbm4b:s4+s3], $0x80, v24, vm0, $0xb8;
	[tilespmem:$0x13400] =	vst v63  }
0x6d: {  	s7 =	simm.s32 $0x3800  }
0x6e: {  	[tilespmem:s7], [sflag:$0x1] =	stream.indirect_vreg.gather [hbm4b:s4+s3], $0x80, v23, vm0, $0xb8;
	[tilespmem:$0x13400] =	vst v63  }
0x6f: {  	v23 =	vld [tilespmem:$0x10];
	_ =	sdelay $0x4  }
0x70: {  	v37 =	vshll.u32 v23, $0x3  }
0x71: {  	v23 =	vand.u32 $0x7, v23;
	v24 =	vand.u32 $0xFFFFFFC0, v37  }
0x72: {  	v23 =	vor.u32 v23, v24  }
0x73: {  	v24 =	vperm.xlane v23, v0;
	_ =	sdelay $0x1  }
0x74: {  	v23 =	vperm.xlane v23, v4;
	v24 =	vadd.s32 v2, v24;
	_ =	sdelay $0x1  }
0x75: {  	v23 =	vadd.s32 v2, v23;
	_ =	sdelay $0x1  }
0x76: {  	s8 =	simm.s32 $0x5800  }
0x77: {  	[tilespmem:s8], [sflag:$0x1] =	stream.indirect_vreg.gather [hbm4b:s4+s3], $0x80, v24, vm0, $0xb8;
	[tilespmem:$0x13400] =	vst v63  }
0x78: {  	s9 =	simm.s32 $0x7800  }
0x79: {  	[tilespmem:s9], [sflag:$0x1] =	stream.indirect_vreg.gather [hbm4b:s4+s3], $0x80, v23, vm0, $0xb8;
	[tilespmem:$0x13400] =	vst v63  }
0x7a: {  	v23 =	vld [tilespmem:$0x0];
	_ =	sdelay $0x4  }
0x7b: {  	v38 =	vshll.u32 v23, $0x3  }
0x7c: {  	v23 =	vand.u32 $0x7, v23;
	v24 =	vand.u32 $0xFFFFFFC0, v38  }
0x7d: {  	v23 =	vor.u32 v23, v24  }
0x7e: {  	v24 =	vperm.xlane v23, v0;
	_ =	sdelay $0x1  }
0x7f: {  	v23 =	vperm.xlane v23, v4;
	v24 =	vadd.s32 v2, v24;
	_ =	sdelay $0x1  }
0x80: {  	v23 =	vadd.s32 v2, v23;
	_ =	sdelay $0x1  }
0x81: {  	s10 =	simm.s32 $0x1C00;
	s7 =	rddreg [dreg:$0x11]  }
0x82: {  	[tilespmem:s10], [sflag:$0x1] =	stream.indirect_vreg.gather [hbm4b:s7+s3], $0x80, v24, vm0, $0xb8;
	[tilespmem:$0x13400] =	vst v63  }
0x83: {  	s11 =	simm.s32 $0x3C00  }
0x84: {  	[tilespmem:s11], [sflag:$0x1] =	stream.indirect_vreg.gather [hbm4b:s7+s3], $0x80, v23, vm0, $0xb8;
	[tilespmem:$0x13400] =	vst v63  }
0x85: {  	v23 =	vld [tilespmem:$0x10];
	_ =	sdelay $0x4  }
0x86: {  	v39 =	vshll.u32 v23, $0x3  }
0x87: {  	v23 =	vand.u32 $0x7, v23;
	v24 =	vand.u32 $0xFFFFFFC0, v39  }
0x88: {  	v23 =	vor.u32 v23, v24  }
0x89: {  	v24 =	vperm.xlane v23, v0;
	_ =	sdelay $0x1  }
0x8a: {  	v23 =	vperm.xlane v23, v4;
	v24 =	vadd.s32 v2, v24;
	_ =	sdelay $0x1  }
0x8b: {  	v23 =	vadd.s32 v2, v23;
	_ =	sdelay $0x1  }
0x8c: {  	s13 =	simm.s32 $0x5C00  }
0x8d: {  	[tilespmem:s13], [sflag:$0x1] =	stream.indirect_vreg.gather [hbm4b:s7+s3], $0x80, v24, vm0, $0xb8;
	[tilespmem:$0x13400] =	vst v63  }
0x8e: {  	s14 =	simm.s32 $0x7C00  }
0x8f: {  	[tilespmem:s14], [sflag:$0x1] =	stream.indirect_vreg.gather [hbm4b:s7+s3], $0x80, v23, vm0, $0xb8;
	[tilespmem:$0x13400] =	vst v63  }
0x90: {  	v23 =	vld [tilespmem:$0x0];
	_ =	sdelay $0x4  }
0x91: {  	v40 =	vshll.u32 v23, $0x3  }
0x92: {  	v23 =	vand.u32 $0x7, v23;
	v24 =	vand.u32 $0xFFFFFFC0, v40  }
0x93: {  	v23 =	vor.u32 v23, v24  }
0x94: {  	v24 =	vperm.xlane v23, v0;
	_ =	sdelay $0x1  }
0x95: {  	v23 =	vperm.xlane v23, v4;
	v24 =	vadd.s32 v2, v24;
	_ =	sdelay $0x1  }
0x96: {  	v23 =	vadd.s32 v2, v23;
	_ =	sdelay $0x1  }
0x97: {  	s31 =	simm.s32 $0x2000;
	s8 =	rddreg [dreg:$0x12]  }
0x98: {  	[tilespmem:s31], [sflag:$0x1] =	stream.indirect_vreg.gather [hbm4b:s8+s3], $0x80, v24, vm0, $0xb8;
	[tilespmem:$0x13400] =	vst v63  }
0x99: {  	s9 =	simm.s32 $0x4000  }
0x9a: {  	[tilespmem:s9], [sflag:$0x1] =	stream.indirect_vreg.gather [hbm4b:s8+s3], $0x80, v23, vm0, $0xb8;
	[tilespmem:$0x13400] =	vst v63  }
0x9b: {  	v23 =	vld [tilespmem:$0x10];
	_ =	sdelay $0x4  }
0x9c: {  	v41 =	vshll.u32 v23, $0x3  }
0x9d: {  	v23 =	vand.u32 $0x7, v23;
	v24 =	vand.u32 $0xFFFFFFC0, v41  }
0x9e: {  	v23 =	vor.u32 v23, v24  }
0x9f: {  	v24 =	vperm.xlane v23, v0;
	_ =	sdelay $0x1  }
0xa0: {  	v23 =	vperm.xlane v23, v4;
	v24 =	vadd.s32 v2, v24;
	_ =	sdelay $0x1  }
0xa1: {  	v23 =	vadd.s32 v2, v23;
	_ =	sdelay $0x1  }
0xa2: {  	s10 =	simm.s32 $0x6000  }
0xa3: {  	[tilespmem:s10], [sflag:$0x1] =	stream.indirect_vreg.gather [hbm4b:s8+s3], $0x80, v24, vm0, $0xb8;
	[tilespmem:$0x13400] =	vst v63  }
0xa4: {  	s11 =	simm.s32 $0x8000  }
0xa5: {  	[tilespmem:s11], [sflag:$0x1] =	stream.indirect_vreg.gather [hbm4b:s8+s3], $0x80, v23, vm0, $0xb8;
	[tilespmem:$0x13400] =	vst v63  }
0xa6: {  	v23 =	vld [tilespmem:$0x0];
	_ =	sdelay $0x4  }
0xa7: {  	v42 =	vshll.u32 v23, $0x3  }
0xa8: {  	v23 =	vand.u32 $0x7, v23;
	v24 =	vand.u32 $0xFFFFFFC0, v42  }
0xa9: {  	v23 =	vor.u32 v23, v24  }
0xaa: {  	v24 =	vperm.xlane v23, v0;
	_ =	sdelay $0x1  }
0xab: {  	v23 =	vperm.xlane v23, v4;
	v24 =	vadd.s32 v2, v24;
	_ =	sdelay $0x1  }
0xac: {  	v23 =	vadd.s32 v2, v23;
	_ =	sdelay $0x1  }
0xad: {  	s13 =	simm.s32 $0x2400;
	s9 =	rddreg [dreg:$0x13]  }
0xae: {  	[tilespmem:s13], [sflag:$0x1] =	stream.indirect_vreg.gather [hbm4b:s9+s3], $0x80, v24, vm0, $0xb8;
	[tilespmem:$0x13400] =	vst v63  }
0xaf: {  	s14 =	simm.s32 $0x4400  }
0xb0: {  	[tilespmem:s14], [sflag:$0x1] =	stream.indirect_vreg.gather [hbm4b:s9+s3], $0x80, v23, vm0, $0xb8;
	[tilespmem:$0x13400] =	vst v63  }
0xb1: {  	v23 =	vld [tilespmem:$0x10];
	_ =	sdelay $0x4  }
0xb2: {  	v43 =	vshll.u32 v23, $0x3  }
0xb3: {  	v23 =	vand.u32 $0x7, v23;
	v24 =	vand.u32 $0xFFFFFFC0, v43  }
0xb4: {  	v23 =	vor.u32 v23, v24  }
0xb5: {  	v24 =	vperm.xlane v23, v0;
	_ =	sdelay $0x1  }
0xb6: {  	v23 =	vperm.xlane v23, v4;
	v24 =	vadd.s32 v2, v24;
	_ =	sdelay $0x1  }
0xb7: {  	v23 =	vadd.s32 v2, v23;
	_ =	sdelay $0x1  }
0xb8: {  	s31 =	simm.s32 $0x6400  }
0xb9: {  	[tilespmem:s31], [sflag:$0x1] =	stream.indirect_vreg.gather [hbm4b:s9+s3], $0x80, v24, vm0, $0xb8;
	[tilespmem:$0x13400] =	vst v63  }
0xba: {  	s10 =	simm.s32 $0x8400  }
0xbb: {  	[tilespmem:s10], [sflag:$0x1] =	stream.indirect_vreg.gather [hbm4b:s9+s3], $0x80, v23, vm0, $0xb8;
	[tilespmem:$0x13400] =	vst v63  }
0xbc: {  	v23 =	vld [tilespmem:$0x0];
	_ =	sdelay $0x4  }
0xbd: {  	v44 =	vshll.u32 v23, $0x3  }
0xbe: {  	v23 =	vand.u32 $0x7, v23;
	v24 =	vand.u32 $0xFFFFFFC0, v44  }
0xbf: {  	v23 =	vor.u32 v23, v24  }
0xc0: {  	v24 =	vperm.xlane v23, v0;
	_ =	sdelay $0x1  }
0xc1: {  	v23 =	vperm.xlane v23, v4;
	v24 =	vadd.s32 v2, v24;
	_ =	sdelay $0x1  }
0xc2: {  	v23 =	vadd.s32 v2, v23;
	_ =	sdelay $0x1  }
0xc3: {  	s11 =	simm.s32 $0x2800;
	s10 =	rddreg [dreg:$0x14]  }
0xc4: {  	[tilespmem:s11], [sflag:$0x1] =	stream.indirect_vreg.gather [hbm4b:s10+s3], $0x80, v24, vm0, $0xb8;
	[tilespmem:$0x13400] =	vst v63  }
0xc5: {  	s14 =	simm.s32 $0x4800  }
0xc6: {  	[tilespmem:s14], [sflag:$0x1] =	stream.indirect_vreg.gather [hbm4b:s10+s3], $0x80, v23, vm0, $0xb8;
	[tilespmem:$0x13400] =	vst v63  }
0xc7: {  	v23 =	vld [tilespmem:$0x10];
	_ =	sdelay $0x4  }
0xc8: {  	v45 =	vshll.u32 v23, $0x3  }
0xc9: {  	v23 =	vand.u32 $0x7, v23;
	v24 =	vand.u32 $0xFFFFFFC0, v45  }
0xca: {  	v23 =	vor.u32 v23, v24  }
0xcb: {  	v24 =	vperm.xlane v23, v0;
	_ =	sdelay $0x1  }
0xcc: {  	v23 =	vperm.xlane v23, v4;
	v24 =	vadd.s32 v2, v24;
	_ =	sdelay $0x1  }
0xcd: {  	v23 =	vadd.s32 v2, v23;
	_ =	sdelay $0x1  }
0xce: {  	s11 =	simm.s32 $0x6800  }
0xcf: {  	[tilespmem:s11], [sflag:$0x1] =	stream.indirect_vreg.gather [hbm4b:s10+s3], $0x80, v24, vm0, $0xb8;
	[tilespmem:$0x13400] =	vst v63  }
0xd0: {  	s14 =	simm.s32 $0x8800  }
0xd1: {  	[tilespmem:s14], [sflag:$0x1] =	stream.indirect_vreg.gather [hbm4b:s10+s3], $0x80, v23, vm0, $0xb8;
	[tilespmem:$0x13400] =	vst v63  }
0xd2: {  	v23 =	vld [tilespmem:$0x0];
	_ =	sdelay $0x4  }
0xd3: {  	v46 =	vshll.u32 v23, $0x3  }
0xd4: {  	v23 =	vand.u32 $0x7, v23;
	v24 =	vand.u32 $0xFFFFFFC0, v46  }
0xd5: {  	v23 =	vor.u32 v23, v24  }
0xd6: {  	v24 =	vperm.xlane v23, v0;
	_ =	sdelay $0x1  }
0xd7: {  	v23 =	vperm.xlane v23, v4;
	v24 =	vadd.s32 v2, v24;
	_ =	sdelay $0x1  }
0xd8: {  	v23 =	vadd.s32 v2, v23;
	_ =	sdelay $0x1  }
0xd9: {  	s0 =	simm.s32 $0x2C00;
	s11 =	rddreg [dreg:$0x15]  }
0xda: {  	[tilespmem:s0], [sflag:$0x1] =	stream.indirect_vreg.gather [hbm4b:s11+s3], $0x80, v24, vm0, $0xb8;
	[tilespmem:$0x13400] =	vst v63  }
0xdb: {  	s0 =	simm.s32 $0x4C00  }
0xdc: {  	[tilespmem:s0], [sflag:$0x1] =	stream.indirect_vreg.gather [hbm4b:s11+s3], $0x80, v23, vm0, $0xb8;
	[tilespmem:$0x13400] =	vst v63  }
0xdd: {  	v23 =	vld [tilespmem:$0x10];
	_ =	sdelay $0x4  }
0xde: {  	v47 =	vshll.u32 v23, $0x3  }
0xdf: {  	v23 =	vand.u32 $0x7, v23;
	v24 =	vand.u32 $0xFFFFFFC0, v47  }
0xe0: {  	v23 =	vor.u32 v23, v24  }
0xe1: {  	v24 =	vperm.xlane v23, v0;
	_ =	sdelay $0x1  }
0xe2: {  	v23 =	vperm.xlane v23, v4;
	v24 =	vadd.s32 v2, v24;
	_ =	sdelay $0x1  }
0xe3: {  	v23 =	vadd.s32 v2, v23;
	_ =	sdelay $0x1  }
0xe4: {  	s0 =	simm.s32 $0x6C00  }
0xe5: {  	[tilespmem:s0], [sflag:$0x1] =	stream.indirect_vreg.gather [hbm4b:s11+s3], $0x80, v24, vm0, $0xb8;
	[tilespmem:$0x13400] =	vst v63  }
0xe6: {  	s0 =	simm.s32 $0x8C00  }
0xe7: {  	[tilespmem:s0], [sflag:$0x1] =	stream.indirect_vreg.gather [hbm4b:s11+s3], $0x80, v23, vm0, $0xb8;
	[tilespmem:$0x13400] =	vst v63  }
0xe8: {  	v23 =	vld [tilespmem:$0x0];
	_ =	sdelay $0x4  }
0xe9: {  	v48 =	vshll.u32 v23, $0x3  }
0xea: {  	v23 =	vand.u32 $0x7, v23;
	v24 =	vand.u32 $0xFFFFFFC0, v48  }
0xeb: {  	v23 =	vor.u32 v23, v24  }
0xec: {  	v24 =	vperm.xlane v23, v5;
	_ =	sdelay $0x1  }
0xed: {  	v25 =	vperm.xlane v23, v9;
	v24 =	vadd.s32 v6, v24;
	_ =	sdelay $0x1  }
0xee: {  	v26 =	vperm.xlane v23, v10;
	v25 =	vadd.s32 v6, v25;
	_ =	sdelay $0x1  }
0xef: {  	s0 =	simm.s32 $0x11400;
	v27 =	vperm.xlane v23, v3;
	v26 =	vadd.s32 v6, v26  }
0xf0: {  	[tilespmem:s0], [sflag:$0x1] =	stream.indirect_vreg.gather [hbm4b:s15+s3], $0x80, v24, vm1, $0xb8;
	[tilespmem:$0x13400] =	vst v63  }
0xf1: {  	v50 =	vperm.xlane v23, v11;
	v49 =	vadd.s32 v6, v27;
	s0 =	simm.s32 $0x11480  }
0xf2: {  	[tilespmem:s0], [sflag:$0x1] =	stream.indirect_vreg.gather [hbm4b:s15+s3], $0x80, v25, vm1, $0xb8;
	[tilespmem:$0x13400] =	vst v63  }
0xf3: {  	v52 =	vperm.xlane v23, v12;
	v51 =	vadd.s32 v6, v50;
	s0 =	simm.s32 $0x11500  }
0xf4: {  	[tilespmem:s0], [sflag:$0x1] =	stream.indirect_vreg.gather [hbm4b:s15+s3], $0x80, v26, vm1, $0xb8;
	[tilespmem:$0x13400] =	vst v63  }
0xf5: {  	v54 =	vperm.xlane v23, v13;
	v53 =	vadd.s32 v6, v52;
	s0 =	simm.s32 $0x11580  }
0xf6: {  	[tilespmem:s0], [sflag:$0x1] =	stream.indirect_vreg.gather [hbm4b:s15+s3], $0x80, v49, vm1, $0xb8;
	[tilespmem:$0x13400] =	vst v63  }
0xf7: {  	v56 =	vperm.xlane v23, v1;
	v55 =	vadd.s32 v6, v54;
	s0 =	simm.s32 $0x11600  }
0xf8: {  	[tilespmem:s0], [sflag:$0x1] =	stream.indirect_vreg.gather [hbm4b:s15+s3], $0x80, v51, vm1, $0xb8;
	[tilespmem:$0x13400] =	vst v63  }
0xf9: {  	v58 =	vperm.xlane v23, v14;
	v57 =	vadd.s32 v6, v56;
	s0 =	simm.s32 $0x11680  }
0xfa: {  	[tilespmem:s0], [sflag:$0x1] =	stream.indirect_vreg.gather [hbm4b:s15+s3], $0x80, v53, vm1, $0xb8;
	[tilespmem:$0x13400] =	vst v63  }
0xfb: {  	v60 =	vperm.xlane v23, v15;
	v59 =	vadd.s32 v6, v58;
	s0 =	simm.s32 $0x11700  }
0xfc: {  	[tilespmem:s0], [sflag:$0x1] =	stream.indirect_vreg.gather [hbm4b:s15+s3], $0x80, v55, vm1, $0xb8;
	[tilespmem:$0x13400] =	vst v63  }
0xfd: {  	v62 =	vperm.xlane v23, v16;
	v61 =	vadd.s32 v6, v60;
	s0 =	simm.s32 $0x11780  }
0xfe: {  	[tilespmem:s0], [sflag:$0x1] =	stream.indirect_vreg.gather [hbm4b:s15+s3], $0x80, v57, vm1, $0xb8;
	[tilespmem:$0x13400] =	vst v63  }
0xff: {  	v30 =	vperm.xlane v23, v17;
	v63 =	vadd.s32 v6, v62;
	s0 =	simm.s32 $0x11800  }
0x100: {  	[tilespmem:s0], [sflag:$0x1] =	stream.indirect_vreg.gather [hbm4b:s15+s3], $0x80, v59, vm1, $0xb8;
	[tilespmem:$0x13400] =	vst v63  }
0x101: {  	v32 =	vperm.xlane v23, v18;
	v31 =	vadd.s32 v6, v30;
	s0 =	simm.s32 $0x11880  }
0x102: {  	[tilespmem:s0], [sflag:$0x1] =	stream.indirect_vreg.gather [hbm4b:s15+s3], $0x80, v61, vm1, $0xb8;
	[tilespmem:$0x13400] =	vst v63  }
0x103: {  	v34 =	vperm.xlane v23, v19;
	v33 =	vadd.s32 v6, v32;
	s0 =	simm.s32 $0x11900  }
0x104: {  	[tilespmem:s0], [sflag:$0x1] =	stream.indirect_vreg.gather [hbm4b:s15+s3], $0x80, v63, vm1, $0xb8;
	[tilespmem:$0x13400] =	vst v63  }
0x105: {  	v36 =	vperm.xlane v23, v20;
	v35 =	vadd.s32 v6, v34;
	s0 =	simm.s32 $0x11980  }
0x106: {  	[tilespmem:s0], [sflag:$0x1] =	stream.indirect_vreg.gather [hbm4b:s15+s3], $0x80, v31, vm1, $0xb8;
	[tilespmem:$0x13400] =	vst v63  }
0x107: {  	v23 =	vperm.xlane v23, v21;
	v37 =	vadd.s32 v6, v36;
	s0 =	simm.s32 $0x11A00  }
0x108: {  	[tilespmem:s0], [sflag:$0x1] =	stream.indirect_vreg.gather [hbm4b:s15+s3], $0x80, v33, vm1, $0xb8;
	[tilespmem:$0x13400] =	vst v63  }
0x109: {  	v23 =	vadd.s32 v6, v23;
	s0 =	simm.s32 $0x11A80  }
0x10a: {  	[tilespmem:s0], [sflag:$0x1] =	stream.indirect_vreg.gather [hbm4b:s15+s3], $0x80, v35, vm1, $0xb8;
	[tilespmem:$0x13400] =	vst v63  }
0x10b: {  	s0 =	simm.s32 $0x11B00  }
0x10c: {  	[tilespmem:s0], [sflag:$0x1] =	stream.indirect_vreg.gather [hbm4b:s15+s3], $0x80, v37, vm1, $0xb8;
	[tilespmem:$0x13400] =	vst v63  }
0x10d: {  	s0 =	simm.s32 $0x11B80  }
0x10e: {  	[tilespmem:s0], [sflag:$0x1] =	stream.indirect_vreg.gather [hbm4b:s15+s3], $0x80, v23, vm1, $0xb8;
	[tilespmem:$0x13400] =	vst v63  }
0x10f: {  	v23 =	vld [tilespmem:$0x10];
	_ =	sdelay $0x4  }
0x110: {  	v38 =	vshll.u32 v23, $0x3  }
0x111: {  	v23 =	vand.u32 $0x7, v23;
	v24 =	vand.u32 $0xFFFFFFC0, v38  }
0x112: {  	v23 =	vor.u32 v23, v24  }
0x113: {  	v24 =	vperm.xlane v23, v5;
	_ =	sdelay $0x1  }
0x114: {  	v39 =	vperm.xlane v23, v9;
	v24 =	vadd.s32 v6, v24;
	_ =	sdelay $0x1  }
0x115: {  	v40 =	vperm.xlane v23, v10;
	v25 =	vadd.s32 v6, v39;
	_ =	sdelay $0x1  }
0x116: {  	s0 =	simm.s32 $0x11C00;
	v41 =	vperm.xlane v23, v3;
	v26 =	vadd.s32 v6, v40  }
0x117: {  	[tilespmem:s0], [sflag:$0x1] =	stream.indirect_vreg.gather [hbm4b:s15+s3], $0x80, v24, vm1, $0xb8;
	[tilespmem:$0x13400] =	vst v63  }
0x118: {  	v43 =	vperm.xlane v23, v11;
	v42 =	vadd.s32 v6, v41;
	s0 =	simm.s32 $0x11C80  }
0x119: {  	[tilespmem:s0], [sflag:$0x1] =	stream.indirect_vreg.gather [hbm4b:s15+s3], $0x80, v25, vm1, $0xb8;
	[tilespmem:$0x13400] =	vst v63  }
0x11a: {  	v45 =	vperm.xlane v23, v12;
	v44 =	vadd.s32 v6, v43;
	s0 =	simm.s32 $0x11D00  }
0x11b: {  	[tilespmem:s0], [sflag:$0x1] =	stream.indirect_vreg.gather [hbm4b:s15+s3], $0x80, v26, vm1, $0xb8;
	[tilespmem:$0x13400] =	vst v63  }
0x11c: {  	v47 =	vperm.xlane v23, v13;
	v46 =	vadd.s32 v6, v45;
	s0 =	simm.s32 $0x11D80  }
0x11d: {  	[tilespmem:s0], [sflag:$0x1] =	stream.indirect_vreg.gather [hbm4b:s15+s3], $0x80, v42, vm1, $0xb8;
	[tilespmem:$0x13400] =	vst v63  }
0x11e: {  	v49 =	vperm.xlane v23, v1;
	v48 =	vadd.s32 v6, v47;
	s0 =	simm.s32 $0x11E00  }
0x11f: {  	[tilespmem:s0], [sflag:$0x1] =	stream.indirect_vreg.gather [hbm4b:s15+s3], $0x80, v44, vm1, $0xb8;
	[tilespmem:$0x13400] =	vst v63  }
0x120: {  	v51 =	vperm.xlane v23, v14;
	v50 =	vadd.s32 v6, v49;
	s0 =	simm.s32 $0x11E80  }
0x121: {  	[tilespmem:s0], [sflag:$0x1] =	stream.indirect_vreg.gather [hbm4b:s15+s3], $0x80, v46, vm1, $0xb8;
	[tilespmem:$0x13400] =	vst v63  }
0x122: {  	v53 =	vperm.xlane v23, v15;
	v52 =	vadd.s32 v6, v51;
	s0 =	simm.s32 $0x11F00  }
0x123: {  	[tilespmem:s0], [sflag:$0x1] =	stream.indirect_vreg.gather [hbm4b:s15+s3], $0x80, v48, vm1, $0xb8;
	[tilespmem:$0x13400] =	vst v63  }
0x124: {  	v55 =	vperm.xlane v23, v16;
	v54 =	vadd.s32 v6, v53;
	s0 =	simm.s32 $0x11F80  }
0x125: {  	[tilespmem:s0], [sflag:$0x1] =	stream.indirect_vreg.gather [hbm4b:s15+s3], $0x80, v50, vm1, $0xb8;
	[tilespmem:$0x13400] =	vst v63  }
0x126: {  	v57 =	vperm.xlane v23, v17;
	v56 =	vadd.s32 v6, v55;
	s0 =	simm.s32 $0x12000  }
0x127: {  	[tilespmem:s0], [sflag:$0x1] =	stream.indirect_vreg.gather [hbm4b:s15+s3], $0x80, v52, vm1, $0xb8;
	[tilespmem:$0x13400] =	vst v63  }
0x128: {  	v59 =	vperm.xlane v23, v18;
	v58 =	vadd.s32 v6, v57;
	s0 =	simm.s32 $0x12080  }
0x129: {  	[tilespmem:s0], [sflag:$0x1] =	stream.indirect_vreg.gather [hbm4b:s15+s3], $0x80, v54, vm1, $0xb8;
	[tilespmem:$0x13400] =	vst v63  }
0x12a: {  	v61 =	vperm.xlane v23, v19;
	v60 =	vadd.s32 v6, v59;
	s0 =	simm.s32 $0x12100  }
0x12b: {  	[tilespmem:s0], [sflag:$0x1] =	stream.indirect_vreg.gather [hbm4b:s15+s3], $0x80, v56, vm1, $0xb8;
	[tilespmem:$0x13400] =	vst v63  }
0x12c: {  	v63 =	vperm.xlane v23, v20;
	v62 =	vadd.s32 v6, v61;
	s0 =	simm.s32 $0x12180  }
0x12d: {  	[tilespmem:s0], [sflag:$0x1] =	stream.indirect_vreg.gather [hbm4b:s15+s3], $0x80, v58, vm1, $0xb8;
	[tilespmem:$0x13400] =	vst v63  }
0x12e: {  	v23 =	vperm.xlane v23, v21;
	v29 =	vadd.s32 v6, v63;
	s0 =	simm.s32 $0x12200  }
0x12f: {  	[tilespmem:s0], [sflag:$0x1] =	stream.indirect_vreg.gather [hbm4b:s15+s3], $0x80, v60, vm1, $0xb8;
	[tilespmem:$0x13400] =	vst v63  }
0x130: {  	v23 =	vadd.s32 v6, v23;
	s0 =	simm.s32 $0x12280  }
0x131: {  	[tilespmem:s0], [sflag:$0x1] =	stream.indirect_vreg.gather [hbm4b:s15+s3], $0x80, v62, vm1, $0xb8;
	[tilespmem:$0x13400] =	vst v63  }
0x132: {  	s0 =	simm.s32 $0x12300  }
0x133: {  	[tilespmem:s0], [sflag:$0x1] =	stream.indirect_vreg.gather [hbm4b:s15+s3], $0x80, v29, vm1, $0xb8;
	[tilespmem:$0x13400] =	vst v63  }
0x134: {  	s0 =	simm.s32 $0x12380  }
0x135: {  	[tilespmem:s0], [sflag:$0x1] =	stream.indirect_vreg.gather [hbm4b:s15+s3], $0x80, v23, vm1, $0xb8;
	[tilespmem:$0x13400] =	vst v63  }
0x136: {  	v23 =	vld [tilespmem:$0x20];
	_ =	sdelay $0x4  }
0x137: {  	v30 =	vshll.u32 v23, $0x3  }
0x138: {  	v23 =	vand.u32 $0x7, v23;
	v24 =	vand.u32 $0xFFFFFFC0, v30  }
0x139: {  	v23 =	vor.u32 v23, v24  }
0x13a: {  	v24 =	vperm.xlane v23, v0;
	_ =	sdelay $0x1  }
0x13b: {  	v23 =	vperm.xlane v23, v4;
	v24 =	vadd.s32 v2, v24;
	_ =	sdelay $0x1  }
0x13c: {  	v23 =	vadd.s32 v2, v23;
	_ =	sdelay $0x1  }
0x13d: {  	s0 =	simm.s32 $0x9400  }
0x13e: {  	[tilespmem:s0], [sflag:$0x2] =	stream.indirect_vreg.gather [hbm4b:s2+s3], $0x80, v24, vm0, $0xb8;
	[tilespmem:$0x13400] =	vst v63  }
0x13f: {  	_ = 	snop  }
0x140: {  	[tilespmem:s23], [sflag:$0x2] =	stream.indirect_vreg.gather [hbm4b:s2+s3], $0x80, v23, vm0, $0xb8;
	[tilespmem:$0x13400] =	vst v63  }
0x141: {  	v23 =	vld [tilespmem:$0x30];
	_ =	sdelay $0x4  }
0x142: {  	v31 =	vshll.u32 v23, $0x3  }
0x143: {  	v23 =	vand.u32 $0x7, v23;
	v24 =	vand.u32 $0xFFFFFFC0, v31  }
0x144: {  	v23 =	vor.u32 v23, v24  }
0x145: {  	v24 =	vperm.xlane v23, v0;
	_ =	sdelay $0x1  }
0x146: {  	v23 =	vperm.xlane v23, v4;
	v24 =	vadd.s32 v2, v24;
	_ =	sdelay $0x1  }
0x147: {  	v23 =	vadd.s32 v2, v23;
	_ =	sdelay $0x1  }
0x148: {  	s23 =	simm.s32 $0xD400  }
0x149: {  	[tilespmem:s23], [sflag:$0x2] =	stream.indirect_vreg.gather [hbm4b:s2+s3], $0x80, v24, vm0, $0xb8;
	[tilespmem:$0x13400] =	vst v63  }
0x14a: {  	_ = 	snop  }
0x14b: {  	[tilespmem:s30], [sflag:$0x2] =	stream.indirect_vreg.gather [hbm4b:s2+s3], $0x80, v23, vm0, $0xb8;
	[tilespmem:$0x13400] =	vst v63  }
0x14c: {  	v23 =	vld [tilespmem:$0x20];
	_ =	sdelay $0x4  }
0x14d: {  	v32 =	vshll.u32 v23, $0x3  }
0x14e: {  	v23 =	vand.u32 $0x7, v23;
	v24 =	vand.u32 $0xFFFFFFC0, v32  }
0x14f: {  	v23 =	vor.u32 v23, v24  }
0x150: {  	v24 =	vperm.xlane v23, v0;
	_ =	sdelay $0x1  }
0x151: {  	v23 =	vperm.xlane v23, v4;
	v24 =	vadd.s32 v2, v24;
	_ =	sdelay $0x1  }
0x152: {  	v23 =	vadd.s32 v2, v23;
	_ =	sdelay $0x2  }
0x153: {  	[tilespmem:s26], [sflag:$0x2] =	stream.indirect_vreg.gather [hbm4b:s4+s3], $0x80, v24, vm0, $0xb8;
	[tilespmem:$0x13400] =	vst v63  }
0x154: {  	_ = 	snop  }
0x155: {  	[tilespmem:s17], [sflag:$0x2] =	stream.indirect_vreg.gather [hbm4b:s4+s3], $0x80, v23, vm0, $0xb8;
	[tilespmem:$0x13400] =	vst v63  }
0x156: {  	v23 =	vld [tilespmem:$0x30];
	_ =	sdelay $0x4  }
0x157: {  	v33 =	vshll.u32 v23, $0x3  }
0x158: {  	v23 =	vand.u32 $0x7, v23;
	v24 =	vand.u32 $0xFFFFFFC0, v33  }
0x159: {  	v23 =	vor.u32 v23, v24  }
0x15a: {  	v24 =	vperm.xlane v23, v0;
	_ =	sdelay $0x1  }
0x15b: {  	v23 =	vperm.xlane v23, v4;
	v24 =	vadd.s32 v2, v24;
	_ =	sdelay $0x1  }
0x15c: {  	v23 =	vadd.s32 v2, v23;
	_ =	sdelay $0x2  }
0x15d: {  	[tilespmem:s18], [sflag:$0x2] =	stream.indirect_vreg.gather [hbm4b:s4+s3], $0x80, v24, vm0, $0xb8;
	[tilespmem:$0x13400] =	vst v63  }
0x15e: {  	_ = 	snop  }
0x15f: {  	[tilespmem:s16], [sflag:$0x2] =	stream.indirect_vreg.gather [hbm4b:s4+s3], $0x80, v23, vm0, $0xb8;
	[tilespmem:$0x13400] =	vst v63  }
0x160: {  	v23 =	vld [tilespmem:$0x20];
	_ =	sdelay $0x4  }
0x161: {  	v34 =	vshll.u32 v23, $0x3  }
0x162: {  	v23 =	vand.u32 $0x7, v23;
	v24 =	vand.u32 $0xFFFFFFC0, v34  }
0x163: {  	v23 =	vor.u32 v23, v24  }
0x164: {  	v24 =	vperm.xlane v23, v0;
	_ =	sdelay $0x1  }
0x165: {  	v23 =	vperm.xlane v23, v4;
	v24 =	vadd.s32 v2, v24;
	_ =	sdelay $0x1  }
0x166: {  	v23 =	vadd.s32 v2, v23;
	_ =	sdelay $0x2  }
0x167: {  	[tilespmem:s19], [sflag:$0x2] =	stream.indirect_vreg.gather [hbm4b:s7+s3], $0x80, v24, vm0, $0xb8;
	[tilespmem:$0x13400] =	vst v63  }
0x168: {  	_ = 	snop  }
0x169: {  	[tilespmem:s20], [sflag:$0x2] =	stream.indirect_vreg.gather [hbm4b:s7+s3], $0x80, v23, vm0, $0xb8;
	[tilespmem:$0x13400] =	vst v63  }
0x16a: {  	v23 =	vld [tilespmem:$0x30];
	_ =	sdelay $0x4  }
0x16b: {  	v35 =	vshll.u32 v23, $0x3  }
0x16c: {  	v23 =	vand.u32 $0x7, v23;
	v24 =	vand.u32 $0xFFFFFFC0, v35  }
0x16d: {  	v23 =	vor.u32 v23, v24  }
0x16e: {  	v24 =	vperm.xlane v23, v0;
	_ =	sdelay $0x1  }
0x16f: {  	v23 =	vperm.xlane v23, v4;
	v24 =	vadd.s32 v2, v24;
	_ =	sdelay $0x1  }
0x170: {  	v23 =	vadd.s32 v2, v23;
	_ =	sdelay $0x2  }
0x171: {  	[tilespmem:s21], [sflag:$0x2] =	stream.indirect_vreg.gather [hbm4b:s7+s3], $0x80, v24, vm0, $0xb8;
	[tilespmem:$0x13400] =	vst v63  }
0x172: {  	_ = 	snop  }
0x173: {  	[tilespmem:s22], [sflag:$0x2] =	stream.indirect_vreg.gather [hbm4b:s7+s3], $0x80, v23, vm0, $0xb8;
	[tilespmem:$0x13400] =	vst v63  }
0x174: {  	v23 =	vld [tilespmem:$0x20];
	_ =	sdelay $0x4  }
0x175: {  	v36 =	vshll.u32 v23, $0x3  }
0x176: {  	v23 =	vand.u32 $0x7, v23;
	v24 =	vand.u32 $0xFFFFFFC0, v36  }
0x177: {  	v23 =	vor.u32 v23, v24  }
0x178: {  	v24 =	vperm.xlane v23, v0;
	_ =	sdelay $0x1  }
0x179: {  	v23 =	vperm.xlane v23, v4;
	v24 =	vadd.s32 v2, v24;
	_ =	sdelay $0x1  }
0x17a: {  	v23 =	vadd.s32 v2, v23;
	_ =	sdelay $0x1  }
0x17b: {  	s23 =	simm.s32 $0xA000  }
0x17c: {  	[tilespmem:s23], [sflag:$0x2] =	stream.indirect_vreg.gather [hbm4b:s8+s3], $0x80, v24, vm0, $0xb8;
	[tilespmem:$0x13400] =	vst v63  }
0x17d: {  	s26 =	simm.s32 $0xC000  }
0x17e: {  	[tilespmem:s26], [sflag:$0x2] =	stream.indirect_vreg.gather [hbm4b:s8+s3], $0x80, v23, vm0, $0xb8;
	[tilespmem:$0x13400] =	vst v63  }
0x17f: {  	v23 =	vld [tilespmem:$0x30];
	_ =	sdelay $0x4  }
0x180: {  	v37 =	vshll.u32 v23, $0x3  }
0x181: {  	v23 =	vand.u32 $0x7, v23;
	v24 =	vand.u32 $0xFFFFFFC0, v37  }
0x182: {  	v23 =	vor.u32 v23, v24  }
0x183: {  	v24 =	vperm.xlane v23, v0;
	_ =	sdelay $0x1  }
0x184: {  	v23 =	vperm.xlane v23, v4;
	v24 =	vadd.s32 v2, v24;
	_ =	sdelay $0x1  }
0x185: {  	v23 =	vadd.s32 v2, v23;
	_ =	sdelay $0x2  }
0x186: {  	[tilespmem:s29], [sflag:$0x2] =	stream.indirect_vreg.gather [hbm4b:s8+s3], $0x80, v24, vm0, $0xb8;
	[tilespmem:$0x13400] =	vst v63  }
0x187: {  	s30 =	simm.s32 $0x10000  }
0x188: {  	[tilespmem:s30], [sflag:$0x2] =	stream.indirect_vreg.gather [hbm4b:s8+s3], $0x80, v23, vm0, $0xb8;
	[tilespmem:$0x13400] =	vst v63  }
0x189: {  	v23 =	vld [tilespmem:$0x20];
	_ =	sdelay $0x4  }
0x18a: {  	v38 =	vshll.u32 v23, $0x3  }
0x18b: {  	v23 =	vand.u32 $0x7, v23;
	v24 =	vand.u32 $0xFFFFFFC0, v38  }
0x18c: {  	v23 =	vor.u32 v23, v24  }
0x18d: {  	v24 =	vperm.xlane v23, v0;
	_ =	sdelay $0x1  }
0x18e: {  	v23 =	vperm.xlane v23, v4;
	v24 =	vadd.s32 v2, v24;
	_ =	sdelay $0x1  }
0x18f: {  	v23 =	vadd.s32 v2, v23;
	_ =	sdelay $0x2  }
0x190: {  	[tilespmem:s12], [sflag:$0x2] =	stream.indirect_vreg.gather [hbm4b:s9+s3], $0x80, v24, vm0, $0xb8;
	[tilespmem:$0x13400] =	vst v63  }
0x191: {  	s13 =	simm.s32 $0xC400  }
0x192: {  	[tilespmem:s13], [sflag:$0x2] =	stream.indirect_vreg.gather [hbm4b:s9+s3], $0x80, v23, vm0, $0xb8;
	[tilespmem:$0x13400] =	vst v63  }
0x193: {  	v23 =	vld [tilespmem:$0x30];
	_ =	sdelay $0x4  }
0x194: {  	v39 =	vshll.u32 v23, $0x3  }
0x195: {  	v23 =	vand.u32 $0x7, v23;
	v24 =	vand.u32 $0xFFFFFFC0, v39  }
0x196: {  	v23 =	vor.u32 v23, v24  }
0x197: {  	v24 =	vperm.xlane v23, v0;
	_ =	sdelay $0x1  }
0x198: {  	v23 =	vperm.xlane v23, v4;
	v24 =	vadd.s32 v2, v24;
	_ =	sdelay $0x1  }
0x199: {  	v23 =	vadd.s32 v2, v23;
	_ =	sdelay $0x1  }
0x19a: {  	s14 =	simm.s32 $0xE400  }
0x19b: {  	[tilespmem:s14], [sflag:$0x2] =	stream.indirect_vreg.gather [hbm4b:s9+s3], $0x80, v24, vm0, $0xb8;
	[tilespmem:$0x13400] =	vst v63  }
0x19c: {  	s13 =	simm.s32 $0x10400  }
0x19d: {  	[tilespmem:s13], [sflag:$0x2] =	stream.indirect_vreg.gather [hbm4b:s9+s3], $0x80, v23, vm0, $0xb8;
	[tilespmem:$0x13400] =	vst v63  }
0x19e: {  	v23 =	vld [tilespmem:$0x20];
	_ =	sdelay $0x4  }
0x19f: {  	v40 =	vshll.u32 v23, $0x3  }
0x1a0: {  	v23 =	vand.u32 $0x7, v23;
	v24 =	vand.u32 $0xFFFFFFC0, v40  }
0x1a1: {  	v23 =	vor.u32 v23, v24  }
0x1a2: {  	v24 =	vperm.xlane v23, v0;
	_ =	sdelay $0x1  }
0x1a3: {  	v23 =	vperm.xlane v23, v4;
	v24 =	vadd.s32 v2, v24;
	_ =	sdelay $0x1  }
0x1a4: {  	v23 =	vadd.s32 v2, v23;
	_ =	sdelay $0x2  }
0x1a5: {  	[tilespmem:s24], [sflag:$0x2] =	stream.indirect_vreg.gather [hbm4b:s10+s3], $0x80, v24, vm0, $0xb8;
	[tilespmem:$0x13400] =	vst v63  }
0x1a6: {  	s31 =	simm.s32 $0xC800  }
0x1a7: {  	[tilespmem:s31], [sflag:$0x2] =	stream.indirect_vreg.gather [hbm4b:s10+s3], $0x80, v23, vm0, $0xb8;
	[tilespmem:$0x13400] =	vst v63  }
0x1a8: {  	v23 =	vld [tilespmem:$0x30];
	_ =	sdelay $0x4  }
0x1a9: {  	v41 =	vshll.u32 v23, $0x3  }
0x1aa: {  	v23 =	vand.u32 $0x7, v23;
	v24 =	vand.u32 $0xFFFFFFC0, v41  }
0x1ab: {  	v23 =	vor.u32 v23, v24  }
0x1ac: {  	v24 =	vperm.xlane v23, v0;
	_ =	sdelay $0x1  }
0x1ad: {  	v23 =	vperm.xlane v23, v4;
	v24 =	vadd.s32 v2, v24;
	_ =	sdelay $0x1  }
0x1ae: {  	v23 =	vadd.s32 v2, v23;
	_ =	sdelay $0x1  }
0x1af: {  	s31 =	simm.s32 $0xE800  }
0x1b0: {  	[tilespmem:s31], [sflag:$0x2] =	stream.indirect_vreg.gather [hbm4b:s10+s3], $0x80, v24, vm0, $0xb8;
	[tilespmem:$0x13400] =	vst v63  }
0x1b1: {  	s14 =	simm.s32 $0x10800  }
0x1b2: {  	[tilespmem:s14], [sflag:$0x2] =	stream.indirect_vreg.gather [hbm4b:s10+s3], $0x80, v23, vm0, $0xb8;
	[tilespmem:$0x13400] =	vst v63  }
0x1b3: {  	v23 =	vld [tilespmem:$0x20];
	_ =	sdelay $0x4  }
0x1b4: {  	v42 =	vshll.u32 v23, $0x3  }
0x1b5: {  	v23 =	vand.u32 $0x7, v23;
	v24 =	vand.u32 $0xFFFFFFC0, v42  }
0x1b6: {  	v23 =	vor.u32 v23, v24  }
0x1b7: {  	v24 =	vperm.xlane v23, v0;
	_ =	sdelay $0x1  }
0x1b8: {  	v23 =	vperm.xlane v23, v4;
	v24 =	vadd.s32 v2, v24;
	_ =	sdelay $0x1  }
0x1b9: {  	v23 =	vadd.s32 v2, v23;
	_ =	sdelay $0x1  }
0x1ba: {  	s2 =	simm.s32 $0xAC00  }
0x1bb: {  	[tilespmem:s2], [sflag:$0x2] =	stream.indirect_vreg.gather [hbm4b:s11+s3], $0x80, v24, vm0, $0xb8;
	[tilespmem:$0x13400] =	vst v63  }
0x1bc: {  	s4 =	simm.s32 $0xCC00  }
0x1bd: {  	[tilespmem:s4], [sflag:$0x2] =	stream.indirect_vreg.gather [hbm4b:s11+s3], $0x80, v23, vm0, $0xb8;
	[tilespmem:$0x13400] =	vst v63  }
0x1be: {  	v23 =	vld [tilespmem:$0x30];
	_ =	sdelay $0x4  }
0x1bf: {  	v43 =	vshll.u32 v23, $0x3  }
0x1c0: {  	v23 =	vand.u32 $0x7, v23;
	v24 =	vand.u32 $0xFFFFFFC0, v43  }
0x1c1: {  	v23 =	vor.u32 v23, v24  }
0x1c2: {  	v24 =	vperm.xlane v23, v0;
	_ =	sdelay $0x1  }
0x1c3: {  	v23 =	vperm.xlane v23, v4;
	v24 =	vadd.s32 v2, v24;
	_ =	sdelay $0x1  }
0x1c4: {  	v23 =	vadd.s32 v2, v23;
	_ =	sdelay $0x1  }
0x1c5: {  	s7 =	simm.s32 $0xEC00  }
0x1c6: {  	[tilespmem:s7], [sflag:$0x2] =	stream.indirect_vreg.gather [hbm4b:s11+s3], $0x80, v24, vm0, $0xb8;
	[tilespmem:$0x13400] =	vst v63  }
0x1c7: {  	s8 =	simm.s32 $0x10C00  }
0x1c8: {  	[tilespmem:s8], [sflag:$0x2] =	stream.indirect_vreg.gather [hbm4b:s11+s3], $0x80, v23, vm0, $0xb8;
	[tilespmem:$0x13400] =	vst v63  }
0x1c9: {  	v23 =	vld [tilespmem:$0x20];
	_ =	sdelay $0x4  }
0x1ca: {  	v44 =	vshll.u32 v23, $0x3  }
0x1cb: {  	v23 =	vand.u32 $0x7, v23;
	v24 =	vand.u32 $0xFFFFFFC0, v44  }
0x1cc: {  	v23 =	vor.u32 v23, v24  }
0x1cd: {  	v24 =	vperm.xlane v23, v5;
	_ =	sdelay $0x1  }
0x1ce: {  	v45 =	vperm.xlane v23, v9;
	v24 =	vadd.s32 v6, v24;
	_ =	sdelay $0x1  }
0x1cf: {  	v46 =	vperm.xlane v23, v10;
	v25 =	vadd.s32 v6, v45;
	_ =	sdelay $0x1  }
0x1d0: {  	s9 =	simm.s32 $0x12400;
	v47 =	vperm.xlane v23, v3;
	v26 =	vadd.s32 v6, v46  }
0x1d1: {  	[tilespmem:s9], [sflag:$0x2] =	stream.indirect_vreg.gather [hbm4b:s15+s3], $0x80, v24, vm1, $0xb8;
	[tilespmem:$0x13400] =	vst v63  }
0x1d2: {  	s16 =	simm.s32 $0x12480;
	v49 =	vperm.xlane v23, v11;
	v48 =	vadd.s32 v6, v47  }
0x1d3: {  	[tilespmem:s16], [sflag:$0x2] =	stream.indirect_vreg.gather [hbm4b:s15+s3], $0x80, v25, vm1, $0xb8;
	[tilespmem:$0x13400] =	vst v63  }
0x1d4: {  	s17 =	simm.s32 $0x12500;
	v51 =	vperm.xlane v23, v12;
	v50 =	vadd.s32 v6, v49  }
0x1d5: {  	[tilespmem:s17], [sflag:$0x2] =	stream.indirect_vreg.gather [hbm4b:s15+s3], $0x80, v26, vm1, $0xb8;
	[tilespmem:$0x13400] =	vst v63  }
0x1d6: {  	s18 =	simm.s32 $0x12580;
	v53 =	vperm.xlane v23, v13;
	v52 =	vadd.s32 v6, v51  }
0x1d7: {  	[tilespmem:s18], [sflag:$0x2] =	stream.indirect_vreg.gather [hbm4b:s15+s3], $0x80, v48, vm1, $0xb8;
	[tilespmem:$0x13400] =	vst v63  }
0x1d8: {  	s19 =	simm.s32 $0x12600;
	v55 =	vperm.xlane v23, v1;
	v54 =	vadd.s32 v6, v53  }
0x1d9: {  	[tilespmem:s19], [sflag:$0x2] =	stream.indirect_vreg.gather [hbm4b:s15+s3], $0x80, v50, vm1, $0xb8;
	[tilespmem:$0x13400] =	vst v63  }
0x1da: {  	s20 =	simm.s32 $0x12680;
	v57 =	vperm.xlane v23, v14;
	v56 =	vadd.s32 v6, v55  }
0x1db: {  	[tilespmem:s20], [sflag:$0x2] =	stream.indirect_vreg.gather [hbm4b:s15+s3], $0x80, v52, vm1, $0xb8;
	[tilespmem:$0x13400] =	vst v63  }
0x1dc: {  	s21 =	simm.s32 $0x12700;
	v59 =	vperm.xlane v23, v15;
	v58 =	vadd.s32 v6, v57  }
0x1dd: {  	[tilespmem:s21], [sflag:$0x2] =	stream.indirect_vreg.gather [hbm4b:s15+s3], $0x80, v54, vm1, $0xb8;
	[tilespmem:$0x13400] =	vst v63  }
0x1de: {  	s22 =	simm.s32 $0x12780;
	v61 =	vperm.xlane v23, v16;
	v60 =	vadd.s32 v6, v59  }
0x1df: {  	[tilespmem:s22], [sflag:$0x2] =	stream.indirect_vreg.gather [hbm4b:s15+s3], $0x80, v56, vm1, $0xb8;
	[tilespmem:$0x13400] =	vst v63  }
0x1e0: {  	s23 =	simm.s32 $0x12800;
	v63 =	vperm.xlane v23, v17;
	v62 =	vadd.s32 v6, v61  }
0x1e1: {  	[tilespmem:s23], [sflag:$0x2] =	stream.indirect_vreg.gather [hbm4b:s15+s3], $0x80, v58, vm1, $0xb8;
	[tilespmem:$0x13400] =	vst v63  }
0x1e2: {  	s24 =	simm.s32 $0x12880;
	v31 =	vperm.xlane v23, v18;
	v30 =	vadd.s32 v6, v63  }
0x1e3: {  	[tilespmem:s24], [sflag:$0x2] =	stream.indirect_vreg.gather [hbm4b:s15+s3], $0x80, v60, vm1, $0xb8;
	[tilespmem:$0x13400] =	vst v63  }
0x1e4: {  	s26 =	simm.s32 $0x12900;
	v33 =	vperm.xlane v23, v19;
	v32 =	vadd.s32 v6, v31  }
0x1e5: {  	[tilespmem:s26], [sflag:$0x2] =	stream.indirect_vreg.gather [hbm4b:s15+s3], $0x80, v62, vm1, $0xb8;
	[tilespmem:$0x13400] =	vst v63  }
0x1e6: {  	s29 =	simm.s32 $0x12980;
	v35 =	vperm.xlane v23, v20;
	v34 =	vadd.s32 v6, v33  }
0x1e7: {  	[tilespmem:s29], [sflag:$0x2] =	stream.indirect_vreg.gather [hbm4b:s15+s3], $0x80, v30, vm1, $0xb8;
	[tilespmem:$0x13400] =	vst v63  }
0x1e8: {  	s30 =	simm.s32 $0x12A00;
	v23 =	vperm.xlane v23, v21;
	v36 =	vadd.s32 v6, v35  }
0x1e9: {  	[tilespmem:s30], [sflag:$0x2] =	stream.indirect_vreg.gather [hbm4b:s15+s3], $0x80, v32, vm1, $0xb8;
	[tilespmem:$0x13400] =	vst v63  }
0x1ea: {  	s31 =	simm.s32 $0x12A80;
	v23 =	vadd.s32 v6, v23  }
0x1eb: {  	[tilespmem:s31], [sflag:$0x2] =	stream.indirect_vreg.gather [hbm4b:s15+s3], $0x80, v34, vm1, $0xb8;
	[tilespmem:$0x13400] =	vst v63  }
0x1ec: {  	s2 =	simm.s32 $0x12B00  }
0x1ed: {  	[tilespmem:s2], [sflag:$0x2] =	stream.indirect_vreg.gather [hbm4b:s15+s3], $0x80, v36, vm1, $0xb8;
	[tilespmem:$0x13400] =	vst v63  }
0x1ee: {  	s4 =	simm.s32 $0x12B80  }
0x1ef: {  	[tilespmem:s4], [sflag:$0x2] =	stream.indirect_vreg.gather [hbm4b:s15+s3], $0x80, v23, vm1, $0xb8;
	[tilespmem:$0x13400] =	vst v63  }
0x1f0: {  	v23 =	vld [tilespmem:$0x30];
	_ =	sdelay $0x4  }
0x1f1: {  	v37 =	vshll.u32 v23, $0x3  }
0x1f2: {  	v23 =	vand.u32 $0x7, v23;
	v24 =	vand.u32 $0xFFFFFFC0, v37  }
0x1f3: {  	v23 =	vor.u32 v23, v24  }
0x1f4: {  	v24 =	vperm.xlane v23, v5;
	_ =	sdelay $0x1  }
0x1f5: {  	v38 =	vperm.xlane v23, v9;
	v24 =	vadd.s32 v6, v24;
	_ =	sdelay $0x1  }
0x1f6: {  	v39 =	vperm.xlane v23, v10;
	v25 =	vadd.s32 v6, v38;
	_ =	sdelay $0x1  }
0x1f7: {  	s7 =	simm.s32 $0x12C00;
	v40 =	vperm.xlane v23, v3;
	v26 =	vadd.s32 v6, v39  }
0x1f8: {  	[tilespmem:s7], [sflag:$0x2] =	stream.indirect_vreg.gather [hbm4b:s15+s3], $0x80, v24, vm1, $0xb8;
	[tilespmem:$0x13400] =	vst v63  }
0x1f9: {  	s8 =	simm.s32 $0x12C80;
	v42 =	vperm.xlane v23, v11;
	v41 =	vadd.s32 v6, v40  }
0x1fa: {  	[tilespmem:s8], [sflag:$0x2] =	stream.indirect_vreg.gather [hbm4b:s15+s3], $0x80, v25, vm1, $0xb8;
	[tilespmem:$0x13400] =	vst v63  }
0x1fb: {  	s9 =	simm.s32 $0x12D00;
	v44 =	vperm.xlane v23, v12;
	v43 =	vadd.s32 v6, v42  }
0x1fc: {  	[tilespmem:s9], [sflag:$0x2] =	stream.indirect_vreg.gather [hbm4b:s15+s3], $0x80, v26, vm1, $0xb8;
	[tilespmem:$0x13400] =	vst v63  }
0x1fd: {  	s16 =	simm.s32 $0x12D80;
	v46 =	vperm.xlane v23, v13;
	v45 =	vadd.s32 v6, v44  }
0x1fe: {  	[tilespmem:s16], [sflag:$0x2] =	stream.indirect_vreg.gather [hbm4b:s15+s3], $0x80, v41, vm1, $0xb8;
	[tilespmem:$0x13400] =	vst v63  }
0x1ff: {  	s17 =	simm.s32 $0x12E00;
	v48 =	vperm.xlane v23, v1;
	v47 =	vadd.s32 v6, v46  }
0x200: {  	[tilespmem:s17], [sflag:$0x2] =	stream.indirect_vreg.gather [hbm4b:s15+s3], $0x80, v43, vm1, $0xb8;
	[tilespmem:$0x13400] =	vst v63  }
0x201: {  	s18 =	simm.s32 $0x12E80;
	v50 =	vperm.xlane v23, v14;
	v49 =	vadd.s32 v6, v48  }
0x202: {  	[tilespmem:s18], [sflag:$0x2] =	stream.indirect_vreg.gather [hbm4b:s15+s3], $0x80, v45, vm1, $0xb8;
	[tilespmem:$0x13400] =	vst v63  }
0x203: {  	s19 =	simm.s32 $0x12F00;
	v52 =	vperm.xlane v23, v15;
	v51 =	vadd.s32 v6, v50  }
0x204: {  	[tilespmem:s19], [sflag:$0x2] =	stream.indirect_vreg.gather [hbm4b:s15+s3], $0x80, v47, vm1, $0xb8;
	[tilespmem:$0x13400] =	vst v63  }
0x205: {  	s20 =	simm.s32 $0x12F80;
	v54 =	vperm.xlane v23, v16;
	v53 =	vadd.s32 v6, v52  }
0x206: {  	[tilespmem:s20], [sflag:$0x2] =	stream.indirect_vreg.gather [hbm4b:s15+s3], $0x80, v49, vm1, $0xb8;
	[tilespmem:$0x13400] =	vst v63  }
0x207: {  	s21 =	simm.s32 $0x13000;
	v56 =	vperm.xlane v23, v17;
	v55 =	vadd.s32 v6, v54  }
0x208: {  	[tilespmem:s21], [sflag:$0x2] =	stream.indirect_vreg.gather [hbm4b:s15+s3], $0x80, v51, vm1, $0xb8;
	[tilespmem:$0x13400] =	vst v63  }
0x209: {  	s22 =	simm.s32 $0x13080;
	v58 =	vperm.xlane v23, v18;
	v57 =	vadd.s32 v6, v56  }
0x20a: {  	[tilespmem:s22], [sflag:$0x2] =	stream.indirect_vreg.gather [hbm4b:s15+s3], $0x80, v53, vm1, $0xb8;
	[tilespmem:$0x13400] =	vst v63  }
0x20b: {  	s23 =	simm.s32 $0x13100;
	v60 =	vperm.xlane v23, v19;
	v59 =	vadd.s32 v6, v58  }
0x20c: {  	[tilespmem:s23], [sflag:$0x2] =	stream.indirect_vreg.gather [hbm4b:s15+s3], $0x80, v55, vm1, $0xb8;
	[tilespmem:$0x13400] =	vst v63  }
0x20d: {  	s24 =	simm.s32 $0x13180;
	v62 =	vperm.xlane v23, v20;
	v61 =	vadd.s32 v6, v60  }
0x20e: {  	[tilespmem:s24], [sflag:$0x2] =	stream.indirect_vreg.gather [hbm4b:s15+s3], $0x80, v57, vm1, $0xb8;
	[tilespmem:$0x13400] =	vst v63  }
0x20f: {  	s26 =	simm.s32 $0x13200;
	v23 =	vperm.xlane v23, v21;
	v63 =	vadd.s32 v6, v62  }
0x210: {  	[tilespmem:s26], [sflag:$0x2] =	stream.indirect_vreg.gather [hbm4b:s15+s3], $0x80, v59, vm1, $0xb8;
	[tilespmem:$0x13400] =	vst v63  }
0x211: {  	s29 =	simm.s32 $0x13280;
	v23 =	vadd.s32 v6, v23  }
0x212: {  	[tilespmem:s29], [sflag:$0x2] =	stream.indirect_vreg.gather [hbm4b:s15+s3], $0x80, v61, vm1, $0xb8;
	[tilespmem:$0x13400] =	vst v63  }
0x213: {  	s30 =	simm.s32 $0x13300  }
0x214: {  	[tilespmem:s30], [sflag:$0x2] =	stream.indirect_vreg.gather [hbm4b:s15+s3], $0x80, v63, vm1, $0xb8;
	[tilespmem:$0x13400] =	vst v63  }
0x215: {  	s31 =	simm.s32 $0x13380  }
0x216: {  	[tilespmem:s31], [sflag:$0x2] =	stream.indirect_vreg.gather [hbm4b:s15+s3], $0x80, v23, vm1, $0xb8;
	[tilespmem:$0x13400] =	vst v63  }
0x217: {  	s10 =	simm.s32 $0xC400;
	s11 =	simm.s32 $0xE400;
	s4 =	simm.s32 $0x0;
	[tilespmem:$0x1380] =	vst v22  }
.LBB2_2:
0x218: {  	_ =	swait.ge [sflag:s25], $0x1000  }
0x219: {  	[sflag:s25] =	ssyncset.done $0x0  }
0x21a: {  	[sflag:s25] =	ssyncadd.s32 $0xFFFFF000  }
0x21b: {  	_ =	swait.ge [sflag:s25], $0x1000  }
0x21c: {  	[sflag:s25] =	ssyncset.done $0x0  }
0x21d: {  	[sflag:s25] =	ssyncadd.s32 $0xFFFFF000  }
0x21e: {  	_ =	swait.ge [sflag:s25], $0x1000  }
0x21f: {  	[sflag:s25] =	ssyncset.done $0x0  }
0x220: {  	[sflag:s25] =	ssyncadd.s32 $0xFFFFF000  }
0x221: {  	_ =	swait.ge [sflag:s25], $0x1000  }
0x222: {  	[sflag:s25] =	ssyncset.done $0x0  }
0x223: {  	[sflag:s25] =	ssyncadd.s32 $0xFFFFF000  }
0x224: {  	_ =	swait.ge [sflag:s25], $0x1000  }
0x225: {  	[sflag:s25] =	ssyncset.done $0x0  }
0x226: {  	[sflag:s25] =	ssyncadd.s32 $0xFFFFF000  }
0x227: {  	_ =	swait.ge [sflag:s25], $0x1000  }
0x228: {  	[sflag:s25] =	ssyncset.done $0x0  }
0x229: {  	[sflag:s25] =	ssyncadd.s32 $0xFFFFF000  }
0x22a: {  	_ =	swait.ge [sflag:s25], $0x1000  }
0x22b: {  	[sflag:s25] =	ssyncset.done $0x0  }
0x22c: {  	[sflag:s25] =	ssyncadd.s32 $0xFFFFF000  }
0x22d: {  	_ =	swait.ge [sflag:s25], $0x1000  }
0x22e: {  	[sflag:s25] =	ssyncset.done $0x0  }
0x22f: {  	s7 =	simm.s32 $0x11430;
	[sflag:s25] =	ssyncadd.s32 $0xFFFFF000  }
0x230: {  	s26 =	simm.s32 $0x0;
	v23 =	vld [tilespmem:s7+$0xFFFFFFD0]  }
0x231: {  	s8 =	sand.u32 $0x7, s26  }
0x232: {  	s8 =	sshll.u32 s8, $0x7  }
0x233: {  	s8 =	sadd.s32 $0x0, s8  }
0x234: {  	s23 =	sor.u32 $0x1C00, s8  }
0x235: {  	[tilespmem:s23+$0x1400] =	vst v23  }
0x236: {  	v23 =	vld [tilespmem:s7+$0xFFFFFFE0];
	_ =	sdelay $0x3  }
0x237: {  	s20 =	sor.u32 $0x1C10, s8  }
0x238: {  	[tilespmem:s20+$0x1400] =	vst v23  }
0x239: {  	v23 =	vld [tilespmem:s7+$0xFFFFFFF0];
	_ =	sdelay $0x3  }
0x23a: {  	s21 =	sor.u32 $0x1C20, s8  }
0x23b: {  	[tilespmem:s21+$0x1400] =	vst v23  }
0x23c: {  	v23 =	vld [tilespmem:s7+$0x0];
	_ =	sdelay $0x3  }
0x23d: {  	s22 =	sor.u32 $0x1C30, s8  }
0x23e: {  	[tilespmem:s22+$0x1400] =	vst v23  }
0x23f: {  	v23 =	vld [tilespmem:s7+$0x10];
	_ =	sdelay $0x3  }
0x240: {  	s24 =	sor.u32 $0x1C40, s8  }
0x241: {  	[tilespmem:s24+$0x1400] =	vst v23  }
0x242: {  	v23 =	vld [tilespmem:s7+$0x20];
	_ =	sdelay $0x3  }
0x243: {  	s29 =	sor.u32 $0x1C50, s8  }
0x244: {  	[tilespmem:s29+$0x1400] =	vst v23  }
0x245: {  	v23 =	vld [tilespmem:s7+$0x28];
	_ =	sdelay $0x3  }
0x246: {  	s31 =	sor.u32 $0x1C58, s8  }
0x247: {  	s30 =	simm.s32 $0x114B0;
	[tilespmem:s31+$0x1400] =	vst v23  }
0x248: {  	s8 =	simm.s32 $0x100;
	s7 =	simm.s32 $0x1;
	v23 =	vld [tilespmem:s30+$0xFFFFFFD0]  }
.LBB2_3:
0x249: {  	p0 =	sne.s32 s8, $0xF80;
	s23 =	sand.u32 $0x7, s7  }
0x24a: {  	s26 =	sadd.s32 $0x400, s26;
	s23 =	sshll.u32 s23, $0x7  }
0x24b: {  	s23 =	sadd.s32 s23, s26  }
0x24c: {  	s24 =	sor.u32 $0x1C00, s23  }
0x24d: {  	[tilespmem:s24+$0x1400] =	vst v23  }
0x24e: {  	v23 =	vld [tilespmem:s30+$0xFFFFFFE0];
	_ =	sdelay $0x3  }
0x24f: {  	s24 =	sor.u32 $0x1C10, s23  }
0x250: {  	[tilespmem:s24+$0x1400] =	vst v23  }
0x251: {  	v23 =	vld [tilespmem:s30+$0xFFFFFFF0];
	_ =	sdelay $0x3  }
0x252: {  	s24 =	sor.u32 $0x1C20, s23  }
0x253: {  	[tilespmem:s24+$0x1400] =	vst v23  }
0x254: {  	v23 =	vld [tilespmem:s30+$0x0];
	_ =	sdelay $0x3  }
0x255: {  	s24 =	sor.u32 $0x1C30, s23  }
0x256: {  	[tilespmem:s24+$0x1400] =	vst v23  }
0x257: {  	v23 =	vld [tilespmem:s30+$0x10];
	_ =	sdelay $0x3  }
0x258: {  	s24 =	sor.u32 $0x1C40, s23  }
0x259: {  	[tilespmem:s24+$0x1400] =	vst v23  }
0x25a: {  	v23 =	vld [tilespmem:s30+$0x20];
	_ =	sdelay $0x3  }
0x25b: {  	s24 =	sor.u32 $0x1C50, s23  }
0x25c: {  	[tilespmem:s24+$0x1400] =	vst v23  }
0x25d: {  	v23 =	vld [tilespmem:s30+$0x28];
	_ =	sdelay $0x1  }
.Ltmp0:
0x25e: {  	(pc) =	sbr.rel @p0 .LBB2_3-.Ltmp0, $4  }
0x25f: {  	_ = 	snop  }
0x260: {  	s23 =	sor.u32 $0x1C58, s23  }
0x261: {  	s30 =	sadd.s32 $0x80, s30;
	[tilespmem:s23+$0x1400] =	vst v23  }
0x262: {  	s8 =	sadd.s32 $0x80, s8;
	s7 =	sadd.s32 $0x1, s7;
	v23 =	vld [tilespmem:s30+$0xFFFFFFD0]  }
0x263: {  	s7 =	sand.u32 $0x7, s7  }
0x264: {  	s8 =	sadd.s32 $0x400, s26;
	s7 =	sshll.u32 s7, $0x7  }
0x265: {  	s7 =	sadd.s32 s7, s8  }
0x266: {  	s8 =	sor.u32 $0x1C00, s7  }
0x267: {  	[tilespmem:s8+$0x1400] =	vst v23  }
0x268: {  	v23 =	vld [tilespmem:s30+$0xFFFFFFE0];
	_ =	sdelay $0x3  }
0x269: {  	s0 =	sor.u32 $0x1C10, s7  }
0x26a: {  	[tilespmem:s0+$0x1400] =	vst v23  }
0x26b: {  	v23 =	vld [tilespmem:s30+$0xFFFFFFF0];
	_ =	sdelay $0x3  }
0x26c: {  	s2 =	sor.u32 $0x1C20, s7  }
0x26d: {  	[tilespmem:s2+$0x1400] =	vst v23  }
0x26e: {  	v23 =	vld [tilespmem:s30+$0x0];
	_ =	sdelay $0x3  }
0x26f: {  	s9 =	sor.u32 $0x1C30, s7  }
0x270: {  	[tilespmem:s9+$0x1400] =	vst v23  }
0x271: {  	v23 =	vld [tilespmem:s30+$0x10];
	_ =	sdelay $0x3  }
0x272: {  	s16 =	sor.u32 $0x1C40, s7  }
0x273: {  	[tilespmem:s16+$0x1400] =	vst v23  }
0x274: {  	v23 =	vld [tilespmem:s30+$0x20];
	_ =	sdelay $0x3  }
0x275: {  	s17 =	sor.u32 $0x1C50, s7  }
0x276: {  	[tilespmem:s17+$0x1400] =	vst v23  }
0x277: {  	v23 =	vld [tilespmem:s30+$0x28];
	_ =	sdelay $0x1  }
0x278: {  	s26 =	sshll.u32 s4, $0x6;
	s18 =	rddreg [dreg:$0xb]  }
0x279: {  	s19 =	sadd.s32 s18, s26  }
0x27a: {  	s20 =	rddreg [dreg:$0x4];
	s7 =	sor.u32 $0x1C58, s7;
	s8 =	sshll.u32 s19, $0x7  }
0x27b: {  	s21 =	sadd.s32 s20, s8;
	s16 =	simm.s32 $0x1400;
	s30 =	simm.s32 $0x0;
	[tilespmem:s7+$0x1400] =	vst v23  }
0x27c: {  	[hbm4b:s21+s30] =	stream.linear.scatter [tilespmem:s16], [sflag:$0x3], $0x400, $0x38;
	[tilespmem:$0x13400] =	vst v63  }
0x27d: {  	s22 =	simm.s32 $0x3400;
	s23 =	sadd.s32 $0x400, s21  }
0x27e: {  	[hbm4b:s23+s30] =	stream.linear.scatter [tilespmem:s22], [sflag:$0x3], $0x400, $0x38;
	[tilespmem:$0x13400] =	vst v63  }
0x27f: {  	s29 =	simm.s32 $0x5400;
	s24 =	sadd.s32 $0x800, s21  }
0x280: {  	[hbm4b:s24+s30] =	stream.linear.scatter [tilespmem:s29], [sflag:$0x3], $0x400, $0x38;
	[tilespmem:$0x13400] =	vst v63  }
0x281: {  	s31 =	simm.s32 $0x7400;
	s7 =	sadd.s32 $0xC00, s21  }
0x282: {  	[hbm4b:s7+s30] =	stream.linear.scatter [tilespmem:s31], [sflag:$0x3], $0x400, $0x38;
	[tilespmem:$0x13400] =	vst v63  }
0x283: {  	s0 =	sadd.s32 s8, s6;
	s2 =	simm.s32 $0x1800  }
0x284: {  	[hbm4b:s0+s30] =	stream.linear.scatter [tilespmem:s2], [sflag:$0x3], $0x400, $0x38;
	[tilespmem:$0x13400] =	vst v63  }
0x285: {  	s9 =	sadd.s32 $0x400, s0;
	s17 =	simm.s32 $0x3800  }
0x286: {  	[hbm4b:s9+s30] =	stream.linear.scatter [tilespmem:s17], [sflag:$0x3], $0x400, $0x38;
	[tilespmem:$0x13400] =	vst v63  }
0x287: {  	s19 =	simm.s32 $0x5800;
	s18 =	sadd.s32 $0x800, s0  }
0x288: {  	[hbm4b:s18+s30] =	stream.linear.scatter [tilespmem:s19], [sflag:$0x3], $0x400, $0x38;
	[tilespmem:$0x13400] =	vst v63  }
0x289: {  	s20 =	simm.s32 $0x7800;
	s21 =	rddreg [dreg:$0x9];
	s7 =	sadd.s32 $0xC00, s0  }
0x28a: {  	[hbm4b:s7+s30] =	stream.linear.scatter [tilespmem:s20], [sflag:$0x3], $0x400, $0x38;
	[tilespmem:$0x13400] =	vst v63  }
0x28b: {  	s22 =	sadd.s32 s8, s21;
	s24 =	simm.s32 $0x1C00  }
0x28c: {  	[hbm4b:s22+s30] =	stream.linear.scatter [tilespmem:s24], [sflag:$0x3], $0x400, $0x38;
	[tilespmem:$0x13400] =	vst v63  }
0x28d: {  	s29 =	sadd.s32 $0x400, s22;
	s31 =	simm.s32 $0x3C00  }
0x28e: {  	[hbm4b:s29+s30] =	stream.linear.scatter [tilespmem:s31], [sflag:$0x3], $0x400, $0x38;
	[tilespmem:$0x13400] =	vst v63  }
0x28f: {  	s0 =	sadd.s32 $0x800, s22;
	s2 =	simm.s32 $0x5C00  }
0x290: {  	[hbm4b:s0+s30] =	stream.linear.scatter [tilespmem:s2], [sflag:$0x3], $0x400, $0x38;
	[tilespmem:$0x13400] =	vst v63  }
0x291: {  	s9 =	simm.s32 $0x7C00;
	s17 =	rddreg [dreg:$0xa];
	s7 =	sadd.s32 $0xC00, s22  }
0x292: {  	[hbm4b:s7+s30] =	stream.linear.scatter [tilespmem:s9], [sflag:$0x3], $0x400, $0x38;
	[tilespmem:$0x13400] =	vst v63  }
0x293: {  	s18 =	sadd.s32 s8, s17;
	s19 =	simm.s32 $0x2000  }
0x294: {  	[hbm4b:s18+s30] =	stream.linear.scatter [tilespmem:s19], [sflag:$0x3], $0x400, $0x38;
	[tilespmem:$0x13400] =	vst v63  }
0x295: {  	s21 =	simm.s32 $0x4000;
	s20 =	sadd.s32 $0x400, s18  }
0x296: {  	[hbm4b:s20+s30] =	stream.linear.scatter [tilespmem:s21], [sflag:$0x3], $0x400, $0x38;
	[tilespmem:$0x13400] =	vst v63  }
0x297: {  	s22 =	sadd.s32 $0x800, s18;
	s24 =	simm.s32 $0x6000  }
0x298: {  	[hbm4b:s22+s30] =	stream.linear.scatter [tilespmem:s24], [sflag:$0x3], $0x400, $0x38;
	[tilespmem:$0x13400] =	vst v63  }
0x299: {  	s29 =	simm.s32 $0x8000;
	s31 =	rddreg [dreg:$0xc];
	s7 =	sadd.s32 $0xC00, s18  }
0x29a: {  	[hbm4b:s7+s30] =	stream.linear.scatter [tilespmem:s29], [sflag:$0x3], $0x400, $0x38;
	[tilespmem:$0x13400] =	vst v63  }
0x29b: {  	s0 =	sadd.s32 s8, s31;
	s2 =	simm.s32 $0x2400  }
0x29c: {  	[hbm4b:s0+s30] =	stream.linear.scatter [tilespmem:s2], [sflag:$0x3], $0x400, $0x38;
	[tilespmem:$0x13400] =	vst v63  }
0x29d: {  	s17 =	simm.s32 $0x4400;
	s9 =	sadd.s32 $0x400, s0  }
0x29e: {  	[hbm4b:s9+s30] =	stream.linear.scatter [tilespmem:s17], [sflag:$0x3], $0x400, $0x38;
	[tilespmem:$0x13400] =	vst v63  }
0x29f: {  	s18 =	sadd.s32 $0x800, s0;
	s19 =	simm.s32 $0x6400  }
0x2a0: {  	[hbm4b:s18+s30] =	stream.linear.scatter [tilespmem:s19], [sflag:$0x3], $0x400, $0x38;
	[tilespmem:$0x13400] =	vst v63  }
0x2a1: {  	s20 =	simm.s32 $0x8400;
	s21 =	rddreg [dreg:$0xd];
	s7 =	sadd.s32 $0xC00, s0  }
0x2a2: {  	[hbm4b:s7+s30] =	stream.linear.scatter [tilespmem:s20], [sflag:$0x3], $0x400, $0x38;
	[tilespmem:$0x13400] =	vst v63  }
0x2a3: {  	s23 =	simm.s32 $0x2800;
	s22 =	sadd.s32 s8, s21  }
0x2a4: {  	[hbm4b:s22+s30] =	stream.linear.scatter [tilespmem:s23], [sflag:$0x3], $0x400, $0x38;
	[tilespmem:$0x13400] =	vst v63  }
0x2a5: {  	s24 =	sadd.s32 $0x400, s22;
	s29 =	simm.s32 $0x4800  }
0x2a6: {  	[hbm4b:s24+s30] =	stream.linear.scatter [tilespmem:s29], [sflag:$0x3], $0x400, $0x38;
	[tilespmem:$0x13400] =	vst v63  }
0x2a7: {  	s31 =	sadd.s32 $0x800, s22;
	s0 =	simm.s32 $0x6800  }
0x2a8: {  	[hbm4b:s31+s30] =	stream.linear.scatter [tilespmem:s0], [sflag:$0x3], $0x400, $0x38;
	[tilespmem:$0x13400] =	vst v63  }
0x2a9: {  	s2 =	simm.s32 $0x8800;
	s9 =	rddreg [dreg:$0xe];
	s7 =	sadd.s32 $0xC00, s22  }
0x2aa: {  	[hbm4b:s7+s30] =	stream.linear.scatter [tilespmem:s2], [sflag:$0x3], $0x400, $0x38;
	[tilespmem:$0x13400] =	vst v63  }
0x2ab: {  	s17 =	sadd.s32 s8, s9;
	s18 =	simm.s32 $0x2C00  }
0x2ac: {  	[hbm4b:s17+s30] =	stream.linear.scatter [tilespmem:s18], [sflag:$0x3], $0x400, $0x38;
	[tilespmem:$0x13400] =	vst v63  }
0x2ad: {  	s19 =	sadd.s32 $0x400, s17;
	s20 =	simm.s32 $0x4C00  }
0x2ae: {  	[hbm4b:s19+s30] =	stream.linear.scatter [tilespmem:s20], [sflag:$0x3], $0x400, $0x38;
	[tilespmem:$0x13400] =	vst v63  }
0x2af: {  	s21 =	sadd.s32 $0x800, s17;
	s22 =	simm.s32 $0x6C00  }
0x2b0: {  	[hbm4b:s21+s30] =	stream.linear.scatter [tilespmem:s22], [sflag:$0x3], $0x400, $0x38;
	[tilespmem:$0x13400] =	vst v63  }
0x2b1: {  	s23 =	simm.s32 $0x8C00;
	s24 =	rddreg [dreg:$0xf];
	s7 =	sadd.s32 $0xC00, s17  }
0x2b2: {  	[hbm4b:s7+s30] =	stream.linear.scatter [tilespmem:s23], [sflag:$0x3], $0x400, $0x38;
	[tilespmem:$0x13400] =	vst v63  }
0x2b3: {  	s29 =	sadd.s32 s8, s24;
	s0 =	simm.s32 $0x3000  }
0x2b4: {  	[hbm4b:s29+s30] =	stream.linear.scatter [tilespmem:s0], [sflag:$0x3], $0x400, $0x38;
	[tilespmem:$0x13400] =	vst v63  }
0x2b5: {  	s8 =	sadd.s32 $0x400, s29;
	s31 =	simm.s32 $0x5000  }
0x2b6: {  	[hbm4b:s8+s30] =	stream.linear.scatter [tilespmem:s31], [sflag:$0x3], $0x400, $0x38;
	[tilespmem:$0x13400] =	vst v63  }
0x2b7: {  	[dreg:$0x17] =	wrdreg s4;
	s4 =	simm.s32 $0x7000;
	s2 =	sadd.s32 $0x800, s29  }
0x2b8: {  	[hbm4b:s2+s30] =	stream.linear.scatter [tilespmem:s4], [sflag:$0x3], $0x400, $0x38;
	[tilespmem:$0x13400] =	vst v63  }
0x2b9: {  	s9 =	simm.s32 $0x9000;
	s7 =	sadd.s32 $0xC00, s29  }
0x2ba: {  	[hbm4b:s7+s30] =	stream.linear.scatter [tilespmem:s9], [sflag:$0x3], $0x400, $0x38;
	[tilespmem:$0x13400] =	vst v63  }
0x2bb: {  	v23 =	vld [tilespmem:s26+$0x680];
	_ =	sdelay $0x4  }
0x2bc: {  	v24 =	vshll.u32 v23, $0x3  }
0x2bd: {  	v23 =	vand.u32 $0x7F, v23;
	v24 =	vand.u32 $0xFFFFFC00, v24  }
0x2be: {  	v23 =	vor.u32 v23, v24  }
0x2bf: {  	v23 =	vadd.s32 v7, v23;
	_ =	sdelay $0x3  }
0x2c0: {  	v62 =	vld [tilespmem:$0x1380]  }
0x2c1: {  	v23 =	vld.idx.msk [tilespmem:v23+s16+$0x0], $0xffff;
	_ =	sdelay $0x4  }
0x2c2: {  	v23 =	vsub.f32 v62, v23;
	_ =	sdelay $0x1  }
0x2c3: {  	[tilespmem:$0x1380] =	vst v23  }
0x2c4: {  	v63 =	vld [tilespmem:s26+$0x690];
	_ =	sdelay $0x4  }
0x2c5: {  	v25 =	vshll.u32 v63, $0x3  }
0x2c6: {  	v24 =	vand.u32 $0x7F, v63;
	v25 =	vand.u32 $0xFFFFFC00, v25  }
0x2c7: {  	v24 =	vor.u32 v24, v25  }
0x2c8: {  	v24 =	vadd.s32 v8, v24;
	_ =	sdelay $0x4  }
0x2c9: {  	v24 =	vld.idx.msk [tilespmem:v24+s16+$0x0], $0xffff;
	_ =	sdelay $0x4  }
0x2ca: {  	v23 =	vsub.f32 v23, v24;
	_ =	sdelay $0x1  }
0x2cb: {  	[tilespmem:$0x1380] =	vst v23  }
0x2cc: {  	_ =	swait.ge [sflag:s28], $0x1000  }
0x2cd: {  	[sflag:s28] =	ssyncset.done $0x0  }
0x2ce: {  	[sflag:s28] =	ssyncadd.s32 $0xFFFFF000  }
0x2cf: {  	_ =	swait.ge [sflag:s28], $0x1000  }
0x2d0: {  	[sflag:s28] =	ssyncset.done $0x0  }
0x2d1: {  	[sflag:s28] =	ssyncadd.s32 $0xFFFFF000  }
0x2d2: {  	_ =	swait.ge [sflag:s28], $0x1000  }
0x2d3: {  	[sflag:s28] =	ssyncset.done $0x0  }
0x2d4: {  	[sflag:s28] =	ssyncadd.s32 $0xFFFFF000  }
0x2d5: {  	_ =	swait.ge [sflag:s28], $0x1000  }
0x2d6: {  	[sflag:s28] =	ssyncset.done $0x0  }
0x2d7: {  	[sflag:s28] =	ssyncadd.s32 $0xFFFFF000  }
0x2d8: {  	_ =	swait.ge [sflag:s28], $0x1000  }
0x2d9: {  	[sflag:s28] =	ssyncset.done $0x0  }
0x2da: {  	[sflag:s28] =	ssyncadd.s32 $0xFFFFF000  }
0x2db: {  	_ =	swait.ge [sflag:s28], $0x1000  }
0x2dc: {  	[sflag:s28] =	ssyncset.done $0x0  }
0x2dd: {  	[sflag:s28] =	ssyncadd.s32 $0xFFFFF000  }
0x2de: {  	_ =	swait.ge [sflag:s28], $0x1000  }
0x2df: {  	[sflag:s28] =	ssyncset.done $0x0  }
0x2e0: {  	[sflag:s28] =	ssyncadd.s32 $0xFFFFF000  }
0x2e1: {  	_ =	swait.ge [sflag:s28], $0x1000  }
0x2e2: {  	[sflag:s28] =	ssyncset.done $0x0  }
0x2e3: {  	s17 =	simm.s32 $0x12430;
	[sflag:s28] =	ssyncadd.s32 $0xFFFFF000  }
0x2e4: {  	v23 =	vld [tilespmem:s17+$0xFFFFFFD0]  }
0x2e5: {  	s18 =	sand.u32 $0x7, s30  }
0x2e6: {  	s8 =	sshll.u32 s18, $0x7  }
0x2e7: {  	s8 =	sadd.s32 $0x0, s8  }
0x2e8: {  	s19 =	sor.u32 $0x1C00, s8  }
0x2e9: {  	[tilespmem:s19+$0x9400] =	vst v23  }
0x2ea: {  	v23 =	vld [tilespmem:s17+$0xFFFFFFE0];
	_ =	sdelay $0x3  }
0x2eb: {  	s20 =	sor.u32 $0x1C10, s8  }
0x2ec: {  	[tilespmem:s20+$0x9400] =	vst v23  }
0x2ed: {  	v23 =	vld [tilespmem:s17+$0xFFFFFFF0];
	_ =	sdelay $0x3  }
0x2ee: {  	s21 =	sor.u32 $0x1C20, s8  }
0x2ef: {  	[tilespmem:s21+$0x9400] =	vst v23  }
0x2f0: {  	v23 =	vld [tilespmem:s17+$0x0];
	_ =	sdelay $0x3  }
0x2f1: {  	s22 =	sor.u32 $0x1C30, s8  }
0x2f2: {  	[tilespmem:s22+$0x9400] =	vst v23  }
0x2f3: {  	v23 =	vld [tilespmem:s17+$0x10];
	_ =	sdelay $0x3  }
0x2f4: {  	s24 =	sor.u32 $0x1C40, s8  }
0x2f5: {  	[tilespmem:s24+$0x9400] =	vst v23  }
0x2f6: {  	v23 =	vld [tilespmem:s17+$0x20];
	_ =	sdelay $0x3  }
0x2f7: {  	s29 =	sor.u32 $0x1C50, s8  }
0x2f8: {  	[tilespmem:s29+$0x9400] =	vst v23  }
0x2f9: {  	v23 =	vld [tilespmem:s17+$0x28];
	_ =	sdelay $0x3  }
0x2fa: {  	s31 =	sor.u32 $0x1C58, s8  }
0x2fb: {  	s7 =	simm.s32 $0x124B0;
	[tilespmem:s31+$0x9400] =	vst v23  }
0x2fc: {  	s23 =	simm.s32 $0x100;
	s8 =	simm.s32 $0x1;
	v23 =	vld [tilespmem:s7+$0xFFFFFFD0]  }
.LBB2_5:
0x2fd: {  	p0 =	sne.s32 s23, $0xF80;
	s24 =	sand.u32 $0x7, s8  }
0x2fe: {  	s30 =	sadd.s32 $0x400, s30;
	s24 =	sshll.u32 s24, $0x7  }
0x2ff: {  	s24 =	sadd.s32 s24, s30  }
0x300: {  	s4 =	sor.u32 $0x1C00, s24  }
0x301: {  	[tilespmem:s4+$0x9400] =	vst v23  }
0x302: {  	v23 =	vld [tilespmem:s7+$0xFFFFFFE0];
	_ =	sdelay $0x3  }
0x303: {  	s4 =	sor.u32 $0x1C10, s24  }
0x304: {  	[tilespmem:s4+$0x9400] =	vst v23  }
0x305: {  	v23 =	vld [tilespmem:s7+$0xFFFFFFF0];
	_ =	sdelay $0x3  }
0x306: {  	s4 =	sor.u32 $0x1C20, s24  }
0x307: {  	[tilespmem:s4+$0x9400] =	vst v23  }
0x308: {  	v23 =	vld [tilespmem:s7+$0x0];
	_ =	sdelay $0x3  }
0x309: {  	s4 =	sor.u32 $0x1C30, s24  }
0x30a: {  	[tilespmem:s4+$0x9400] =	vst v23  }
0x30b: {  	v23 =	vld [tilespmem:s7+$0x10];
	_ =	sdelay $0x3  }
0x30c: {  	s4 =	sor.u32 $0x1C40, s24  }
0x30d: {  	[tilespmem:s4+$0x9400] =	vst v23  }
0x30e: {  	v23 =	vld [tilespmem:s7+$0x20];
	_ =	sdelay $0x3  }
0x30f: {  	s4 =	sor.u32 $0x1C50, s24  }
0x310: {  	[tilespmem:s4+$0x9400] =	vst v23  }
0x311: {  	v23 =	vld [tilespmem:s7+$0x28];
	_ =	sdelay $0x1  }
.Ltmp1:
0x312: {  	(pc) =	sbr.rel @p0 .LBB2_5-.Ltmp1, $4  }
0x313: {  	_ = 	snop  }
0x314: {  	s4 =	sor.u32 $0x1C58, s24  }
0x315: {  	s7 =	sadd.s32 $0x80, s7;
	[tilespmem:s4+$0x9400] =	vst v23  }
0x316: {  	s23 =	sadd.s32 $0x80, s23;
	s8 =	sadd.s32 $0x1, s8;
	v23 =	vld [tilespmem:s7+$0xFFFFFFD0]  }
0x317: {  	s4 =	sand.u32 $0x7, s8  }
0x318: {  	s21 =	sadd.s32 $0x400, s30;
	s4 =	sshll.u32 s4, $0x7  }
0x319: {  	s4 =	sadd.s32 s4, s21  }
0x31a: {  	s8 =	sor.u32 $0x1C00, s4  }
0x31b: {  	[tilespmem:s8+$0x9400] =	vst v23  }
0x31c: {  	v23 =	vld [tilespmem:s7+$0xFFFFFFE0];
	_ =	sdelay $0x3  }
0x31d: {  	s22 =	sor.u32 $0x1C10, s4  }
0x31e: {  	[tilespmem:s22+$0x9400] =	vst v23  }
0x31f: {  	v23 =	vld [tilespmem:s7+$0xFFFFFFF0];
	_ =	sdelay $0x3  }
0x320: {  	s23 =	sor.u32 $0x1C20, s4  }
0x321: {  	[tilespmem:s23+$0x9400] =	vst v23  }
0x322: {  	v23 =	vld [tilespmem:s7+$0x0];
	_ =	sdelay $0x3  }
0x323: {  	s24 =	sor.u32 $0x1C30, s4  }
0x324: {  	[tilespmem:s24+$0x9400] =	vst v23  }
0x325: {  	v23 =	vld [tilespmem:s7+$0x10];
	_ =	sdelay $0x3  }
0x326: {  	s0 =	sor.u32 $0x1C40, s4  }
0x327: {  	[tilespmem:s0+$0x9400] =	vst v23  }
0x328: {  	v23 =	vld [tilespmem:s7+$0x20];
	_ =	sdelay $0x3  }
0x329: {  	s2 =	sor.u32 $0x1C50, s4  }
0x32a: {  	[tilespmem:s2+$0x9400] =	vst v23  }
0x32b: {  	v23 =	vld [tilespmem:s7+$0x28]  }
0x32c: {  	s9 =	rddreg [dreg:$0xb]  }
0x32d: {  	s7 =	sadd.s32 s26, s9  }
0x32e: {  	s7 =	sshll.u32 s7, $0x7  }
0x32f: {  	s16 =	rddreg [dreg:$0x4];
	s4 =	sor.u32 $0x1C58, s4;
	s7 =	sadd.s32 $0x1000, s7  }
0x330: {  	s17 =	simm.s32 $0x9400;
	[tilespmem:s4+$0x9400] =	vst v23;
	s4 =	sadd.s32 s16, s7  }
0x331: {  	[hbm4b:s4+s3] =	stream.linear.scatter [tilespmem:s17], [sflag:$0x4], $0x400, $0x38;
	[tilespmem:$0x13400] =	vst v63  }
0x332: {  	s18 =	sadd.s32 $0x400, s4;
	s17 =	simm.s32 $0xB400  }
0x333: {  	[hbm4b:s18+s3] =	stream.linear.scatter [tilespmem:s17], [sflag:$0x4], $0x400, $0x38;
	[tilespmem:$0x13400] =	vst v63  }
0x334: {  	s30 =	simm.s32 $0xD400;
	s19 =	sadd.s32 $0x800, s4  }
0x335: {  	[hbm4b:s19+s3] =	stream.linear.scatter [tilespmem:s30], [sflag:$0x4], $0x400, $0x38;
	[tilespmem:$0x13400] =	vst v63  }
0x336: {  	s23 =	simm.s32 $0xF400;
	s4 =	sadd.s32 $0xC00, s4  }
0x337: {  	[hbm4b:s4+s3] =	stream.linear.scatter [tilespmem:s23], [sflag:$0x4], $0x400, $0x38;
	[tilespmem:$0x13400] =	vst v63  }
0x338: {  	s20 =	sadd.s32 s7, s6;
	s6 =	simm.s32 $0x9800  }
0x339: {  	[hbm4b:s20+s3] =	stream.linear.scatter [tilespmem:s6], [sflag:$0x4], $0x400, $0x38;
	[tilespmem:$0x13400] =	vst v63  }
0x33a: {  	s21 =	sadd.s32 $0x400, s20;
	s18 =	simm.s32 $0xB800  }
0x33b: {  	[hbm4b:s21+s3] =	stream.linear.scatter [tilespmem:s18], [sflag:$0x4], $0x400, $0x38;
	[tilespmem:$0x13400] =	vst v63  }
0x33c: {  	s22 =	sadd.s32 $0x800, s20;
	s16 =	simm.s32 $0xD800  }
0x33d: {  	[hbm4b:s22+s3] =	stream.linear.scatter [tilespmem:s16], [sflag:$0x4], $0x400, $0x38;
	[tilespmem:$0x13400] =	vst v63  }
0x33e: {  	s24 =	rddreg [dreg:$0x9];
	s19 =	simm.s32 $0xF800;
	s4 =	sadd.s32 $0xC00, s20  }
0x33f: {  	[hbm4b:s4+s3] =	stream.linear.scatter [tilespmem:s19], [sflag:$0x4], $0x400, $0x38;
	[tilespmem:$0x13400] =	vst v63  }
0x340: {  	s20 =	simm.s32 $0x9C00;
	s4 =	sadd.s32 s7, s24  }
0x341: {  	[hbm4b:s4+s3] =	stream.linear.scatter [tilespmem:s20], [sflag:$0x4], $0x400, $0x38;
	[tilespmem:$0x13400] =	vst v63  }
0x342: {  	s21 =	simm.s32 $0xBC00;
	s0 =	sadd.s32 $0x400, s4  }
0x343: {  	[hbm4b:s0+s3] =	stream.linear.scatter [tilespmem:s21], [sflag:$0x4], $0x400, $0x38;
	[tilespmem:$0x13400] =	vst v63  }
0x344: {  	s22 =	simm.s32 $0xDC00;
	s2 =	sadd.s32 $0x800, s4  }
0x345: {  	[hbm4b:s2+s3] =	stream.linear.scatter [tilespmem:s22], [sflag:$0x4], $0x400, $0x38;
	[tilespmem:$0x13400] =	vst v63  }
0x346: {  	s31 =	simm.s32 $0xFC00;
	s8 =	rddreg [dreg:$0xa];
	s4 =	sadd.s32 $0xC00, s4  }
0x347: {  	[hbm4b:s4+s3] =	stream.linear.scatter [tilespmem:s31], [sflag:$0x4], $0x400, $0x38;
	[tilespmem:$0x13400] =	vst v63  }
0x348: {  	s2 =	simm.s32 $0xA000;
	s4 =	sadd.s32 s7, s8  }
0x349: {  	[hbm4b:s4+s3] =	stream.linear.scatter [tilespmem:s2], [sflag:$0x4], $0x400, $0x38;
	[tilespmem:$0x13400] =	vst v63  }
0x34a: {  	s29 =	simm.s32 $0xC000;
	s9 =	sadd.s32 $0x400, s4  }
0x34b: {  	[hbm4b:s9+s3] =	stream.linear.scatter [tilespmem:s29], [sflag:$0x4], $0x400, $0x38;
	[tilespmem:$0x13400] =	vst v63  }
0x34c: {  	s0 =	simm.s32 $0xE000;
	s24 =	sadd.s32 $0x800, s4  }
0x34d: {  	[hbm4b:s24+s3] =	stream.linear.scatter [tilespmem:s0], [sflag:$0x4], $0x400, $0x38;
	[tilespmem:$0x13400] =	vst v63  }
0x34e: {  	s8 =	rddreg [dreg:$0xc];
	s4 =	sadd.s32 $0xC00, s4;
	s9 =	simm.s32 $0x10000  }
0x34f: {  	[hbm4b:s4+s3] =	stream.linear.scatter [tilespmem:s9], [sflag:$0x4], $0x400, $0x38;
	[tilespmem:$0x13400] =	vst v63  }
0x350: {  	s4 =	sadd.s32 s7, s8  }
0x351: {  	[hbm4b:s4+s3] =	stream.linear.scatter [tilespmem:s12], [sflag:$0x4], $0x400, $0x38;
	[tilespmem:$0x13400] =	vst v63  }
0x352: {  	s24 =	sadd.s32 $0x400, s4  }
0x353: {  	[hbm4b:s24+s3] =	stream.linear.scatter [tilespmem:s10], [sflag:$0x4], $0x400, $0x38;
	[tilespmem:$0x13400] =	vst v63  }
0x354: {  	s24 =	sadd.s32 $0x800, s4  }
0x355: {  	[hbm4b:s24+s3] =	stream.linear.scatter [tilespmem:s11], [sflag:$0x4], $0x400, $0x38;
	[tilespmem:$0x13400] =	vst v63  }
0x356: {  	s4 =	sadd.s32 $0xC00, s4;
	s10 =	rddreg [dreg:$0xd]  }
0x357: {  	[hbm4b:s4+s3] =	stream.linear.scatter [tilespmem:s13], [sflag:$0x4], $0x400, $0x38;
	[tilespmem:$0x13400] =	vst v63  }
0x358: {  	s24 =	simm.s32 $0xA800;
	s4 =	sadd.s32 s7, s10  }
0x359: {  	[hbm4b:s4+s3] =	stream.linear.scatter [tilespmem:s24], [sflag:$0x4], $0x400, $0x38;
	[tilespmem:$0x13400] =	vst v63  }
0x35a: {  	s13 =	simm.s32 $0xC800;
	s11 =	sadd.s32 $0x400, s4  }
0x35b: {  	[hbm4b:s11+s3] =	stream.linear.scatter [tilespmem:s13], [sflag:$0x4], $0x400, $0x38;
	[tilespmem:$0x13400] =	vst v63  }
0x35c: {  	s11 =	sadd.s32 $0x800, s4;
	s13 =	simm.s32 $0xE800  }
0x35d: {  	[hbm4b:s11+s3] =	stream.linear.scatter [tilespmem:s13], [sflag:$0x4], $0x400, $0x38;
	[tilespmem:$0x13400] =	vst v63  }
0x35e: {  	s10 =	rddreg [dreg:$0xe];
	s4 =	sadd.s32 $0xC00, s4  }
0x35f: {  	[hbm4b:s4+s3] =	stream.linear.scatter [tilespmem:s14], [sflag:$0x4], $0x400, $0x38;
	[tilespmem:$0x13400] =	vst v63  }
0x360: {  	s11 =	simm.s32 $0xAC00;
	s4 =	sadd.s32 s7, s10  }
0x361: {  	[hbm4b:s4+s3] =	stream.linear.scatter [tilespmem:s11], [sflag:$0x4], $0x400, $0x38;
	[tilespmem:$0x13400] =	vst v63  }
0x362: {  	s14 =	simm.s32 $0xCC00;
	s13 =	sadd.s32 $0x400, s4  }
0x363: {  	[hbm4b:s13+s3] =	stream.linear.scatter [tilespmem:s14], [sflag:$0x4], $0x400, $0x38;
	[tilespmem:$0x13400] =	vst v63  }
0x364: {  	s11 =	sadd.s32 $0x800, s4;
	s13 =	simm.s32 $0xEC00  }
0x365: {  	[hbm4b:s11+s3] =	stream.linear.scatter [tilespmem:s13], [sflag:$0x4], $0x400, $0x38;
	[tilespmem:$0x13400] =	vst v63  }
0x366: {  	s10 =	rddreg [dreg:$0xf];
	s4 =	sadd.s32 $0xC00, s4;
	s14 =	simm.s32 $0x10C00  }
0x367: {  	[hbm4b:s4+s3] =	stream.linear.scatter [tilespmem:s14], [sflag:$0x4], $0x400, $0x38;
	[tilespmem:$0x13400] =	vst v63  }
0x368: {  	s11 =	simm.s32 $0xB000;
	s4 =	sadd.s32 s7, s10  }
0x369: {  	[hbm4b:s4+s3] =	stream.linear.scatter [tilespmem:s11], [sflag:$0x4], $0x400, $0x38;
	[tilespmem:$0x13400] =	vst v63  }
0x36a: {  	s14 =	simm.s32 $0xD000;
	s13 =	sadd.s32 $0x400, s4  }
0x36b: {  	[hbm4b:s13+s3] =	stream.linear.scatter [tilespmem:s14], [sflag:$0x4], $0x400, $0x38;
	[tilespmem:$0x13400] =	vst v63  }
0x36c: {  	s10 =	sadd.s32 $0x800, s4;
	s11 =	simm.s32 $0xF000  }
0x36d: {  	[hbm4b:s10+s3] =	stream.linear.scatter [tilespmem:s11], [sflag:$0x4], $0x400, $0x38;
	[tilespmem:$0x13400] =	vst v63  }
0x36e: {  	s4 =	sadd.s32 $0xC00, s4;
	s13 =	simm.s32 $0x11000  }
0x36f: {  	[hbm4b:s4+s3] =	stream.linear.scatter [tilespmem:s13], [sflag:$0x4], $0x400, $0x38;
	[tilespmem:$0x13400] =	vst v63  }
0x370: {  	v23 =	vld [tilespmem:s26+$0x6A0];
	_ =	sdelay $0x4  }
0x371: {  	v24 =	vshll.u32 v23, $0x3  }
0x372: {  	v23 =	vand.u32 $0x7F, v23;
	v24 =	vand.u32 $0xFFFFFC00, v24  }
0x373: {  	v23 =	vor.u32 v23, v24  }
0x374: {  	v23 =	vadd.s32 v7, v23;
	_ =	sdelay $0x3  }
0x375: {  	s8 =	simm.s32 $0x9400;
	v62 =	vld [tilespmem:$0x1380]  }
0x376: {  	v23 =	vld.idx.msk [tilespmem:v23+s8+$0x0], $0xffff;
	_ =	sdelay $0x4  }
0x377: {  	v23 =	vsub.f32 v62, v23;
	_ =	sdelay $0x1  }
0x378: {  	[tilespmem:$0x1380] =	vst v23  }
0x379: {  	v63 =	vld [tilespmem:s26+$0x6B0];
	_ =	sdelay $0x4  }
0x37a: {  	v25 =	vshll.u32 v63, $0x3  }
0x37b: {  	v24 =	vand.u32 $0x7F, v63;
	v25 =	vand.u32 $0xFFFFFC00, v25  }
0x37c: {  	v24 =	vor.u32 v24, v25  }
0x37d: {  	v24 =	vadd.s32 v8, v24;
	_ =	sdelay $0x4  }
0x37e: {  	v24 =	vld.idx.msk [tilespmem:v24+s8+$0x0], $0xffff  }
0x37f: {  	s14 =	rddreg [dreg:$0x17]  }
0x380: {  	p0 =	seq.s32 s14, $0x18  }
.Ltmp2:
0x381: {  	_ = 	snop;
	(pc) =	sbr.rel @p0 .LBB2_8-.Ltmp2, $3  }
0x382: {  	_ = 	snop  }
0x383: {  	v23 =	vsub.f32 v23, v24;
	_ =	sdelay $0x1  }
0x384: {  	[tilespmem:$0x1380] =	vst v23  }
0x385: {  	_ =	swait.ge [sflag:s5], $0x1000  }
0x386: {  	[sflag:s5] =	ssyncset.done $0x0  }
0x387: {  	[sflag:s5] =	ssyncadd.s32 $0xFFFFF000  }
0x388: {  	_ =	swait.ge [sflag:s5], $0x1000  }
0x389: {  	[sflag:s5] =	ssyncset.done $0x0  }
0x38a: {  	[sflag:s5] =	ssyncadd.s32 $0xFFFFF000  }
0x38b: {  	_ =	swait.ge [sflag:s5], $0x1000  }
0x38c: {  	[sflag:s5] =	ssyncset.done $0x0  }
0x38d: {  	[sflag:s5] =	ssyncadd.s32 $0xFFFFF000  }
0x38e: {  	_ =	swait.ge [sflag:s5], $0x1000  }
0x38f: {  	[sflag:s5] =	ssyncset.done $0x0  }
0x390: {  	[sflag:s5] =	ssyncadd.s32 $0xFFFFF000  }
0x391: {  	_ =	swait.ge [sflag:s5], $0x1000  }
0x392: {  	[sflag:s5] =	ssyncset.done $0x0  }
0x393: {  	[sflag:s5] =	ssyncadd.s32 $0xFFFFF000  }
0x394: {  	_ =	swait.ge [sflag:s5], $0x1000  }
0x395: {  	[sflag:s5] =	ssyncset.done $0x0  }
0x396: {  	[sflag:s5] =	ssyncadd.s32 $0xFFFFF000  }
0x397: {  	_ =	swait.ge [sflag:s5], $0x1000  }
0x398: {  	[sflag:s5] =	ssyncset.done $0x0  }
0x399: {  	[sflag:s5] =	ssyncadd.s32 $0xFFFFF000  }
0x39a: {  	_ =	swait.ge [sflag:s5], $0x1000  }
0x39b: {  	[sflag:s5] =	ssyncset.done $0x0  }
0x39c: {  	s26 =	sand.u32 $0x3FFFFFC0, s26;
	[sflag:s5] =	ssyncadd.s32 $0xFFFFF000  }
0x39d: {  	v23 =	vld [tilespmem:s26+$0x40];
	_ =	sdelay $0x4  }
0x39e: {  	v24 =	vshll.u32 v23, $0x3  }
0x39f: {  	v23 =	vand.u32 $0x7, v23;
	v24 =	vand.u32 $0xFFFFFFC0, v24  }
0x3a0: {  	v23 =	vor.u32 v23, v24  }
0x3a1: {  	v24 =	vperm.xlane v23, v0;
	_ =	sdelay $0x1  }
0x3a2: {  	v23 =	vperm.xlane v23, v4;
	v24 =	vadd.s32 v2, v24;
	_ =	sdelay $0x1  }
0x3a3: {  	v23 =	vadd.s32 v2, v23;
	_ =	sdelay $0x1  }
0x3a4: {  	s4 =	simm.s32 $0x1400;
	s7 =	rddreg [dreg:$0x0]  }
0x3a5: {  	[tilespmem:s4], [sflag:$0x1] =	stream.indirect_vreg.gather [hbm4b:s7+s3], $0x80, v24, vm0, $0xb8;
	[tilespmem:$0x13400] =	vst v63  }
0x3a6: {  	s12 =	simm.s32 $0x3400  }
0x3a7: {  	[tilespmem:s12], [sflag:$0x1] =	stream.indirect_vreg.gather [hbm4b:s7+s3], $0x80, v23, vm0, $0xb8;
	[tilespmem:$0x13400] =	vst v63  }
0x3a8: {  	v23 =	vld [tilespmem:s26+$0x50];
	_ =	sdelay $0x4  }
0x3a9: {  	v35 =	vshll.u32 v23, $0x3  }
0x3aa: {  	v23 =	vand.u32 $0x7, v23;
	v24 =	vand.u32 $0xFFFFFFC0, v35  }
0x3ab: {  	v23 =	vor.u32 v23, v24  }
0x3ac: {  	v24 =	vperm.xlane v23, v0;
	_ =	sdelay $0x1  }
0x3ad: {  	v23 =	vperm.xlane v23, v4;
	v24 =	vadd.s32 v2, v24;
	_ =	sdelay $0x1  }
0x3ae: {  	v23 =	vadd.s32 v2, v23;
	_ =	sdelay $0x1  }
0x3af: {  	s13 =	simm.s32 $0x5400  }
0x3b0: {  	[tilespmem:s13], [sflag:$0x1] =	stream.indirect_vreg.gather [hbm4b:s7+s3], $0x80, v24, vm0, $0xb8;
	[tilespmem:$0x13400] =	vst v63  }
0x3b1: {  	s14 =	simm.s32 $0x7400  }
0x3b2: {  	[tilespmem:s14], [sflag:$0x1] =	stream.indirect_vreg.gather [hbm4b:s7+s3], $0x80, v23, vm0, $0xb8;
	[tilespmem:$0x13400] =	vst v63  }
0x3b3: {  	v23 =	vld [tilespmem:s26+$0x40];
	_ =	sdelay $0x4  }
0x3b4: {  	v36 =	vshll.u32 v23, $0x3  }
0x3b5: {  	v23 =	vand.u32 $0x7, v23;
	v24 =	vand.u32 $0xFFFFFFC0, v36  }
0x3b6: {  	v23 =	vor.u32 v23, v24  }
0x3b7: {  	v24 =	vperm.xlane v23, v0;
	_ =	sdelay $0x1  }
0x3b8: {  	v23 =	vperm.xlane v23, v4;
	v24 =	vadd.s32 v2, v24;
	_ =	sdelay $0x1  }
0x3b9: {  	v23 =	vadd.s32 v2, v23;
	_ =	sdelay $0x1  }
0x3ba: {  	s24 =	simm.s32 $0x1800;
	s10 =	rddreg [dreg:$0x10]  }
0x3bb: {  	[tilespmem:s24], [sflag:$0x1] =	stream.indirect_vreg.gather [hbm4b:s10+s3], $0x80, v24, vm0, $0xb8;
	[tilespmem:$0x13400] =	vst v63  }
0x3bc: {  	s11 =	simm.s32 $0x3800  }
0x3bd: {  	[tilespmem:s11], [sflag:$0x1] =	stream.indirect_vreg.gather [hbm4b:s10+s3], $0x80, v23, vm0, $0xb8;
	[tilespmem:$0x13400] =	vst v63  }
0x3be: {  	v23 =	vld [tilespmem:s26+$0x50];
	_ =	sdelay $0x4  }
0x3bf: {  	v37 =	vshll.u32 v23, $0x3  }
0x3c0: {  	v23 =	vand.u32 $0x7, v23;
	v24 =	vand.u32 $0xFFFFFFC0, v37  }
0x3c1: {  	v23 =	vor.u32 v23, v24  }
0x3c2: {  	v24 =	vperm.xlane v23, v0;
	_ =	sdelay $0x1  }
0x3c3: {  	v23 =	vperm.xlane v23, v4;
	v24 =	vadd.s32 v2, v24;
	_ =	sdelay $0x1  }
0x3c4: {  	v23 =	vadd.s32 v2, v23;
	_ =	sdelay $0x1  }
0x3c5: {  	s12 =	simm.s32 $0x5800  }
0x3c6: {  	[tilespmem:s12], [sflag:$0x1] =	stream.indirect_vreg.gather [hbm4b:s10+s3], $0x80, v24, vm0, $0xb8;
	[tilespmem:$0x13400] =	vst v63  }
0x3c7: {  	s13 =	simm.s32 $0x7800  }
0x3c8: {  	[tilespmem:s13], [sflag:$0x1] =	stream.indirect_vreg.gather [hbm4b:s10+s3], $0x80, v23, vm0, $0xb8;
	[tilespmem:$0x13400] =	vst v63  }
0x3c9: {  	v23 =	vld [tilespmem:s26+$0x40];
	_ =	sdelay $0x4  }
0x3ca: {  	v38 =	vshll.u32 v23, $0x3  }
0x3cb: {  	v23 =	vand.u32 $0x7, v23;
	v24 =	vand.u32 $0xFFFFFFC0, v38  }
0x3cc: {  	v23 =	vor.u32 v23, v24  }
0x3cd: {  	v24 =	vperm.xlane v23, v0;
	_ =	sdelay $0x1  }
0x3ce: {  	v23 =	vperm.xlane v23, v4;
	v24 =	vadd.s32 v2, v24;
	_ =	sdelay $0x1  }
0x3cf: {  	v23 =	vadd.s32 v2, v23;
	_ =	sdelay $0x1  }
0x3d0: {  	s14 =	simm.s32 $0x1C00;
	s11 =	rddreg [dreg:$0x11]  }
0x3d1: {  	[tilespmem:s14], [sflag:$0x1] =	stream.indirect_vreg.gather [hbm4b:s11+s3], $0x80, v24, vm0, $0xb8;
	[tilespmem:$0x13400] =	vst v63  }
0x3d2: {  	s24 =	simm.s32 $0x3C00  }
0x3d3: {  	[tilespmem:s24], [sflag:$0x1] =	stream.indirect_vreg.gather [hbm4b:s11+s3], $0x80, v23, vm0, $0xb8;
	[tilespmem:$0x13400] =	vst v63  }
0x3d4: {  	v23 =	vld [tilespmem:s26+$0x50];
	_ =	sdelay $0x4  }
0x3d5: {  	v39 =	vshll.u32 v23, $0x3  }
0x3d6: {  	v23 =	vand.u32 $0x7, v23;
	v24 =	vand.u32 $0xFFFFFFC0, v39  }
0x3d7: {  	v23 =	vor.u32 v23, v24  }
0x3d8: {  	v24 =	vperm.xlane v23, v0;
	_ =	sdelay $0x1  }
0x3d9: {  	v23 =	vperm.xlane v23, v4;
	v24 =	vadd.s32 v2, v24;
	_ =	sdelay $0x1  }
0x3da: {  	v23 =	vadd.s32 v2, v23;
	_ =	sdelay $0x1  }
0x3db: {  	s12 =	simm.s32 $0x5C00  }
0x3dc: {  	[tilespmem:s12], [sflag:$0x1] =	stream.indirect_vreg.gather [hbm4b:s11+s3], $0x80, v24, vm0, $0xb8;
	[tilespmem:$0x13400] =	vst v63  }
0x3dd: {  	s13 =	simm.s32 $0x7C00  }
0x3de: {  	[tilespmem:s13], [sflag:$0x1] =	stream.indirect_vreg.gather [hbm4b:s11+s3], $0x80, v23, vm0, $0xb8;
	[tilespmem:$0x13400] =	vst v63  }
0x3df: {  	v23 =	vld [tilespmem:s26+$0x40];
	_ =	sdelay $0x4  }
0x3e0: {  	v40 =	vshll.u32 v23, $0x3  }
0x3e1: {  	v23 =	vand.u32 $0x7, v23;
	v24 =	vand.u32 $0xFFFFFFC0, v40  }
0x3e2: {  	v23 =	vor.u32 v23, v24  }
0x3e3: {  	v24 =	vperm.xlane v23, v0;
	_ =	sdelay $0x1  }
0x3e4: {  	v23 =	vperm.xlane v23, v4;
	v24 =	vadd.s32 v2, v24;
	_ =	sdelay $0x1  }
0x3e5: {  	v23 =	vadd.s32 v2, v23;
	_ =	sdelay $0x1  }
0x3e6: {  	s14 =	simm.s32 $0x2000;
	s12 =	rddreg [dreg:$0x12]  }
0x3e7: {  	[tilespmem:s14], [sflag:$0x1] =	stream.indirect_vreg.gather [hbm4b:s12+s3], $0x80, v24, vm0, $0xb8;
	[tilespmem:$0x13400] =	vst v63  }
0x3e8: {  	s24 =	simm.s32 $0x4000  }
0x3e9: {  	[tilespmem:s24], [sflag:$0x1] =	stream.indirect_vreg.gather [hbm4b:s12+s3], $0x80, v23, vm0, $0xb8;
	[tilespmem:$0x13400] =	vst v63  }
0x3ea: {  	v23 =	vld [tilespmem:s26+$0x50];
	_ =	sdelay $0x4  }
0x3eb: {  	v41 =	vshll.u32 v23, $0x3  }
0x3ec: {  	v23 =	vand.u32 $0x7, v23;
	v24 =	vand.u32 $0xFFFFFFC0, v41  }
0x3ed: {  	v23 =	vor.u32 v23, v24  }
0x3ee: {  	v24 =	vperm.xlane v23, v0;
	_ =	sdelay $0x1  }
0x3ef: {  	v23 =	vperm.xlane v23, v4;
	v24 =	vadd.s32 v2, v24;
	_ =	sdelay $0x1  }
0x3f0: {  	v23 =	vadd.s32 v2, v23;
	_ =	sdelay $0x1  }
0x3f1: {  	s13 =	simm.s32 $0x6000  }
0x3f2: {  	[tilespmem:s13], [sflag:$0x1] =	stream.indirect_vreg.gather [hbm4b:s12+s3], $0x80, v24, vm0, $0xb8;
	[tilespmem:$0x13400] =	vst v63  }
0x3f3: {  	s14 =	simm.s32 $0x8000  }
0x3f4: {  	[tilespmem:s14], [sflag:$0x1] =	stream.indirect_vreg.gather [hbm4b:s12+s3], $0x80, v23, vm0, $0xb8;
	[tilespmem:$0x13400] =	vst v63  }
0x3f5: {  	v23 =	vld [tilespmem:s26+$0x40];
	_ =	sdelay $0x4  }
0x3f6: {  	v42 =	vshll.u32 v23, $0x3  }
0x3f7: {  	v23 =	vand.u32 $0x7, v23;
	v24 =	vand.u32 $0xFFFFFFC0, v42  }
0x3f8: {  	v23 =	vor.u32 v23, v24  }
0x3f9: {  	v24 =	vperm.xlane v23, v0;
	_ =	sdelay $0x1  }
0x3fa: {  	v23 =	vperm.xlane v23, v4;
	v24 =	vadd.s32 v2, v24;
	_ =	sdelay $0x1  }
0x3fb: {  	v23 =	vadd.s32 v2, v23;
	_ =	sdelay $0x1  }
0x3fc: {  	s24 =	simm.s32 $0x2400;
	s13 =	rddreg [dreg:$0x13]  }
0x3fd: {  	[tilespmem:s24], [sflag:$0x1] =	stream.indirect_vreg.gather [hbm4b:s13+s3], $0x80, v24, vm0, $0xb8;
	[tilespmem:$0x13400] =	vst v63  }
0x3fe: {  	s14 =	simm.s32 $0x4400  }
0x3ff: {  	[tilespmem:s14], [sflag:$0x1] =	stream.indirect_vreg.gather [hbm4b:s13+s3], $0x80, v23, vm0, $0xb8;
	[tilespmem:$0x13400] =	vst v63  }
0x400: {  	v23 =	vld [tilespmem:s26+$0x50];
	_ =	sdelay $0x4  }
0x401: {  	v43 =	vshll.u32 v23, $0x3  }
0x402: {  	v23 =	vand.u32 $0x7, v23;
	v24 =	vand.u32 $0xFFFFFFC0, v43  }
0x403: {  	v23 =	vor.u32 v23, v24  }
0x404: {  	v24 =	vperm.xlane v23, v0;
	_ =	sdelay $0x1  }
0x405: {  	v23 =	vperm.xlane v23, v4;
	v24 =	vadd.s32 v2, v24;
	_ =	sdelay $0x1  }
0x406: {  	v23 =	vadd.s32 v2, v23;
	_ =	sdelay $0x1  }
0x407: {  	s24 =	simm.s32 $0x6400  }
0x408: {  	[tilespmem:s24], [sflag:$0x1] =	stream.indirect_vreg.gather [hbm4b:s13+s3], $0x80, v24, vm0, $0xb8;
	[tilespmem:$0x13400] =	vst v63  }
0x409: {  	s14 =	simm.s32 $0x8400  }
0x40a: {  	[tilespmem:s14], [sflag:$0x1] =	stream.indirect_vreg.gather [hbm4b:s13+s3], $0x80, v23, vm0, $0xb8;
	[tilespmem:$0x13400] =	vst v63  }
0x40b: {  	v23 =	vld [tilespmem:s26+$0x40];
	_ =	sdelay $0x4  }
0x40c: {  	v44 =	vshll.u32 v23, $0x3  }
0x40d: {  	v23 =	vand.u32 $0x7, v23;
	v24 =	vand.u32 $0xFFFFFFC0, v44  }
0x40e: {  	v23 =	vor.u32 v23, v24  }
0x40f: {  	v24 =	vperm.xlane v23, v0;
	_ =	sdelay $0x1  }
0x410: {  	v23 =	vperm.xlane v23, v4;
	v24 =	vadd.s32 v2, v24;
	_ =	sdelay $0x1  }
0x411: {  	v23 =	vadd.s32 v2, v23;
	_ =	sdelay $0x1  }
0x412: {  	s24 =	simm.s32 $0x2800;
	s14 =	rddreg [dreg:$0x14]  }
0x413: {  	[tilespmem:s24], [sflag:$0x1] =	stream.indirect_vreg.gather [hbm4b:s14+s3], $0x80, v24, vm0, $0xb8;
	[tilespmem:$0x13400] =	vst v63  }
0x414: {  	s24 =	simm.s32 $0x4800  }
0x415: {  	[tilespmem:s24], [sflag:$0x1] =	stream.indirect_vreg.gather [hbm4b:s14+s3], $0x80, v23, vm0, $0xb8;
	[tilespmem:$0x13400] =	vst v63  }
0x416: {  	v23 =	vld [tilespmem:s26+$0x50];
	_ =	sdelay $0x4  }
0x417: {  	v45 =	vshll.u32 v23, $0x3  }
0x418: {  	v23 =	vand.u32 $0x7, v23;
	v24 =	vand.u32 $0xFFFFFFC0, v45  }
0x419: {  	v23 =	vor.u32 v23, v24  }
0x41a: {  	v24 =	vperm.xlane v23, v0;
	_ =	sdelay $0x1  }
0x41b: {  	v23 =	vperm.xlane v23, v4;
	v24 =	vadd.s32 v2, v24;
	_ =	sdelay $0x1  }
0x41c: {  	v23 =	vadd.s32 v2, v23;
	_ =	sdelay $0x1  }
0x41d: {  	s24 =	simm.s32 $0x6800  }
0x41e: {  	[tilespmem:s24], [sflag:$0x1] =	stream.indirect_vreg.gather [hbm4b:s14+s3], $0x80, v24, vm0, $0xb8;
	[tilespmem:$0x13400] =	vst v63  }
0x41f: {  	s24 =	simm.s32 $0x8800  }
0x420: {  	[tilespmem:s24], [sflag:$0x1] =	stream.indirect_vreg.gather [hbm4b:s14+s3], $0x80, v23, vm0, $0xb8;
	[tilespmem:$0x13400] =	vst v63  }
0x421: {  	v23 =	vld [tilespmem:s26+$0x40];
	_ =	sdelay $0x4  }
0x422: {  	v46 =	vshll.u32 v23, $0x3  }
0x423: {  	v23 =	vand.u32 $0x7, v23;
	v24 =	vand.u32 $0xFFFFFFC0, v46  }
0x424: {  	v23 =	vor.u32 v23, v24  }
0x425: {  	v24 =	vperm.xlane v23, v0;
	_ =	sdelay $0x1  }
0x426: {  	v23 =	vperm.xlane v23, v4;
	v24 =	vadd.s32 v2, v24;
	_ =	sdelay $0x1  }
0x427: {  	v23 =	vadd.s32 v2, v23;
	_ =	sdelay $0x1  }
0x428: {  	s4 =	simm.s32 $0x2C00;
	s24 =	rddreg [dreg:$0x15]  }
0x429: {  	[tilespmem:s4], [sflag:$0x1] =	stream.indirect_vreg.gather [hbm4b:s24+s3], $0x80, v24, vm0, $0xb8;
	[tilespmem:$0x13400] =	vst v63  }
0x42a: {  	s4 =	simm.s32 $0x4C00  }
0x42b: {  	[tilespmem:s4], [sflag:$0x1] =	stream.indirect_vreg.gather [hbm4b:s24+s3], $0x80, v23, vm0, $0xb8;
	[tilespmem:$0x13400] =	vst v63  }
0x42c: {  	v23 =	vld [tilespmem:s26+$0x50];
	_ =	sdelay $0x4  }
0x42d: {  	v47 =	vshll.u32 v23, $0x3  }
0x42e: {  	v23 =	vand.u32 $0x7, v23;
	v24 =	vand.u32 $0xFFFFFFC0, v47  }
0x42f: {  	v23 =	vor.u32 v23, v24  }
0x430: {  	v24 =	vperm.xlane v23, v0;
	_ =	sdelay $0x1  }
0x431: {  	v23 =	vperm.xlane v23, v4;
	v24 =	vadd.s32 v2, v24;
	_ =	sdelay $0x1  }
0x432: {  	v23 =	vadd.s32 v2, v23;
	_ =	sdelay $0x1  }
0x433: {  	s4 =	simm.s32 $0x6C00  }
0x434: {  	[tilespmem:s4], [sflag:$0x1] =	stream.indirect_vreg.gather [hbm4b:s24+s3], $0x80, v24, vm0, $0xb8;
	[tilespmem:$0x13400] =	vst v63  }
0x435: {  	s4 =	simm.s32 $0x8C00  }
0x436: {  	[tilespmem:s4], [sflag:$0x1] =	stream.indirect_vreg.gather [hbm4b:s24+s3], $0x80, v23, vm0, $0xb8;
	[tilespmem:$0x13400] =	vst v63  }
0x437: {  	v23 =	vld [tilespmem:s26+$0x40];
	_ =	sdelay $0x4  }
0x438: {  	v48 =	vshll.u32 v23, $0x3  }
0x439: {  	v23 =	vand.u32 $0x7, v23;
	v24 =	vand.u32 $0xFFFFFFC0, v48  }
0x43a: {  	v23 =	vor.u32 v23, v24  }
0x43b: {  	v24 =	vperm.xlane v23, v5;
	_ =	sdelay $0x1  }
0x43c: {  	v25 =	vperm.xlane v23, v9;
	v24 =	vadd.s32 v6, v24;
	_ =	sdelay $0x1  }
0x43d: {  	v26 =	vperm.xlane v23, v10;
	v25 =	vadd.s32 v6, v25;
	_ =	sdelay $0x1  }
0x43e: {  	s4 =	simm.s32 $0x11400;
	v27 =	vperm.xlane v23, v3;
	v26 =	vadd.s32 v6, v26  }
0x43f: {  	[tilespmem:s4], [sflag:$0x1] =	stream.indirect_vreg.gather [hbm4b:s15+s3], $0x80, v24, vm1, $0xb8;
	[tilespmem:$0x13400] =	vst v63  }
0x440: {  	v50 =	vperm.xlane v23, v11;
	v49 =	vadd.s32 v6, v27;
	s4 =	simm.s32 $0x11480  }
0x441: {  	[tilespmem:s4], [sflag:$0x1] =	stream.indirect_vreg.gather [hbm4b:s15+s3], $0x80, v25, vm1, $0xb8;
	[tilespmem:$0x13400] =	vst v63  }
0x442: {  	v52 =	vperm.xlane v23, v12;
	v51 =	vadd.s32 v6, v50;
	s4 =	simm.s32 $0x11500  }
0x443: {  	[tilespmem:s4], [sflag:$0x1] =	stream.indirect_vreg.gather [hbm4b:s15+s3], $0x80, v26, vm1, $0xb8;
	[tilespmem:$0x13400] =	vst v63  }
0x444: {  	v54 =	vperm.xlane v23, v13;
	v53 =	vadd.s32 v6, v52;
	s4 =	simm.s32 $0x11580  }
0x445: {  	[tilespmem:s4], [sflag:$0x1] =	stream.indirect_vreg.gather [hbm4b:s15+s3], $0x80, v49, vm1, $0xb8;
	[tilespmem:$0x13400] =	vst v63  }
0x446: {  	v56 =	vperm.xlane v23, v1;
	v55 =	vadd.s32 v6, v54;
	s4 =	simm.s32 $0x11600  }
0x447: {  	[tilespmem:s4], [sflag:$0x1] =	stream.indirect_vreg.gather [hbm4b:s15+s3], $0x80, v51, vm1, $0xb8;
	[tilespmem:$0x13400] =	vst v63  }
0x448: {  	v58 =	vperm.xlane v23, v14;
	v57 =	vadd.s32 v6, v56;
	s4 =	simm.s32 $0x11680  }
0x449: {  	[tilespmem:s4], [sflag:$0x1] =	stream.indirect_vreg.gather [hbm4b:s15+s3], $0x80, v53, vm1, $0xb8;
	[tilespmem:$0x13400] =	vst v63  }
0x44a: {  	v60 =	vperm.xlane v23, v15;
	v59 =	vadd.s32 v6, v58;
	s4 =	simm.s32 $0x11700  }
0x44b: {  	[tilespmem:s4], [sflag:$0x1] =	stream.indirect_vreg.gather [hbm4b:s15+s3], $0x80, v55, vm1, $0xb8;
	[tilespmem:$0x13400] =	vst v63  }
0x44c: {  	v62 =	vperm.xlane v23, v16;
	v61 =	vadd.s32 v6, v60;
	s4 =	simm.s32 $0x11780  }
0x44d: {  	[tilespmem:s4], [sflag:$0x1] =	stream.indirect_vreg.gather [hbm4b:s15+s3], $0x80, v57, vm1, $0xb8;
	[tilespmem:$0x13400] =	vst v63  }
0x44e: {  	v30 =	vperm.xlane v23, v17;
	v63 =	vadd.s32 v6, v62;
	s4 =	simm.s32 $0x11800  }
0x44f: {  	[tilespmem:s4], [sflag:$0x1] =	stream.indirect_vreg.gather [hbm4b:s15+s3], $0x80, v59, vm1, $0xb8;
	[tilespmem:$0x13400] =	vst v63  }
0x450: {  	v32 =	vperm.xlane v23, v18;
	v31 =	vadd.s32 v6, v30;
	s4 =	simm.s32 $0x11880  }
0x451: {  	[tilespmem:s4], [sflag:$0x1] =	stream.indirect_vreg.gather [hbm4b:s15+s3], $0x80, v61, vm1, $0xb8;
	[tilespmem:$0x13400] =	vst v63  }
0x452: {  	v34 =	vperm.xlane v23, v19;
	v33 =	vadd.s32 v6, v32;
	s4 =	simm.s32 $0x11900  }
0x453: {  	[tilespmem:s4], [sflag:$0x1] =	stream.indirect_vreg.gather [hbm4b:s15+s3], $0x80, v63, vm1, $0xb8;
	[tilespmem:$0x13400] =	vst v63  }
0x454: {  	v36 =	vperm.xlane v23, v20;
	v35 =	vadd.s32 v6, v34;
	s4 =	simm.s32 $0x11980  }
0x455: {  	[tilespmem:s4], [sflag:$0x1] =	stream.indirect_vreg.gather [hbm4b:s15+s3], $0x80, v31, vm1, $0xb8;
	[tilespmem:$0x13400] =	vst v63  }
0x456: {  	v23 =	vperm.xlane v23, v21;
	v37 =	vadd.s32 v6, v36;
	s4 =	simm.s32 $0x11A00  }
0x457: {  	[tilespmem:s4], [sflag:$0x1] =	stream.indirect_vreg.gather [hbm4b:s15+s3], $0x80, v33, vm1, $0xb8;
	[tilespmem:$0x13400] =	vst v63  }
0x458: {  	v23 =	vadd.s32 v6, v23;
	s4 =	simm.s32 $0x11A80  }
0x459: {  	[tilespmem:s4], [sflag:$0x1] =	stream.indirect_vreg.gather [hbm4b:s15+s3], $0x80, v35, vm1, $0xb8;
	[tilespmem:$0x13400] =	vst v63  }
0x45a: {  	s4 =	simm.s32 $0x11B00  }
0x45b: {  	[tilespmem:s4], [sflag:$0x1] =	stream.indirect_vreg.gather [hbm4b:s15+s3], $0x80, v37, vm1, $0xb8;
	[tilespmem:$0x13400] =	vst v63  }
0x45c: {  	s4 =	simm.s32 $0x11B80  }
0x45d: {  	[tilespmem:s4], [sflag:$0x1] =	stream.indirect_vreg.gather [hbm4b:s15+s3], $0x80, v23, vm1, $0xb8;
	[tilespmem:$0x13400] =	vst v63  }
0x45e: {  	v23 =	vld [tilespmem:s26+$0x50];
	_ =	sdelay $0x4  }
0x45f: {  	v38 =	vshll.u32 v23, $0x3  }
0x460: {  	v23 =	vand.u32 $0x7, v23;
	v24 =	vand.u32 $0xFFFFFFC0, v38  }
0x461: {  	v23 =	vor.u32 v23, v24  }
0x462: {  	v24 =	vperm.xlane v23, v5;
	_ =	sdelay $0x1  }
0x463: {  	v39 =	vperm.xlane v23, v9;
	v24 =	vadd.s32 v6, v24;
	_ =	sdelay $0x1  }
0x464: {  	v40 =	vperm.xlane v23, v10;
	v25 =	vadd.s32 v6, v39;
	_ =	sdelay $0x1  }
0x465: {  	s4 =	simm.s32 $0x11C00;
	v41 =	vperm.xlane v23, v3;
	v26 =	vadd.s32 v6, v40  }
0x466: {  	[tilespmem:s4], [sflag:$0x1] =	stream.indirect_vreg.gather [hbm4b:s15+s3], $0x80, v24, vm1, $0xb8;
	[tilespmem:$0x13400] =	vst v63  }
0x467: {  	v43 =	vperm.xlane v23, v11;
	v42 =	vadd.s32 v6, v41;
	s4 =	simm.s32 $0x11C80  }
0x468: {  	[tilespmem:s4], [sflag:$0x1] =	stream.indirect_vreg.gather [hbm4b:s15+s3], $0x80, v25, vm1, $0xb8;
	[tilespmem:$0x13400] =	vst v63  }
0x469: {  	v45 =	vperm.xlane v23, v12;
	v44 =	vadd.s32 v6, v43;
	s4 =	simm.s32 $0x11D00  }
0x46a: {  	[tilespmem:s4], [sflag:$0x1] =	stream.indirect_vreg.gather [hbm4b:s15+s3], $0x80, v26, vm1, $0xb8;
	[tilespmem:$0x13400] =	vst v63  }
0x46b: {  	v47 =	vperm.xlane v23, v13;
	v46 =	vadd.s32 v6, v45;
	s4 =	simm.s32 $0x11D80  }
0x46c: {  	[tilespmem:s4], [sflag:$0x1] =	stream.indirect_vreg.gather [hbm4b:s15+s3], $0x80, v42, vm1, $0xb8;
	[tilespmem:$0x13400] =	vst v63  }
0x46d: {  	v49 =	vperm.xlane v23, v1;
	v48 =	vadd.s32 v6, v47;
	s4 =	simm.s32 $0x11E00  }
0x46e: {  	[tilespmem:s4], [sflag:$0x1] =	stream.indirect_vreg.gather [hbm4b:s15+s3], $0x80, v44, vm1, $0xb8;
	[tilespmem:$0x13400] =	vst v63  }
0x46f: {  	v51 =	vperm.xlane v23, v14;
	v50 =	vadd.s32 v6, v49;
	s4 =	simm.s32 $0x11E80  }
0x470: {  	[tilespmem:s4], [sflag:$0x1] =	stream.indirect_vreg.gather [hbm4b:s15+s3], $0x80, v46, vm1, $0xb8;
	[tilespmem:$0x13400] =	vst v63  }
0x471: {  	v53 =	vperm.xlane v23, v15;
	v52 =	vadd.s32 v6, v51;
	s4 =	simm.s32 $0x11F00  }
0x472: {  	[tilespmem:s4], [sflag:$0x1] =	stream.indirect_vreg.gather [hbm4b:s15+s3], $0x80, v48, vm1, $0xb8;
	[tilespmem:$0x13400] =	vst v63  }
0x473: {  	v55 =	vperm.xlane v23, v16;
	v54 =	vadd.s32 v6, v53;
	s4 =	simm.s32 $0x11F80  }
0x474: {  	[tilespmem:s4], [sflag:$0x1] =	stream.indirect_vreg.gather [hbm4b:s15+s3], $0x80, v50, vm1, $0xb8;
	[tilespmem:$0x13400] =	vst v63  }
0x475: {  	v57 =	vperm.xlane v23, v17;
	v56 =	vadd.s32 v6, v55;
	s4 =	simm.s32 $0x12000  }
0x476: {  	[tilespmem:s4], [sflag:$0x1] =	stream.indirect_vreg.gather [hbm4b:s15+s3], $0x80, v52, vm1, $0xb8;
	[tilespmem:$0x13400] =	vst v63  }
0x477: {  	v59 =	vperm.xlane v23, v18;
	v58 =	vadd.s32 v6, v57;
	s4 =	simm.s32 $0x12080  }
0x478: {  	[tilespmem:s4], [sflag:$0x1] =	stream.indirect_vreg.gather [hbm4b:s15+s3], $0x80, v54, vm1, $0xb8;
	[tilespmem:$0x13400] =	vst v63  }
0x479: {  	v61 =	vperm.xlane v23, v19;
	v60 =	vadd.s32 v6, v59;
	s4 =	simm.s32 $0x12100  }
0x47a: {  	[tilespmem:s4], [sflag:$0x1] =	stream.indirect_vreg.gather [hbm4b:s15+s3], $0x80, v56, vm1, $0xb8;
	[tilespmem:$0x13400] =	vst v63  }
0x47b: {  	v63 =	vperm.xlane v23, v20;
	v62 =	vadd.s32 v6, v61;
	s4 =	simm.s32 $0x12180  }
0x47c: {  	[tilespmem:s4], [sflag:$0x1] =	stream.indirect_vreg.gather [hbm4b:s15+s3], $0x80, v58, vm1, $0xb8;
	[tilespmem:$0x13400] =	vst v63  }
0x47d: {  	v23 =	vperm.xlane v23, v21;
	v29 =	vadd.s32 v6, v63;
	s4 =	simm.s32 $0x12200  }
0x47e: {  	[tilespmem:s4], [sflag:$0x1] =	stream.indirect_vreg.gather [hbm4b:s15+s3], $0x80, v60, vm1, $0xb8;
	[tilespmem:$0x13400] =	vst v63  }
0x47f: {  	v23 =	vadd.s32 v6, v23;
	s4 =	simm.s32 $0x12280  }
0x480: {  	[tilespmem:s4], [sflag:$0x1] =	stream.indirect_vreg.gather [hbm4b:s15+s3], $0x80, v62, vm1, $0xb8;
	[tilespmem:$0x13400] =	vst v63  }
0x481: {  	s4 =	simm.s32 $0x12300  }
0x482: {  	[tilespmem:s4], [sflag:$0x1] =	stream.indirect_vreg.gather [hbm4b:s15+s3], $0x80, v29, vm1, $0xb8;
	[tilespmem:$0x13400] =	vst v63  }
0x483: {  	s4 =	simm.s32 $0x12380  }
0x484: {  	[tilespmem:s4], [sflag:$0x1] =	stream.indirect_vreg.gather [hbm4b:s15+s3], $0x80, v23, vm1, $0xb8;
	[tilespmem:$0x13400] =	vst v63  }
0x485: {  	s4 =	rddreg [dreg:$0x17];
	_ =	swait.ge [sflag:s1], $0x1000  }
0x486: {  	[sflag:s1] =	ssyncset.done $0x0  }
0x487: {  	[sflag:s1] =	ssyncadd.s32 $0xFFFFF000  }
0x488: {  	_ =	swait.ge [sflag:s1], $0x1000  }
0x489: {  	[sflag:s1] =	ssyncset.done $0x0  }
0x48a: {  	[sflag:s1] =	ssyncadd.s32 $0xFFFFF000  }
0x48b: {  	_ =	swait.ge [sflag:s1], $0x1000  }
0x48c: {  	[sflag:s1] =	ssyncset.done $0x0  }
0x48d: {  	[sflag:s1] =	ssyncadd.s32 $0xFFFFF000  }
0x48e: {  	_ =	swait.ge [sflag:s1], $0x1000  }
0x48f: {  	[sflag:s1] =	ssyncset.done $0x0  }
0x490: {  	[sflag:s1] =	ssyncadd.s32 $0xFFFFF000  }
0x491: {  	_ =	swait.ge [sflag:s1], $0x1000  }
0x492: {  	[sflag:s1] =	ssyncset.done $0x0  }
0x493: {  	[sflag:s1] =	ssyncadd.s32 $0xFFFFF000  }
0x494: {  	_ =	swait.ge [sflag:s1], $0x1000  }
0x495: {  	[sflag:s1] =	ssyncset.done $0x0  }
0x496: {  	[sflag:s1] =	ssyncadd.s32 $0xFFFFF000  }
0x497: {  	_ =	swait.ge [sflag:s1], $0x1000  }
0x498: {  	[sflag:s1] =	ssyncset.done $0x0  }
0x499: {  	[sflag:s1] =	ssyncadd.s32 $0xFFFFF000  }
0x49a: {  	_ =	swait.ge [sflag:s1], $0x1000  }
0x49b: {  	[sflag:s1] =	ssyncset.done $0x0  }
0x49c: {  	[sflag:s1] =	ssyncadd.s32 $0xFFFFF000  }
0x49d: {  	v23 =	vld [tilespmem:s26+$0x60];
	_ =	sdelay $0x4  }
0x49e: {  	v30 =	vshll.u32 v23, $0x3  }
0x49f: {  	v23 =	vand.u32 $0x7, v23;
	v24 =	vand.u32 $0xFFFFFFC0, v30  }
0x4a0: {  	v23 =	vor.u32 v23, v24  }
0x4a1: {  	v24 =	vperm.xlane v23, v0;
	_ =	sdelay $0x1  }
0x4a2: {  	v23 =	vperm.xlane v23, v4;
	v24 =	vadd.s32 v2, v24;
	_ =	sdelay $0x1  }
0x4a3: {  	v23 =	vadd.s32 v2, v23;
	_ =	sdelay $0x2  }
0x4a4: {  	[tilespmem:s8], [sflag:$0x2] =	stream.indirect_vreg.gather [hbm4b:s7+s3], $0x80, v24, vm0, $0xb8;
	[tilespmem:$0x13400] =	vst v63  }
0x4a5: {  	_ = 	snop  }
0x4a6: {  	[tilespmem:s17], [sflag:$0x2] =	stream.indirect_vreg.gather [hbm4b:s7+s3], $0x80, v23, vm0, $0xb8;
	[tilespmem:$0x13400] =	vst v63  }
0x4a7: {  	v23 =	vld [tilespmem:s26+$0x70];
	_ =	sdelay $0x4  }
0x4a8: {  	v31 =	vshll.u32 v23, $0x3  }
0x4a9: {  	v23 =	vand.u32 $0x7, v23;
	v24 =	vand.u32 $0xFFFFFFC0, v31  }
0x4aa: {  	v23 =	vor.u32 v23, v24  }
0x4ab: {  	v24 =	vperm.xlane v23, v0;
	_ =	sdelay $0x1  }
0x4ac: {  	v23 =	vperm.xlane v23, v4;
	v24 =	vadd.s32 v2, v24;
	_ =	sdelay $0x1  }
0x4ad: {  	v23 =	vadd.s32 v2, v23;
	_ =	sdelay $0x2  }
0x4ae: {  	[tilespmem:s30], [sflag:$0x2] =	stream.indirect_vreg.gather [hbm4b:s7+s3], $0x80, v24, vm0, $0xb8;
	[tilespmem:$0x13400] =	vst v63  }
0x4af: {  	_ = 	snop  }
0x4b0: {  	[tilespmem:s23], [sflag:$0x2] =	stream.indirect_vreg.gather [hbm4b:s7+s3], $0x80, v23, vm0, $0xb8;
	[tilespmem:$0x13400] =	vst v63  }
0x4b1: {  	v23 =	vld [tilespmem:s26+$0x60];
	_ =	sdelay $0x4  }
0x4b2: {  	v32 =	vshll.u32 v23, $0x3  }
0x4b3: {  	v23 =	vand.u32 $0x7, v23;
	v24 =	vand.u32 $0xFFFFFFC0, v32  }
0x4b4: {  	v23 =	vor.u32 v23, v24  }
0x4b5: {  	v24 =	vperm.xlane v23, v0;
	_ =	sdelay $0x1  }
0x4b6: {  	v23 =	vperm.xlane v23, v4;
	v24 =	vadd.s32 v2, v24;
	_ =	sdelay $0x1  }
0x4b7: {  	v23 =	vadd.s32 v2, v23;
	_ =	sdelay $0x2  }
0x4b8: {  	[tilespmem:s6], [sflag:$0x2] =	stream.indirect_vreg.gather [hbm4b:s10+s3], $0x80, v24, vm0, $0xb8;
	[tilespmem:$0x13400] =	vst v63  }
0x4b9: {  	_ = 	snop  }
0x4ba: {  	[tilespmem:s18], [sflag:$0x2] =	stream.indirect_vreg.gather [hbm4b:s10+s3], $0x80, v23, vm0, $0xb8;
	[tilespmem:$0x13400] =	vst v63  }
0x4bb: {  	v23 =	vld [tilespmem:s26+$0x70];
	_ =	sdelay $0x4  }
0x4bc: {  	v33 =	vshll.u32 v23, $0x3  }
0x4bd: {  	v23 =	vand.u32 $0x7, v23;
	v24 =	vand.u32 $0xFFFFFFC0, v33  }
0x4be: {  	v23 =	vor.u32 v23, v24  }
0x4bf: {  	v24 =	vperm.xlane v23, v0;
	_ =	sdelay $0x1  }
0x4c0: {  	v23 =	vperm.xlane v23, v4;
	v24 =	vadd.s32 v2, v24;
	_ =	sdelay $0x1  }
0x4c1: {  	v23 =	vadd.s32 v2, v23;
	_ =	sdelay $0x2  }
0x4c2: {  	[tilespmem:s16], [sflag:$0x2] =	stream.indirect_vreg.gather [hbm4b:s10+s3], $0x80, v24, vm0, $0xb8;
	[tilespmem:$0x13400] =	vst v63  }
0x4c3: {  	_ = 	snop  }
0x4c4: {  	[tilespmem:s19], [sflag:$0x2] =	stream.indirect_vreg.gather [hbm4b:s10+s3], $0x80, v23, vm0, $0xb8;
	[tilespmem:$0x13400] =	vst v63  }
0x4c5: {  	v23 =	vld [tilespmem:s26+$0x60];
	_ =	sdelay $0x4  }
0x4c6: {  	v34 =	vshll.u32 v23, $0x3  }
0x4c7: {  	v23 =	vand.u32 $0x7, v23;
	v24 =	vand.u32 $0xFFFFFFC0, v34  }
0x4c8: {  	v23 =	vor.u32 v23, v24  }
0x4c9: {  	v24 =	vperm.xlane v23, v0;
	_ =	sdelay $0x1  }
0x4ca: {  	v23 =	vperm.xlane v23, v4;
	v24 =	vadd.s32 v2, v24;
	_ =	sdelay $0x1  }
0x4cb: {  	v23 =	vadd.s32 v2, v23;
	_ =	sdelay $0x2  }
0x4cc: {  	[tilespmem:s20], [sflag:$0x2] =	stream.indirect_vreg.gather [hbm4b:s11+s3], $0x80, v24, vm0, $0xb8;
	[tilespmem:$0x13400] =	vst v63  }
0x4cd: {  	_ = 	snop  }
0x4ce: {  	[tilespmem:s21], [sflag:$0x2] =	stream.indirect_vreg.gather [hbm4b:s11+s3], $0x80, v23, vm0, $0xb8;
	[tilespmem:$0x13400] =	vst v63  }
0x4cf: {  	v23 =	vld [tilespmem:s26+$0x70];
	_ =	sdelay $0x4  }
0x4d0: {  	v35 =	vshll.u32 v23, $0x3  }
0x4d1: {  	v23 =	vand.u32 $0x7, v23;
	v24 =	vand.u32 $0xFFFFFFC0, v35  }
0x4d2: {  	v23 =	vor.u32 v23, v24  }
0x4d3: {  	v24 =	vperm.xlane v23, v0;
	_ =	sdelay $0x1  }
0x4d4: {  	v23 =	vperm.xlane v23, v4;
	v24 =	vadd.s32 v2, v24;
	_ =	sdelay $0x1  }
0x4d5: {  	v23 =	vadd.s32 v2, v23;
	_ =	sdelay $0x2  }
0x4d6: {  	[tilespmem:s22], [sflag:$0x2] =	stream.indirect_vreg.gather [hbm4b:s11+s3], $0x80, v24, vm0, $0xb8;
	[tilespmem:$0x13400] =	vst v63  }
0x4d7: {  	_ = 	snop  }
0x4d8: {  	[tilespmem:s31], [sflag:$0x2] =	stream.indirect_vreg.gather [hbm4b:s11+s3], $0x80, v23, vm0, $0xb8;
	[tilespmem:$0x13400] =	vst v63  }
0x4d9: {  	v23 =	vld [tilespmem:s26+$0x60];
	_ =	sdelay $0x4  }
0x4da: {  	v36 =	vshll.u32 v23, $0x3  }
0x4db: {  	v23 =	vand.u32 $0x7, v23;
	v24 =	vand.u32 $0xFFFFFFC0, v36  }
0x4dc: {  	v23 =	vor.u32 v23, v24  }
0x4dd: {  	v24 =	vperm.xlane v23, v0;
	_ =	sdelay $0x1  }
0x4de: {  	v23 =	vperm.xlane v23, v4;
	v24 =	vadd.s32 v2, v24;
	_ =	sdelay $0x1  }
0x4df: {  	v23 =	vadd.s32 v2, v23;
	_ =	sdelay $0x2  }
0x4e0: {  	[tilespmem:s2], [sflag:$0x2] =	stream.indirect_vreg.gather [hbm4b:s12+s3], $0x80, v24, vm0, $0xb8;
	[tilespmem:$0x13400] =	vst v63  }
0x4e1: {  	_ = 	snop  }
0x4e2: {  	[tilespmem:s29], [sflag:$0x2] =	stream.indirect_vreg.gather [hbm4b:s12+s3], $0x80, v23, vm0, $0xb8;
	[tilespmem:$0x13400] =	vst v63  }
0x4e3: {  	v23 =	vld [tilespmem:s26+$0x70];
	_ =	sdelay $0x4  }
0x4e4: {  	v37 =	vshll.u32 v23, $0x3  }
0x4e5: {  	v23 =	vand.u32 $0x7, v23;
	v24 =	vand.u32 $0xFFFFFFC0, v37  }
0x4e6: {  	v23 =	vor.u32 v23, v24  }
0x4e7: {  	v24 =	vperm.xlane v23, v0;
	_ =	sdelay $0x1  }
0x4e8: {  	v23 =	vperm.xlane v23, v4;
	v24 =	vadd.s32 v2, v24;
	_ =	sdelay $0x1  }
0x4e9: {  	v23 =	vadd.s32 v2, v23;
	_ =	sdelay $0x2  }
0x4ea: {  	[tilespmem:s0], [sflag:$0x2] =	stream.indirect_vreg.gather [hbm4b:s12+s3], $0x80, v24, vm0, $0xb8;
	[tilespmem:$0x13400] =	vst v63  }
0x4eb: {  	_ = 	snop  }
0x4ec: {  	[tilespmem:s9], [sflag:$0x2] =	stream.indirect_vreg.gather [hbm4b:s12+s3], $0x80, v23, vm0, $0xb8;
	[tilespmem:$0x13400] =	vst v63  }
0x4ed: {  	v23 =	vld [tilespmem:s26+$0x60];
	_ =	sdelay $0x4  }
0x4ee: {  	v38 =	vshll.u32 v23, $0x3  }
0x4ef: {  	v23 =	vand.u32 $0x7, v23;
	v24 =	vand.u32 $0xFFFFFFC0, v38  }
0x4f0: {  	v23 =	vor.u32 v23, v24  }
0x4f1: {  	v24 =	vperm.xlane v23, v0;
	_ =	sdelay $0x1  }
0x4f2: {  	v23 =	vperm.xlane v23, v4;
	v24 =	vadd.s32 v2, v24;
	_ =	sdelay $0x1  }
0x4f3: {  	v23 =	vadd.s32 v2, v23;
	_ =	sdelay $0x1  }
0x4f4: {  	s12 =	simm.s32 $0xA400  }
0x4f5: {  	[tilespmem:s12], [sflag:$0x2] =	stream.indirect_vreg.gather [hbm4b:s13+s3], $0x80, v24, vm0, $0xb8;
	[tilespmem:$0x13400] =	vst v63  }
0x4f6: {  	s10 =	simm.s32 $0xC400  }
0x4f7: {  	[tilespmem:s10], [sflag:$0x2] =	stream.indirect_vreg.gather [hbm4b:s13+s3], $0x80, v23, vm0, $0xb8;
	[tilespmem:$0x13400] =	vst v63  }
0x4f8: {  	v23 =	vld [tilespmem:s26+$0x70];
	_ =	sdelay $0x4  }
0x4f9: {  	v39 =	vshll.u32 v23, $0x3  }
0x4fa: {  	v23 =	vand.u32 $0x7, v23;
	v24 =	vand.u32 $0xFFFFFFC0, v39  }
0x4fb: {  	v23 =	vor.u32 v23, v24  }
0x4fc: {  	v24 =	vperm.xlane v23, v0;
	_ =	sdelay $0x1  }
0x4fd: {  	v23 =	vperm.xlane v23, v4;
	v24 =	vadd.s32 v2, v24;
	_ =	sdelay $0x1  }
0x4fe: {  	v23 =	vadd.s32 v2, v23;
	_ =	sdelay $0x1  }
0x4ff: {  	s11 =	simm.s32 $0xE400  }
0x500: {  	[tilespmem:s11], [sflag:$0x2] =	stream.indirect_vreg.gather [hbm4b:s13+s3], $0x80, v24, vm0, $0xb8;
	[tilespmem:$0x13400] =	vst v63  }
0x501: {  	s21 =	simm.s32 $0x10400  }
0x502: {  	[tilespmem:s21], [sflag:$0x2] =	stream.indirect_vreg.gather [hbm4b:s13+s3], $0x80, v23, vm0, $0xb8;
	[tilespmem:$0x13400] =	vst v63  }
0x503: {  	v23 =	vld [tilespmem:s26+$0x60];
	_ =	sdelay $0x4  }
0x504: {  	v40 =	vshll.u32 v23, $0x3  }
0x505: {  	v23 =	vand.u32 $0x7, v23;
	v24 =	vand.u32 $0xFFFFFFC0, v40  }
0x506: {  	v23 =	vor.u32 v23, v24  }
0x507: {  	v24 =	vperm.xlane v23, v0;
	_ =	sdelay $0x1  }
0x508: {  	v23 =	vperm.xlane v23, v4;
	v24 =	vadd.s32 v2, v24;
	_ =	sdelay $0x1  }
0x509: {  	v23 =	vadd.s32 v2, v23;
	_ =	sdelay $0x1  }
0x50a: {  	s22 =	simm.s32 $0xA800  }
0x50b: {  	[tilespmem:s22], [sflag:$0x2] =	stream.indirect_vreg.gather [hbm4b:s14+s3], $0x80, v24, vm0, $0xb8;
	[tilespmem:$0x13400] =	vst v63  }
0x50c: {  	s23 =	simm.s32 $0xC800  }
0x50d: {  	[tilespmem:s23], [sflag:$0x2] =	stream.indirect_vreg.gather [hbm4b:s14+s3], $0x80, v23, vm0, $0xb8;
	[tilespmem:$0x13400] =	vst v63  }
0x50e: {  	v23 =	vld [tilespmem:s26+$0x70];
	_ =	sdelay $0x4  }
0x50f: {  	v41 =	vshll.u32 v23, $0x3  }
0x510: {  	v23 =	vand.u32 $0x7, v23;
	v24 =	vand.u32 $0xFFFFFFC0, v41  }
0x511: {  	v23 =	vor.u32 v23, v24  }
0x512: {  	v24 =	vperm.xlane v23, v0;
	_ =	sdelay $0x1  }
0x513: {  	v23 =	vperm.xlane v23, v4;
	v24 =	vadd.s32 v2, v24;
	_ =	sdelay $0x1  }
0x514: {  	v23 =	vadd.s32 v2, v23;
	_ =	sdelay $0x1  }
0x515: {  	s29 =	simm.s32 $0xE800  }
0x516: {  	[tilespmem:s29], [sflag:$0x2] =	stream.indirect_vreg.gather [hbm4b:s14+s3], $0x80, v24, vm0, $0xb8;
	[tilespmem:$0x13400] =	vst v63  }
0x517: {  	s30 =	simm.s32 $0x10800  }
0x518: {  	[tilespmem:s30], [sflag:$0x2] =	stream.indirect_vreg.gather [hbm4b:s14+s3], $0x80, v23, vm0, $0xb8;
	[tilespmem:$0x13400] =	vst v63  }
0x519: {  	v23 =	vld [tilespmem:s26+$0x60];
	_ =	sdelay $0x4  }
0x51a: {  	v42 =	vshll.u32 v23, $0x3  }
0x51b: {  	v23 =	vand.u32 $0x7, v23;
	v24 =	vand.u32 $0xFFFFFFC0, v42  }
0x51c: {  	v23 =	vor.u32 v23, v24  }
0x51d: {  	v24 =	vperm.xlane v23, v0;
	_ =	sdelay $0x1  }
0x51e: {  	v23 =	vperm.xlane v23, v4;
	v24 =	vadd.s32 v2, v24;
	_ =	sdelay $0x1  }
0x51f: {  	v23 =	vadd.s32 v2, v23;
	_ =	sdelay $0x1  }
0x520: {  	s31 =	simm.s32 $0xAC00  }
0x521: {  	[tilespmem:s31], [sflag:$0x2] =	stream.indirect_vreg.gather [hbm4b:s24+s3], $0x80, v24, vm0, $0xb8;
	[tilespmem:$0x13400] =	vst v63  }
0x522: {  	s2 =	simm.s32 $0xCC00  }
0x523: {  	[tilespmem:s2], [sflag:$0x2] =	stream.indirect_vreg.gather [hbm4b:s24+s3], $0x80, v23, vm0, $0xb8;
	[tilespmem:$0x13400] =	vst v63  }
0x524: {  	v23 =	vld [tilespmem:s26+$0x70];
	_ =	sdelay $0x4  }
0x525: {  	v43 =	vshll.u32 v23, $0x3  }
0x526: {  	v23 =	vand.u32 $0x7, v23;
	v24 =	vand.u32 $0xFFFFFFC0, v43  }
0x527: {  	v23 =	vor.u32 v23, v24  }
0x528: {  	v24 =	vperm.xlane v23, v0;
	_ =	sdelay $0x1  }
0x529: {  	v23 =	vperm.xlane v23, v4;
	v24 =	vadd.s32 v2, v24;
	_ =	sdelay $0x1  }
0x52a: {  	v23 =	vadd.s32 v2, v23;
	_ =	sdelay $0x1  }
0x52b: {  	s6 =	simm.s32 $0xEC00  }
0x52c: {  	[tilespmem:s6], [sflag:$0x2] =	stream.indirect_vreg.gather [hbm4b:s24+s3], $0x80, v24, vm0, $0xb8;
	[tilespmem:$0x13400] =	vst v63  }
0x52d: {  	s7 =	simm.s32 $0x10C00  }
0x52e: {  	[tilespmem:s7], [sflag:$0x2] =	stream.indirect_vreg.gather [hbm4b:s24+s3], $0x80, v23, vm0, $0xb8;
	[tilespmem:$0x13400] =	vst v63  }
0x52f: {  	v23 =	vld [tilespmem:s26+$0x60];
	_ =	sdelay $0x4  }
0x530: {  	v44 =	vshll.u32 v23, $0x3  }
0x531: {  	v23 =	vand.u32 $0x7, v23;
	v24 =	vand.u32 $0xFFFFFFC0, v44  }
0x532: {  	v23 =	vor.u32 v23, v24  }
0x533: {  	v24 =	vperm.xlane v23, v5;
	_ =	sdelay $0x1  }
0x534: {  	v45 =	vperm.xlane v23, v9;
	v24 =	vadd.s32 v6, v24;
	_ =	sdelay $0x1  }
0x535: {  	v46 =	vperm.xlane v23, v10;
	v25 =	vadd.s32 v6, v45;
	_ =	sdelay $0x1  }
0x536: {  	s8 =	simm.s32 $0x12400;
	v47 =	vperm.xlane v23, v3;
	v26 =	vadd.s32 v6, v46  }
0x537: {  	[tilespmem:s8], [sflag:$0x2] =	stream.indirect_vreg.gather [hbm4b:s15+s3], $0x80, v24, vm1, $0xb8;
	[tilespmem:$0x13400] =	vst v63  }
0x538: {  	s9 =	simm.s32 $0x12480;
	v49 =	vperm.xlane v23, v11;
	v48 =	vadd.s32 v6, v47  }
0x539: {  	[tilespmem:s9], [sflag:$0x2] =	stream.indirect_vreg.gather [hbm4b:s15+s3], $0x80, v25, vm1, $0xb8;
	[tilespmem:$0x13400] =	vst v63  }
0x53a: {  	s16 =	simm.s32 $0x12500;
	v51 =	vperm.xlane v23, v12;
	v50 =	vadd.s32 v6, v49  }
0x53b: {  	[tilespmem:s16], [sflag:$0x2] =	stream.indirect_vreg.gather [hbm4b:s15+s3], $0x80, v26, vm1, $0xb8;
	[tilespmem:$0x13400] =	vst v63  }
0x53c: {  	s17 =	simm.s32 $0x12580;
	v53 =	vperm.xlane v23, v13;
	v52 =	vadd.s32 v6, v51  }
0x53d: {  	[tilespmem:s17], [sflag:$0x2] =	stream.indirect_vreg.gather [hbm4b:s15+s3], $0x80, v48, vm1, $0xb8;
	[tilespmem:$0x13400] =	vst v63  }
0x53e: {  	s18 =	simm.s32 $0x12600;
	v55 =	vperm.xlane v23, v1;
	v54 =	vadd.s32 v6, v53  }
0x53f: {  	[tilespmem:s18], [sflag:$0x2] =	stream.indirect_vreg.gather [hbm4b:s15+s3], $0x80, v50, vm1, $0xb8;
	[tilespmem:$0x13400] =	vst v63  }
0x540: {  	s19 =	simm.s32 $0x12680;
	v57 =	vperm.xlane v23, v14;
	v56 =	vadd.s32 v6, v55  }
0x541: {  	[tilespmem:s19], [sflag:$0x2] =	stream.indirect_vreg.gather [hbm4b:s15+s3], $0x80, v52, vm1, $0xb8;
	[tilespmem:$0x13400] =	vst v63  }
0x542: {  	s20 =	simm.s32 $0x12700;
	v59 =	vperm.xlane v23, v15;
	v58 =	vadd.s32 v6, v57  }
0x543: {  	[tilespmem:s20], [sflag:$0x2] =	stream.indirect_vreg.gather [hbm4b:s15+s3], $0x80, v54, vm1, $0xb8;
	[tilespmem:$0x13400] =	vst v63  }
0x544: {  	s21 =	simm.s32 $0x12780;
	v61 =	vperm.xlane v23, v16;
	v60 =	vadd.s32 v6, v59  }
0x545: {  	[tilespmem:s21], [sflag:$0x2] =	stream.indirect_vreg.gather [hbm4b:s15+s3], $0x80, v56, vm1, $0xb8;
	[tilespmem:$0x13400] =	vst v63  }
0x546: {  	s22 =	simm.s32 $0x12800;
	v63 =	vperm.xlane v23, v17;
	v62 =	vadd.s32 v6, v61  }
0x547: {  	[tilespmem:s22], [sflag:$0x2] =	stream.indirect_vreg.gather [hbm4b:s15+s3], $0x80, v58, vm1, $0xb8;
	[tilespmem:$0x13400] =	vst v63  }
0x548: {  	s23 =	simm.s32 $0x12880;
	v31 =	vperm.xlane v23, v18;
	v30 =	vadd.s32 v6, v63  }
0x549: {  	[tilespmem:s23], [sflag:$0x2] =	stream.indirect_vreg.gather [hbm4b:s15+s3], $0x80, v60, vm1, $0xb8;
	[tilespmem:$0x13400] =	vst v63  }
0x54a: {  	s24 =	simm.s32 $0x12900;
	v33 =	vperm.xlane v23, v19;
	v32 =	vadd.s32 v6, v31  }
0x54b: {  	[tilespmem:s24], [sflag:$0x2] =	stream.indirect_vreg.gather [hbm4b:s15+s3], $0x80, v62, vm1, $0xb8;
	[tilespmem:$0x13400] =	vst v63  }
0x54c: {  	s29 =	simm.s32 $0x12980;
	v35 =	vperm.xlane v23, v20;
	v34 =	vadd.s32 v6, v33  }
0x54d: {  	[tilespmem:s29], [sflag:$0x2] =	stream.indirect_vreg.gather [hbm4b:s15+s3], $0x80, v30, vm1, $0xb8;
	[tilespmem:$0x13400] =	vst v63  }
0x54e: {  	s30 =	simm.s32 $0x12A00;
	v23 =	vperm.xlane v23, v21;
	v36 =	vadd.s32 v6, v35  }
0x54f: {  	[tilespmem:s30], [sflag:$0x2] =	stream.indirect_vreg.gather [hbm4b:s15+s3], $0x80, v32, vm1, $0xb8;
	[tilespmem:$0x13400] =	vst v63  }
0x550: {  	s31 =	simm.s32 $0x12A80;
	v23 =	vadd.s32 v6, v23  }
0x551: {  	[tilespmem:s31], [sflag:$0x2] =	stream.indirect_vreg.gather [hbm4b:s15+s3], $0x80, v34, vm1, $0xb8;
	[tilespmem:$0x13400] =	vst v63  }
0x552: {  	s2 =	simm.s32 $0x12B00  }
0x553: {  	[tilespmem:s2], [sflag:$0x2] =	stream.indirect_vreg.gather [hbm4b:s15+s3], $0x80, v36, vm1, $0xb8;
	[tilespmem:$0x13400] =	vst v63  }
0x554: {  	s6 =	simm.s32 $0x12B80  }
0x555: {  	[tilespmem:s6], [sflag:$0x2] =	stream.indirect_vreg.gather [hbm4b:s15+s3], $0x80, v23, vm1, $0xb8;
	[tilespmem:$0x13400] =	vst v63  }
0x556: {  	v23 =	vld [tilespmem:s26+$0x70];
	_ =	sdelay $0x4  }
0x557: {  	v37 =	vshll.u32 v23, $0x3  }
0x558: {  	v23 =	vand.u32 $0x7, v23;
	v24 =	vand.u32 $0xFFFFFFC0, v37  }
0x559: {  	v23 =	vor.u32 v23, v24  }
0x55a: {  	v24 =	vperm.xlane v23, v5;
	_ =	sdelay $0x1  }
0x55b: {  	v38 =	vperm.xlane v23, v9;
	v24 =	vadd.s32 v6, v24;
	_ =	sdelay $0x1  }
0x55c: {  	v39 =	vperm.xlane v23, v10;
	v25 =	vadd.s32 v6, v38;
	_ =	sdelay $0x1  }
0x55d: {  	s7 =	simm.s32 $0x12C00;
	v40 =	vperm.xlane v23, v3;
	v26 =	vadd.s32 v6, v39  }
0x55e: {  	[tilespmem:s7], [sflag:$0x2] =	stream.indirect_vreg.gather [hbm4b:s15+s3], $0x80, v24, vm1, $0xb8;
	[tilespmem:$0x13400] =	vst v63  }
0x55f: {  	s8 =	simm.s32 $0x12C80;
	v42 =	vperm.xlane v23, v11;
	v41 =	vadd.s32 v6, v40  }
0x560: {  	[tilespmem:s8], [sflag:$0x2] =	stream.indirect_vreg.gather [hbm4b:s15+s3], $0x80, v25, vm1, $0xb8;
	[tilespmem:$0x13400] =	vst v63  }
0x561: {  	s9 =	simm.s32 $0x12D00;
	v44 =	vperm.xlane v23, v12;
	v43 =	vadd.s32 v6, v42  }
0x562: {  	[tilespmem:s9], [sflag:$0x2] =	stream.indirect_vreg.gather [hbm4b:s15+s3], $0x80, v26, vm1, $0xb8;
	[tilespmem:$0x13400] =	vst v63  }
0x563: {  	s16 =	simm.s32 $0x12D80;
	v46 =	vperm.xlane v23, v13;
	v45 =	vadd.s32 v6, v44  }
0x564: {  	[tilespmem:s16], [sflag:$0x2] =	stream.indirect_vreg.gather [hbm4b:s15+s3], $0x80, v41, vm1, $0xb8;
	[tilespmem:$0x13400] =	vst v63  }
0x565: {  	s17 =	simm.s32 $0x12E00;
	v48 =	vperm.xlane v23, v1;
	v47 =	vadd.s32 v6, v46  }
0x566: {  	[tilespmem:s17], [sflag:$0x2] =	stream.indirect_vreg.gather [hbm4b:s15+s3], $0x80, v43, vm1, $0xb8;
	[tilespmem:$0x13400] =	vst v63  }
0x567: {  	s18 =	simm.s32 $0x12E80;
	v50 =	vperm.xlane v23, v14;
	v49 =	vadd.s32 v6, v48  }
0x568: {  	[tilespmem:s18], [sflag:$0x2] =	stream.indirect_vreg.gather [hbm4b:s15+s3], $0x80, v45, vm1, $0xb8;
	[tilespmem:$0x13400] =	vst v63  }
0x569: {  	s19 =	simm.s32 $0x12F00;
	v52 =	vperm.xlane v23, v15;
	v51 =	vadd.s32 v6, v50  }
0x56a: {  	[tilespmem:s19], [sflag:$0x2] =	stream.indirect_vreg.gather [hbm4b:s15+s3], $0x80, v47, vm1, $0xb8;
	[tilespmem:$0x13400] =	vst v63  }
0x56b: {  	s20 =	simm.s32 $0x12F80;
	v54 =	vperm.xlane v23, v16;
	v53 =	vadd.s32 v6, v52  }
0x56c: {  	[tilespmem:s20], [sflag:$0x2] =	stream.indirect_vreg.gather [hbm4b:s15+s3], $0x80, v49, vm1, $0xb8;
	[tilespmem:$0x13400] =	vst v63  }
0x56d: {  	s21 =	simm.s32 $0x13000;
	v56 =	vperm.xlane v23, v17;
	v55 =	vadd.s32 v6, v54  }
0x56e: {  	[tilespmem:s21], [sflag:$0x2] =	stream.indirect_vreg.gather [hbm4b:s15+s3], $0x80, v51, vm1, $0xb8;
	[tilespmem:$0x13400] =	vst v63  }
0x56f: {  	s22 =	simm.s32 $0x13080;
	v58 =	vperm.xlane v23, v18;
	v57 =	vadd.s32 v6, v56  }
0x570: {  	[tilespmem:s22], [sflag:$0x2] =	stream.indirect_vreg.gather [hbm4b:s15+s3], $0x80, v53, vm1, $0xb8;
	[tilespmem:$0x13400] =	vst v63  }
0x571: {  	s23 =	simm.s32 $0x13100;
	v60 =	vperm.xlane v23, v19;
	v59 =	vadd.s32 v6, v58  }
0x572: {  	[tilespmem:s23], [sflag:$0x2] =	stream.indirect_vreg.gather [hbm4b:s15+s3], $0x80, v55, vm1, $0xb8;
	[tilespmem:$0x13400] =	vst v63  }
0x573: {  	s24 =	simm.s32 $0x13180;
	v61 =	vadd.s32 v6, v60  }
0x574: {  	v62 =	vperm.xlane v23, v20;
	[tilespmem:s24], [sflag:$0x2] =	stream.indirect_vreg.gather [hbm4b:s15+s3], $0x80, v57, vm1, $0xb8;
	[tilespmem:$0x13400] =	vst v63  }
0x575: {  	s26 =	simm.s32 $0x13200  }
0x576: {  	v23 =	vperm.xlane v23, v21;
	v63 =	vadd.s32 v6, v62;
	[tilespmem:s26], [sflag:$0x2] =	stream.indirect_vreg.gather [hbm4b:s15+s3], $0x80, v59, vm1, $0xb8;
	[tilespmem:$0x13400] =	vst v63  }
0x577: {  	s29 =	simm.s32 $0x13280  }
0x578: {  	v23 =	vadd.s32 v6, v23;
	[tilespmem:s29], [sflag:$0x2] =	stream.indirect_vreg.gather [hbm4b:s15+s3], $0x80, v61, vm1, $0xb8;
	[tilespmem:$0x13400] =	vst v63  }
.Ltmp3:
0x579: {  	_ = 	snop;
	(pc) =	sbr.rel .LBB2_2-.Ltmp3, $4  }
0x57a: {  	s4 =	sadd.s32 $0x1, s4;
	s13 =	simm.s32 $0x10400;
	s30 =	simm.s32 $0x13300  }
0x57b: {  	[tilespmem:s30], [sflag:$0x2] =	stream.indirect_vreg.gather [hbm4b:s15+s3], $0x80, v63, vm1, $0xb8;
	[tilespmem:$0x13400] =	vst v63  }
0x57c: {  	s14 =	simm.s32 $0x10800;
	s31 =	simm.s32 $0x13380;
	s6 =	rddreg [dreg:$0x18]  }
0x57d: {  	[tilespmem:s31], [sflag:$0x2] =	stream.indirect_vreg.gather [hbm4b:s15+s3], $0x80, v23, vm1, $0xb8;
	[tilespmem:$0x13400] =	vst v63  }
.LBB2_8:
0x57e: {  	s0 =	simm.s32 $0x5  }
0x57f: {  	_ =	swait.ge [sflag:s0], $0x50  }
0x580: {  	[sflag:s0] =	ssyncset.done $0x0  }
0x581: {  	[sflag:s0] =	ssyncadd.s32 $0xFFFFFFB0  }
0x582: {  	_ =	swait.ge [sflag:s0], $0x50  }
0x583: {  	[sflag:s0] =	ssyncset.done $0x0  }
0x584: {  	[sflag:s0] =	ssyncadd.s32 $0xFFFFFFB0  }
0x585: {  	_ =	swait.ge [sflag:s0], $0x50  }
0x586: {  	[sflag:s0] =	ssyncset.done $0x0  }
0x587: {  	[sflag:s0] =	ssyncadd.s32 $0xFFFFFFB0  }
0x588: {  	_ =	swait.ge [sflag:s0], $0x50  }
0x589: {  	[sflag:s0] =	ssyncset.done $0x0  }
0x58a: {  	[sflag:s0] =	ssyncadd.s32 $0xFFFFFFB0  }
0x58b: {  	_ =	swait.ge [sflag:s0], $0x50  }
0x58c: {  	[sflag:s0] =	ssyncset.done $0x0  }
0x58d: {  	[sflag:s0] =	ssyncadd.s32 $0xFFFFFFB0  }
0x58e: {  	_ =	swait.ge [sflag:s0], $0x50  }
0x58f: {  	[sflag:s0] =	ssyncset.done $0x0  }
0x590: {  	[sflag:s0] =	ssyncadd.s32 $0xFFFFFFB0  }
0x591: {  	_ =	swait.ge [sflag:s0], $0x50  }
0x592: {  	[sflag:s0] =	ssyncset.done $0x0  }
0x593: {  	[sflag:s0] =	ssyncadd.s32 $0xFFFFFFB0  }
0x594: {  	_ =	swait.ge [sflag:s0], $0x50  }
0x595: {  	[sflag:s0] =	ssyncset.done $0x0  }
0x596: {  	[sflag:s0] =	ssyncadd.s32 $0xFFFFFFB0  }
0x597: {  	_ =	swait.ge [sflag:s0], $0x50  }
0x598: {  	[sflag:s0] =	ssyncset.done $0x0  }
0x599: {  	[sflag:s0] =	ssyncadd.s32 $0xFFFFFFB0  }
0x59a: {  	_ =	swait.ge [sflag:s0], $0x50  }
0x59b: {  	[sflag:s0] =	ssyncset.done $0x0  }
0x59c: {  	[sflag:s0] =	ssyncadd.s32 $0xFFFFFFB0  }
0x59d: {  	_ =	swait.ge [sflag:s0], $0x50  }
0x59e: {  	[sflag:s0] =	ssyncset.done $0x0  }
0x59f: {  	[sflag:s0] =	ssyncadd.s32 $0xFFFFFFB0  }
0x5a0: {  	_ =	swait.ge [sflag:s0], $0x50  }
0x5a1: {  	[sflag:s0] =	ssyncset.done $0x0  }
0x5a2: {  	[sflag:s0] =	ssyncadd.s32 $0xFFFFFFB0  }
0x5a3: {  	_ =	swait.ge [sflag:s0], $0x50  }
0x5a4: {  	[sflag:s0] =	ssyncset.done $0x0  }
0x5a5: {  	[sflag:s0] =	ssyncadd.s32 $0xFFFFFFB0  }
0x5a6: {  	_ =	swait.ge [sflag:s0], $0x50  }
0x5a7: {  	[sflag:s0] =	ssyncset.done $0x0  }
0x5a8: {  	[sflag:s0] =	ssyncadd.s32 $0xFFFFFFB0  }
0x5a9: {  	_ =	swait.ge [sflag:s0], $0x50  }
0x5aa: {  	[sflag:s0] =	ssyncset.done $0x0  }
0x5ab: {  	[sflag:s0] =	ssyncadd.s32 $0xFFFFFFB0  }
0x5ac: {  	_ =	swait.ge [sflag:s0], $0x50  }
0x5ad: {  	[sflag:s0] =	ssyncset.done $0x0  }
0x5ae: {  	[sflag:s0] =	ssyncadd.s32 $0xFFFFFFB0  }
0x5af: {  	_ =	swait.ge [sflag:s0], $0x50  }
0x5b0: {  	[sflag:s0] =	ssyncset.done $0x0  }
0x5b1: {  	[sflag:s0] =	ssyncadd.s32 $0xFFFFFFB0  }
0x5b2: {  	_ =	swait.ge [sflag:s0], $0x50  }
0x5b3: {  	[sflag:s0] =	ssyncset.done $0x0  }
0x5b4: {  	[sflag:s0] =	ssyncadd.s32 $0xFFFFFFB0  }
0x5b5: {  	_ =	swait.ge [sflag:s0], $0x50  }
0x5b6: {  	[sflag:s0] =	ssyncset.done $0x0  }
0x5b7: {  	[sflag:s0] =	ssyncadd.s32 $0xFFFFFFB0  }
0x5b8: {  	_ =	swait.ge [sflag:s0], $0x50  }
0x5b9: {  	[sflag:s0] =	ssyncset.done $0x0  }
0x5ba: {  	[sflag:s0] =	ssyncadd.s32 $0xFFFFFFB0  }
0x5bb: {  	s7 =	simm.s32 $0x0;
	s0 =	simm.s32 $0x40;
	v23 =	vld [tilespmem:$0x1380]  }
.LBB2_9:
0x5bc: {  	p0 =	sne.s32 s0, $0x18C0;
	v24 =	vld [tilespmem:s7+$0xD00];
	_ =	sdelay $0x2  }
.Ltmp4:
0x5bd: {  	(pc) =	sbr.rel @p0 .LBB2_9-.Ltmp4, $3  }
0x5be: {  	_ = 	snop  }
0x5bf: {  	v23 =	vadd.f32 v24, v23;
	_ =	sdelay $0x1  }
0x5c0: {  	s7 =	sshra.s32 s0, $0x2;
	s0 =	sadd.s32 $0x40, s0;
	[tilespmem:$0x1380] =	vst v23  }
0x5c1: {  	v24 =	vld [tilespmem:s7+$0xD00];
	_ =	sdelay $0x4  }
0x5c2: {  	v23 =	vadd.f32 v24, v23;
	_ =	sdelay $0x1  }
0x5c3: {  	s0 =	rddreg [dreg:$0x7];
	s2 =	simm.s32 $0x1380;
	s4 =	simm.s32 $0x6;
	[tilespmem:$0x1380] =	vst v23  }
0x5c4: {  	[hbm4b:s0+s3] =	stream.linear.scatter [tilespmem:s2], [sflag:$0x6], $0x80, $0x38;
	[tilespmem:$0x13400] =	vst v63  }
0x5c5: {  	_ =	swait.ge [sflag:s4], $0x80  }
0x5c6: {  	[sflag:s4] =	ssyncset.done $0x0  }
0x5c7: {  	[sflag:s4] =	ssyncadd.s32 $0xFFFFFF80  }
0x5c8: {  	_ =	swait.ge [sflag:s5], $0x1000  }
0x5c9: {  	[sflag:s5] =	ssyncset.done $0x0  }
0x5ca: {  	[sflag:s5] =	ssyncadd.s32 $0xFFFFF000  }
0x5cb: {  	_ =	swait.ge [sflag:s5], $0x1000  }
0x5cc: {  	[sflag:s5] =	ssyncset.done $0x0  }
0x5cd: {  	[sflag:s5] =	ssyncadd.s32 $0xFFFFF000  }
0x5ce: {  	_ =	swait.ge [sflag:s5], $0x1000  }
0x5cf: {  	[sflag:s5] =	ssyncset.done $0x0  }
0x5d0: {  	[sflag:s5] =	ssyncadd.s32 $0xFFFFF000  }
0x5d1: {  	_ =	swait.ge [sflag:s5], $0x1000  }
0x5d2: {  	[sflag:s5] =	ssyncset.done $0x0  }
0x5d3: {  	[sflag:s5] =	ssyncadd.s32 $0xFFFFF000  }
0x5d4: {  	_ =	swait.ge [sflag:s5], $0x1000  }
0x5d5: {  	[sflag:s5] =	ssyncset.done $0x0  }
0x5d6: {  	[sflag:s5] =	ssyncadd.s32 $0xFFFFF000  }
0x5d7: {  	_ =	swait.ge [sflag:s5], $0x1000  }
0x5d8: {  	[sflag:s5] =	ssyncset.done $0x0  }
0x5d9: {  	[sflag:s5] =	ssyncadd.s32 $0xFFFFF000  }
0x5da: {  	_ =	swait.ge [sflag:s5], $0x1000  }
0x5db: {  	[sflag:s5] =	ssyncset.done $0x0  }
0x5dc: {  	[sflag:s5] =	ssyncadd.s32 $0xFFFFF000  }
0x5dd: {  	_ =	swait.ge [sflag:s5], $0x1000  }
0x5de: {  	[sflag:s5] =	ssyncset.done $0x0  }
0x5df: {  	[sflag:s5] =	ssyncadd.s32 $0xFFFFF000  }
0x5e0: {  	_ =	swait.ge [sflag:s1], $0x1000  }
0x5e1: {  	[sflag:s1] =	ssyncset.done $0x0  }
0x5e2: {  	[sflag:s1] =	ssyncadd.s32 $0xFFFFF000  }
0x5e3: {  	_ =	swait.ge [sflag:s1], $0x1000  }
0x5e4: {  	[sflag:s1] =	ssyncset.done $0x0  }
0x5e5: {  	[sflag:s1] =	ssyncadd.s32 $0xFFFFF000  }
0x5e6: {  	_ =	swait.ge [sflag:s1], $0x1000  }
0x5e7: {  	[sflag:s1] =	ssyncset.done $0x0  }
0x5e8: {  	[sflag:s1] =	ssyncadd.s32 $0xFFFFF000  }
0x5e9: {  	_ =	swait.ge [sflag:s1], $0x1000  }
0x5ea: {  	[sflag:s1] =	ssyncset.done $0x0  }
0x5eb: {  	[sflag:s1] =	ssyncadd.s32 $0xFFFFF000  }
0x5ec: {  	_ =	swait.ge [sflag:s1], $0x1000  }
0x5ed: {  	[sflag:s1] =	ssyncset.done $0x0  }
0x5ee: {  	[sflag:s1] =	ssyncadd.s32 $0xFFFFF000  }
0x5ef: {  	_ =	swait.ge [sflag:s1], $0x1000  }
0x5f0: {  	[sflag:s1] =	ssyncset.done $0x0  }
0x5f1: {  	[sflag:s1] =	ssyncadd.s32 $0xFFFFF000  }
0x5f2: {  	_ =	swait.ge [sflag:s1], $0x1000  }
0x5f3: {  	[sflag:s1] =	ssyncset.done $0x0  }
0x5f4: {  	[sflag:s1] =	ssyncadd.s32 $0xFFFFF000  }
0x5f5: {  	_ =	swait.ge [sflag:s1], $0x1000  }
0x5f6: {  	s26 =	rddreg [dreg:$0x16]  }
0x5f7: {  	s31 =	rddreg [dreg:$0x8];
	s2 =	sadd.s32 $0x1, s26  }
0x5f8: {  	p0 =	sne.s32 s2, s31  }
.Ltmp5:
0x5f9: {  	s17 =	simm.s32 $0xB800;
	s18 =	simm.s32 $0xD800;
	(pc) =	sbr.rel @p0 .LBB2_1-.Ltmp5, $4  }
0x5fa: {  	s16 =	simm.s32 $0xF800;
	s19 =	simm.s32 $0x9C00;
	s20 =	simm.s32 $0xBC00  }
0x5fb: {  	s21 =	simm.s32 $0xDC00;
	s22 =	simm.s32 $0xFC00;
	s29 =	simm.s32 $0xE000  }
0x5fc: {  	s30 =	simm.s32 $0xF400;
	s23 =	simm.s32 $0xB400;
	[sflag:s1] =	ssyncset.done $0x0  }
0x5fd: {  	s6 =	rddreg [dreg:$0x18];
	[sflag:s1] =	ssyncadd.s32 $0xFFFFF000;
	s26 =	simm.s32 $0x9800  }
0x5fe: {  	_ =	sfence.sel $0x180000  }
0x5ff: {  	[bflag:$0x0] =	sbarrier.arrive $0xFFFF  }
0x600: {  	_ =	strace $0x90000047  }
0x601: {  	s0 =	stileid.u32;
	[bflag:$0x2] =	sbarrier.arrive $0xFFFF  }
0x602: {  	p0 =	sne.s32 s0, $0x0;
	s0 =	rddreg [dreg:$0x2]  }
0x603: {  	s0 =	sadd.s32 @!p0 $0x100000, s0  }
0x604: {  	[sflag:s0] =	ssyncadd.tile.s32 @!p0 $0x1;
	_ =	shalt  }
.Lfunc_end2:
_tile_overlayer_lowered:
.L_overlay_start_2:
0x605: {  	(tag) =	ssettag $0x2  }
0x606: {  	s0 =	rddreg [dreg:$0x0];
	s2 =	stileid.u32  }
0x607: {  	s1 =	rddreg [dreg:$0x1];
	p0 =	sne.s32 s2, $0x0  }
0x608: {  	s3 =	rddreg [dreg:$0x2];
	[bflag:$0x3] =	sbarrier.arrive $0xFFFF;
	s2 =	simm.s32 @!p0 $0x1C06  }
0x609: {  	[timem:s3], [sflag:s2] =	dma.local @!p0 [hbm:s0], s1  }
0x60a: {  	s0 =	simm.s32 @!p0 $0x6  }
0x60b: {  	_ =	swait.ge @!p0 [sflag:s0], s1  }
0x60c: {  	s1 =	ssub.s32 @!p0 $0x0, s1;
	[sflag:s0] =	ssyncset.done @!p0 $0x0  }
0x60d: {  	[sflag:s0] =	ssyncadd.s32 @!p0 s1  }
0x60e: {  	[bflag:$0x3] =	sbarrier.arrive $0xFFFF  }
0x60f: {  	_ =	shalt  }

</sc_bundles>
